<compile_context>
chip_gen: v7x
topology: tpu7x:2x2x1
jax: 0.10.2.dev20260603
libtpu: 0.0.44.dev20260713+nightly
codegen_flags: <defaults>
</compile_context>

<pallas_src>
import functools

import jax
import jax.numpy as jnp
from jax import lax
from jax.experimental import pallas as pl
from jax.experimental.pallas import tpu as pltpu
from jax.experimental.pallas import tpu_sc as plsc

NUM_ROWS = 128
ROW_LEN = 100000
LANES = 16
NUM_CORES = 2
NUM_SUBCORES = 16
NUM_WORKERS = NUM_CORES * NUM_SUBCORES
GROUPS = NUM_ROWS // LANES
STRIPE = 3128
CHUNK_V = 184
CHUNKS = STRIPE // CHUNK_V
LAST_STRIPE_BASE = ROW_LEN - STRIPE

_NEG_INF = float("-inf")


def _consume_chunk(buf_ref, idx_base, carry):

    def body(j, c):
        ms, its = c
        ms, its = list(ms), list(its)
        it_vec = jnp.broadcast_to(idx_base + j, (LANES,)).astype(jnp.int32)
        for g in range(GROUPS):
            v = buf_ref[j, pl.ds(g * LANES, LANES)]
            cmp = v > ms[g]
            ms[g] = jnp.maximum(ms[g], v)
            its[g] = jnp.where(cmp, it_vec, its[g])
        return tuple(ms), tuple(its)

    return lax.fori_loop(0, CHUNK_V, body, carry)


def _build_sc_call():
    mesh = plsc.VectorSubcoreMesh(core_axis_name="c", subcore_axis_name="s",
                                  num_cores=NUM_CORES,
                                  num_subcores=NUM_SUBCORES)

    @functools.partial(
        pl.kernel,
        out_type=(
            jax.ShapeDtypeStruct((NUM_CORES * GROUPS, LANES), jnp.float32),
            jax.ShapeDtypeStruct((NUM_CORES * GROUPS, LANES), jnp.int32),
            jax.ShapeDtypeStruct((NUM_WORKERS, GROUPS, LANES), jnp.float32),
            jax.ShapeDtypeStruct((NUM_WORKERS, GROUPS, LANES), jnp.int32),
        ),
        mesh=mesh,
        scratch_types=[
            pltpu.VMEM((CHUNK_V, NUM_ROWS), jnp.float32),
            pltpu.VMEM((CHUNK_V, NUM_ROWS), jnp.float32),
            pltpu.VMEM((CHUNK_V, NUM_ROWS), jnp.float32),
            pltpu.VMEM((CHUNK_V, NUM_ROWS), jnp.float32),
            pltpu.VMEM((GROUPS, LANES), jnp.float32),
            pltpu.VMEM((GROUPS, LANES), jnp.int32),
            pltpu.VMEM((NUM_SUBCORES, GROUPS, LANES), jnp.float32),
            pltpu.VMEM((NUM_SUBCORES, GROUPS, LANES), jnp.int32),
            pltpu.VMEM((LANES,), jnp.int32),
            pltpu.VMEM((LANES,), jnp.int32),
            pltpu.VMEM((LANES,), jnp.float32),
            pltpu.SemaphoreType.DMA,
            pltpu.SemaphoreType.DMA,
            pltpu.SemaphoreType.DMA,
            pltpu.SemaphoreType.DMA,
            pltpu.SemaphoreType.DMA,
        ],
    )
    def sc_kernel(yt_hbm, table_hbm, out_val_hbm, out_word_hbm,
                  stage_val_hbm, stage_idx_hbm,
                  buf0, buf1, buf2, buf3, cand_val, cand_idx,
                  merge_val, merge_idx,
                  idx_buf, word_buf, val_buf,
                  sem0, sem1, sem2, sem3, gsem):
        core = lax.axis_index("c")
        sub = lax.axis_index("s")
        stripe_rank = core * NUM_SUBCORES + sub
        sb = jnp.minimum(stripe_rank * STRIPE, LAST_STRIPE_BASE)
        sb = pl.multiple_of(sb, 8)
        bufs = (buf0, buf1, buf2, buf3)
        sems = (sem0, sem1, sem2, sem3)
        NBUF = len(bufs)

        def start_copy(c):
            return pltpu.async_copy(
                yt_hbm.at[pl.ds(sb + c * CHUNK_V, CHUNK_V)],
                bufs[c % NBUF], sems[c % NBUF])

        ms = tuple(jnp.full((LANES,), _NEG_INF, jnp.float32)
                   for _ in range(GROUPS))
        its = tuple(jnp.zeros((LANES,), jnp.int32) for _ in range(GROUPS))
        carry = (ms, its)
        handles = {c: start_copy(c) for c in range(NBUF - 1)}
        for c in range(CHUNKS):
            handles.pop(c).wait()
            if c + NBUF - 1 < CHUNKS:
                handles[c + NBUF - 1] = start_copy(c + NBUF - 1)
            carry = _consume_chunk(bufs[c % NBUF], sb + c * CHUNK_V, carry)
        ms, its = carry

        for g in range(GROUPS):
            cand_val[g, ...] = ms[g]
            cand_idx[g, ...] = its[g]
        pltpu.sync_copy(cand_val, stage_val_hbm.at[stripe_rank])
        pltpu.sync_copy(cand_idx, stage_idx_hbm.at[stripe_rank])
        plsc.subcore_barrier()

        @pl.when(sub < GROUPS)
        def _merge():
            g = sub
            pltpu.sync_copy(
                stage_val_hbm.at[pl.ds(core * NUM_SUBCORES, NUM_SUBCORES)],
                merge_val)
            pltpu.sync_copy(
                stage_idx_hbm.at[pl.ds(core * NUM_SUBCORES, NUM_SUBCORES)],
                merge_idx)
            bv = merge_val[0, g, ...]
            bi = merge_idx[0, g, ...]
            for t in range(1, NUM_SUBCORES):
                v = merge_val[t, g, ...]
                i = merge_idx[t, g, ...]
                take = jnp.logical_or(
                    v > bv, jnp.logical_and(v == bv, i < bi))
                bv = jnp.where(take, v, bv)
                bi = jnp.where(take, i, bi)
            idx_buf[...] = bi
            val_buf[...] = bv
            pltpu.async_copy(table_hbm.at[idx_buf], word_buf, gsem).wait()
            out_row = core * GROUPS + g
            pltpu.sync_copy(val_buf, out_val_hbm.at[out_row])
            pltpu.sync_copy(word_buf, out_word_hbm.at[out_row])

    return sc_kernel


_sc_call = _build_sc_call()


@jax.jit
def kernel(y_pred, word_table):
    vals, words, _, _ = _sc_call(y_pred.T, word_table)
    v0 = vals[:GROUPS].reshape(-1)
    v1 = vals[GROUPS:].reshape(-1)
    w0 = words[:GROUPS].reshape(-1)
    w1 = words[GROUPS:].reshape(-1)
    return jnp.where(v0 >= v1, w0, w1)

# --- scband reference (transcript-rebuilt; emitter-appended) ---
"""Pipeline reference for scband-label-forecast-layer-63737314673228 (READ-ONLY COPY).

The authoritative reference and input builder live on the scoring server;
editing this copy changes nothing except your own understanding.
"""

import jax, jax.numpy as jnp
import numpy as np

USED = 100

def setup_inputs(seed: int = 0) -> dict:
    key = jax.random.key(seed)
    y_pred = jax.random.normal(jax.random.fold_in(key, 0), (128, 100000), dtype=jnp.float32)
    # index_to_word_table surrogate: maps vocab index -> integer word id (strings are not
    # representable in jax; identity int mapping preserves the gather semantics).
    word_table = jnp.arange(100000, dtype=jnp.int32)
    return {"y_pred": y_pred, "word_table": word_table}

def reference(y_pred, word_table):
    # top_k indices (tf.nn.top_k)
    vals, idx = jax.lax.top_k(y_pred, USED)
    # hash-table lookup -> integer word-id gather
    predicted_words = jnp.take(word_table, idx, axis=0)
    # no predicted_words_filters supplied -> mask of all True (tf.ones_like cast to bool)
    legal_predicted_mask = jnp.ones_like(idx, dtype=bool)
    # common.tf_get_first_true: keep only the first True per row
    cum = jnp.cumsum(legal_predicted_mask.astype(jnp.int32), axis=1)
    first_true_mask = jnp.logical_and(legal_predicted_mask, cum == 1)
    # tf.where + tf.gather_nd + reshape([-1]) -> first legal predicted word per row
    first_pos = jnp.argmax(first_true_mask, axis=1)
    forecast = jnp.take_along_axis(predicted_words, first_pos[:, None], axis=1).reshape(-1)
    return forecast

if __name__ == "__main__":
    import jax
    _d = setup_inputs()
    print(jax.jit(kernel)(*tuple(_d.values())))

</pallas_src>

<mosaic_0001>
#map = affine_map<(d0, d1) -> (0, 0)>
#map1 = affine_map<(d0, d1) -> (0)>
#map2 = affine_map<(d0, d1) -> (0, 0, 0)>
module attributes {stable_mosaic.version = 14 : i64} {
  func.func @sc_kernel(%arg0: i32, %arg1: i32, %arg2: memref<100000x128xf32, #tpu.memory_space<hbm>>, %arg3: memref<100000xi32, #tpu.memory_space<hbm>>, %arg4: memref<16x16xf32, #tpu.memory_space<hbm>>, %arg5: memref<16x16xi32, #tpu.memory_space<hbm>>, %arg6: memref<32x8x16xf32, #tpu.memory_space<hbm>>, %arg7: memref<32x8x16xi32, #tpu.memory_space<hbm>>, %arg8: memref<184x128xf32, #tpu.memory_space<vmem>>, %arg9: memref<184x128xf32, #tpu.memory_space<vmem>>, %arg10: memref<184x128xf32, #tpu.memory_space<vmem>>, %arg11: memref<184x128xf32, #tpu.memory_space<vmem>>, %arg12: memref<8x16xf32, #tpu.memory_space<vmem>>, %arg13: memref<8x16xi32, #tpu.memory_space<vmem>>, %arg14: memref<16x8x16xf32, #tpu.memory_space<vmem>>, %arg15: memref<16x8x16xi32, #tpu.memory_space<vmem>>, %arg16: memref<16xi32, #tpu.memory_space<vmem>>, %arg17: memref<16xi32, #tpu.memory_space<vmem>>, %arg18: memref<16xf32, #tpu.memory_space<vmem>>, %arg19: memref<!tpu.dma_semaphore, #tpu.memory_space<semaphore_mem>>, %arg20: memref<!tpu.dma_semaphore, #tpu.memory_space<semaphore_mem>>, %arg21: memref<!tpu.dma_semaphore, #tpu.memory_space<semaphore_mem>>, %arg22: memref<!tpu.dma_semaphore, #tpu.memory_space<semaphore_mem>>, %arg23: memref<!tpu.dma_semaphore, #tpu.memory_space<semaphore_mem>>) attributes {dimension_semantics = [#tpu.dimension_semantics<core_parallel>, #tpu.dimension_semantics<subcore_parallel>], iteration_bounds = array<i64: 2, 16>, scalar_prefetch = 0 : i64, scratch_operands = 16 : i64, tpu.core_type = #tpu.core_type<sc_vector_subcore>, window_params = [{transform_indices = #map}, {transform_indices = #map1}, {transform_indices = #map}, {transform_indices = #map}, {transform_indices = #map2}, {transform_indices = #map2}]} {
    %mul3A = arith.constant 16 : i32
    %mul3A_0 = arith.muli %arg0, %mul3A : i32
    %add3A = arith.addi %mul3A_0, %arg1 : i32
    %mul3A_1 = arith.constant 3128 : i32
    %mul3A_2 = arith.muli %add3A, %mul3A_1 : i32
    %min3A = arith.constant 96872 : i32
    %min3A_3 = arith.minsi %mul3A_2, %min3A : i32
    %multiple_of3A = tpu.assume_multiple %min3A_3, 8 : i32
    %broadcast_in_dim3A = arith.constant 0xFF800000 : f32
    %broadcast_in_dim3A_4 = vector.broadcast %broadcast_in_dim3A : f32 to vector<16xf32>
    %broadcast_in_dim3A_5 = arith.constant 0xFF800000 : f32
    %broadcast_in_dim3A_6 = vector.broadcast %broadcast_in_dim3A_5 : f32 to vector<16xf32>
    %broadcast_in_dim3A_7 = arith.constant 0xFF800000 : f32
    %broadcast_in_dim3A_8 = vector.broadcast %broadcast_in_dim3A_7 : f32 to vector<16xf32>
    %broadcast_in_dim3A_9 = arith.constant 0xFF800000 : f32
    %broadcast_in_dim3A_10 = vector.broadcast %broadcast_in_dim3A_9 : f32 to vector<16xf32>
    %broadcast_in_dim3A_11 = arith.constant 0xFF800000 : f32
    %broadcast_in_dim3A_12 = vector.broadcast %broadcast_in_dim3A_11 : f32 to vector<16xf32>
    %broadcast_in_dim3A_13 = arith.constant 0xFF800000 : f32
    %broadcast_in_dim3A_14 = vector.broadcast %broadcast_in_dim3A_13 : f32 to vector<16xf32>
    %broadcast_in_dim3A_15 = arith.constant 0xFF800000 : f32
    %broadcast_in_dim3A_16 = vector.broadcast %broadcast_in_dim3A_15 : f32 to vector<16xf32>
    %broadcast_in_dim3A_17 = arith.constant 0xFF800000 : f32
    %broadcast_in_dim3A_18 = vector.broadcast %broadcast_in_dim3A_17 : f32 to vector<16xf32>
    %broadcast_in_dim3A_19 = arith.constant 0 : i32
    %broadcast_in_dim3A_20 = vector.broadcast %broadcast_in_dim3A_19 : i32 to vector<16xi32>
    %broadcast_in_dim3A_21 = arith.constant 0 : i32
    %broadcast_in_dim3A_22 = vector.broadcast %broadcast_in_dim3A_21 : i32 to vector<16xi32>
    %broadcast_in_dim3A_23 = arith.constant 0 : i32
    %broadcast_in_dim3A_24 = vector.broadcast %broadcast_in_dim3A_23 : i32 to vector<16xi32>
    %broadcast_in_dim3A_25 = arith.constant 0 : i32
    %broadcast_in_dim3A_26 = vector.broadcast %broadcast_in_dim3A_25 : i32 to vector<16xi32>
    %broadcast_in_dim3A_27 = arith.constant 0 : i32
    %broadcast_in_dim3A_28 = vector.broadcast %broadcast_in_dim3A_27 : i32 to vector<16xi32>
    %broadcast_in_dim3A_29 = arith.constant 0 : i32
    %broadcast_in_dim3A_30 = vector.broadcast %broadcast_in_dim3A_29 : i32 to vector<16xi32>
    %broadcast_in_dim3A_31 = arith.constant 0 : i32
    %broadcast_in_dim3A_32 = vector.broadcast %broadcast_in_dim3A_31 : i32 to vector<16xi32>
    %broadcast_in_dim3A_33 = arith.constant 0 : i32
    %broadcast_in_dim3A_34 = vector.broadcast %broadcast_in_dim3A_33 : i32 to vector<16xi32>
    %add3A_35 = arith.constant 0 : i32
    %add3A_36 = arith.addi %multiple_of3A, %add3A_35 : i32
    %dma_start3A = arith.constant 0 : i32
    %dma_start3A_37 = tpu.memref_slice %arg2[%add3A_36, %dma_start3A] : memref<100000x128xf32, #tpu.memory_space<hbm>> -> memref<184x128xf32, #tpu.memory_space<hbm>>
    %dma_start3A_38 = arith.constant 0 : i32
    %dma_start3A_39 = tpu.memref_slice %arg2[%add3A_36, %dma_start3A_38] : memref<100000x128xf32, #tpu.memory_space<hbm>> -> memref<184x128xf32, #tpu.memory_space<hbm>>
    tpu.enqueue_dma source(%dma_start3A_39 : memref<184x128xf32, #tpu.memory_space<hbm>>) target(%arg8 : memref<184x128xf32, #tpu.memory_space<vmem>>) target_semaphore(%arg19 : memref<!tpu.dma_semaphore, #tpu.memory_space<semaphore_mem>>)
    %add3A_40 = arith.constant 184 : i32
    %add3A_41 = arith.addi %multiple_of3A, %add3A_40 : i32
    %dma_start3A_42 = arith.constant 0 : i32
    %dma_start3A_43 = tpu.memref_slice %arg2[%add3A_41, %dma_start3A_42] : memref<100000x128xf32, #tpu.memory_space<hbm>> -> memref<184x128xf32, #tpu.memory_space<hbm>>
    %dma_start3A_44 = arith.constant 0 : i32
    %dma_start3A_45 = tpu.memref_slice %arg2[%add3A_41, %dma_start3A_44] : memref<100000x128xf32, #tpu.memory_space<hbm>> -> memref<184x128xf32, #tpu.memory_space<hbm>>
    tpu.enqueue_dma source(%dma_start3A_45 : memref<184x128xf32, #tpu.memory_space<hbm>>) target(%arg9 : memref<184x128xf32, #tpu.memory_space<vmem>>) target_semaphore(%arg20 : memref<!tpu.dma_semaphore, #tpu.memory_space<semaphore_mem>>)
    %add3A_46 = arith.constant 368 : i32
    %add3A_47 = arith.addi %multiple_of3A, %add3A_46 : i32
    %dma_start3A_48 = arith.constant 0 : i32
    %dma_start3A_49 = tpu.memref_slice %arg2[%add3A_47, %dma_start3A_48] : memref<100000x128xf32, #tpu.memory_space<hbm>> -> memref<184x128xf32, #tpu.memory_space<hbm>>
    %dma_start3A_50 = arith.constant 0 : i32
    %dma_start3A_51 = tpu.memref_slice %arg2[%add3A_47, %dma_start3A_50] : memref<100000x128xf32, #tpu.memory_space<hbm>> -> memref<184x128xf32, #tpu.memory_space<hbm>>
    tpu.enqueue_dma source(%dma_start3A_51 : memref<184x128xf32, #tpu.memory_space<hbm>>) target(%arg10 : memref<184x128xf32, #tpu.memory_space<vmem>>) target_semaphore(%arg21 : memref<!tpu.dma_semaphore, #tpu.memory_space<semaphore_mem>>)
    %dma_wait3A = arith.constant 0 : i32
    %dma_wait3A_52 = tpu.memref_slice %arg2[%add3A_36, %dma_wait3A] : memref<100000x128xf32, #tpu.memory_space<hbm>> -> memref<184x128xf32, #tpu.memory_space<hbm>>
    %dma_wait3A_53 = arith.constant 0 : i32
    %dma_wait3A_54 = tpu.memref_slice %arg2[%add3A_36, %dma_wait3A_53] : memref<100000x128xf32, #tpu.memory_space<hbm>> -> memref<184x128xf32, #tpu.memory_space<hbm>>
    tpu.wait_dma2 semaphore(%arg19 : memref<!tpu.dma_semaphore, #tpu.memory_space<semaphore_mem>>) src(%dma_wait3A_54 : memref<184x128xf32, #tpu.memory_space<hbm>>) dst(%arg8 : memref<184x128xf32, #tpu.memory_space<vmem>>)
    %add3A_55 = arith.constant 552 : i32
    %add3A_56 = arith.addi %multiple_of3A, %add3A_55 : i32
    %dma_start3A_57 = arith.constant 0 : i32
    %dma_start3A_58 = tpu.memref_slice %arg2[%add3A_56, %dma_start3A_57] : memref<100000x128xf32, #tpu.memory_space<hbm>> -> memref<184x128xf32, #tpu.memory_space<hbm>>
    %dma_start3A_59 = arith.constant 0 : i32
    %dma_start3A_60 = tpu.memref_slice %arg2[%add3A_56, %dma_start3A_59] : memref<100000x128xf32, #tpu.memory_space<hbm>> -> memref<184x128xf32, #tpu.memory_space<hbm>>
    tpu.enqueue_dma source(%dma_start3A_60 : memref<184x128xf32, #tpu.memory_space<hbm>>) target(%arg11 : memref<184x128xf32, #tpu.memory_space<vmem>>) target_semaphore(%arg22 : memref<!tpu.dma_semaphore, #tpu.memory_space<semaphore_mem>>)
    %add3A_61 = arith.constant 0 : i32
    %add3A_62 = arith.addi %multiple_of3A, %add3A_61 : i32
    %scan3A = arith.constant 0 : i32
    %scan3A_63 = arith.constant 184 : i32
    %scan3A_64 = arith.addi %scan3A, %scan3A_63 : i32
    %scan3A_65 = arith.constant 1 : i32
    %scan3A_66:16 = scf.for %scan3A_435 = %scan3A to %scan3A_64 step %scan3A_65 iter_args(%scan3A_436 = %broadcast_in_dim3A_4, %scan3A_437 = %broadcast_in_dim3A_6, %scan3A_438 = %broadcast_in_dim3A_8, %scan3A_439 = %broadcast_in_dim3A_10, %scan3A_440 = %broadcast_in_dim3A_12, %scan3A_441 = %broadcast_in_dim3A_14, %scan3A_442 = %broadcast_in_dim3A_16, %scan3A_443 = %broadcast_in_dim3A_18, %scan3A_444 = %broadcast_in_dim3A_20, %scan3A_445 = %broadcast_in_dim3A_22, %scan3A_446 = %broadcast_in_dim3A_24, %scan3A_447 = %broadcast_in_dim3A_26, %scan3A_448 = %broadcast_in_dim3A_28, %scan3A_449 = %broadcast_in_dim3A_30, %scan3A_450 = %broadcast_in_dim3A_32, %scan3A_451 = %broadcast_in_dim3A_34) -> (vector<16xf32>, vector<16xf32>, vector<16xf32>, vector<16xf32>, vector<16xf32>, vector<16xf32>, vector<16xf32>, vector<16xf32>, vector<16xi32>, vector<16xi32>, vector<16xi32>, vector<16xi32>, vector<16xi32>, vector<16xi32>, vector<16xi32>, vector<16xi32>)  : i32 {
      %add3A_452 = arith.addi %add3A_62, %scan3A_435 : i32
      %broadcast_in_dim3A_453 = vector.broadcast %add3A_452 : i32 to vector<16xi32>
      %get3A = arith.index_cast %scan3A_435 : i32 to index
      %get3A_454 = arith.constant 0 : index
      %get3A_455 = tpu.vector_load %arg8[%get3A, %get3A_454] {strides = array<i32>} : memref<184x128xf32, #tpu.memory_space<vmem>>, vector<1x16xf32>,
      %get3A_456 = vector.shape_cast %get3A_455 : vector<1x16xf32> to vector<16xf32>
      %gt3A = arith.cmpf ogt, %get3A_456, %scan3A_436 : vector<16xf32>
      %max3A = arith.maximumf %scan3A_436, %get3A_456 : vector<16xf32>
      %select_n3A = arith.select %gt3A, %broadcast_in_dim3A_453, %scan3A_444 : vector<16xi1>, vector<16xi32>
      %get3A_457 = arith.index_cast %scan3A_435 : i32 to index
      %get3A_458 = arith.constant 16 : index
      %get3A_459 = tpu.vector_load %arg8[%get3A_457, %get3A_458] {strides = array<i32>} : memref<184x128xf32, #tpu.memory_space<vmem>>, vector<1x16xf32>,
      %get3A_460 = vector.shape_cast %get3A_459 : vector<1x16xf32> to vector<16xf32>
      %gt3A_461 = arith.cmpf ogt, %get3A_460, %scan3A_437 : vector<16xf32>
      %max3A_462 = arith.maximumf %scan3A_437, %get3A_460 : vector<16xf32>
      %select_n3A_463 = arith.select %gt3A_461, %broadcast_in_dim3A_453, %scan3A_445 : vector<16xi1>, vector<16xi32>
      %get3A_464 = arith.index_cast %scan3A_435 : i32 to index
      %get3A_465 = arith.constant 32 : index
      %get3A_466 = tpu.vector_load %arg8[%get3A_464, %get3A_465] {strides = array<i32>} : memref<184x128xf32, #tpu.memory_space<vmem>>, vector<1x16xf32>,
      %get3A_467 = vector.shape_cast %get3A_466 : vector<1x16xf32> to vector<16xf32>
      %gt3A_468 = arith.cmpf ogt, %get3A_467, %scan3A_438 : vector<16xf32>
      %max3A_469 = arith.maximumf %scan3A_438, %get3A_467 : vector<16xf32>
      %select_n3A_470 = arith.select %gt3A_468, %broadcast_in_dim3A_453, %scan3A_446 : vector<16xi1>, vector<16xi32>
      %get3A_471 = arith.index_cast %scan3A_435 : i32 to index
      %get3A_472 = arith.constant 48 : index
      %get3A_473 = tpu.vector_load %arg8[%get3A_471, %get3A_472] {strides = array<i32>} : memref<184x128xf32, #tpu.memory_space<vmem>>, vector<1x16xf32>,
      %get3A_474 = vector.shape_cast %get3A_473 : vector<1x16xf32> to vector<16xf32>
      %gt3A_475 = arith.cmpf ogt, %get3A_474, %scan3A_439 : vector<16xf32>
      %max3A_476 = arith.maximumf %scan3A_439, %get3A_474 : vector<16xf32>
      %select_n3A_477 = arith.select %gt3A_475, %broadcast_in_dim3A_453, %scan3A_447 : vector<16xi1>, vector<16xi32>
      %get3A_478 = arith.index_cast %scan3A_435 : i32 to index
      %get3A_479 = arith.constant 64 : index
      %get3A_480 = tpu.vector_load %arg8[%get3A_478, %get3A_479] {strides = array<i32>} : memref<184x128xf32, #tpu.memory_space<vmem>>, vector<1x16xf32>,
      %get3A_481 = vector.shape_cast %get3A_480 : vector<1x16xf32> to vector<16xf32>
      %gt3A_482 = arith.cmpf ogt, %get3A_481, %scan3A_440 : vector<16xf32>
      %max3A_483 = arith.maximumf %scan3A_440, %get3A_481 : vector<16xf32>
      %select_n3A_484 = arith.select %gt3A_482, %broadcast_in_dim3A_453, %scan3A_448 : vector<16xi1>, vector<16xi32>
      %get3A_485 = arith.index_cast %scan3A_435 : i32 to index
      %get3A_486 = arith.constant 80 : index
      %get3A_487 = tpu.vector_load %arg8[%get3A_485, %get3A_486] {strides = array<i32>} : memref<184x128xf32, #tpu.memory_space<vmem>>, vector<1x16xf32>,
      %get3A_488 = vector.shape_cast %get3A_487 : vector<1x16xf32> to vector<16xf32>
      %gt3A_489 = arith.cmpf ogt, %get3A_488, %scan3A_441 : vector<16xf32>
      %max3A_490 = arith.maximumf %scan3A_441, %get3A_488 : vector<16xf32>
      %select_n3A_491 = arith.select %gt3A_489, %broadcast_in_dim3A_453, %scan3A_449 : vector<16xi1>, vector<16xi32>
      %get3A_492 = arith.index_cast %scan3A_435 : i32 to index
      %get3A_493 = arith.constant 96 : index
      %get3A_494 = tpu.vector_load %arg8[%get3A_492, %get3A_493] {strides = array<i32>} : memref<184x128xf32, #tpu.memory_space<vmem>>, vector<1x16xf32>,
      %get3A_495 = vector.shape_cast %get3A_494 : vector<1x16xf32> to vector<16xf32>
      %gt3A_496 = arith.cmpf ogt, %get3A_495, %scan3A_442 : vector<16xf32>
      %max3A_497 = arith.maximumf %scan3A_442, %get3A_495 : vector<16xf32>
      %select_n3A_498 = arith.select %gt3A_496, %broadcast_in_dim3A_453, %scan3A_450 : vector<16xi1>, vector<16xi32>
      %get3A_499 = arith.index_cast %scan3A_435 : i32 to index
      %get3A_500 = arith.constant 112 : index
      %get3A_501 = tpu.vector_load %arg8[%get3A_499, %get3A_500] {strides = array<i32>} : memref<184x128xf32, #tpu.memory_space<vmem>>, vector<1x16xf32>,
      %get3A_502 = vector.shape_cast %get3A_501 : vector<1x16xf32> to vector<16xf32>
      %gt3A_503 = arith.cmpf ogt, %get3A_502, %scan3A_443 : vector<16xf32>
      %max3A_504 = arith.maximumf %scan3A_443, %get3A_502 : vector<16xf32>
      %select_n3A_505 = arith.select %gt3A_503, %broadcast_in_dim3A_453, %scan3A_451 : vector<16xi1>, vector<16xi32>
      scf.yield %max3A, %max3A_462, %max3A_469, %max3A_476, %max3A_483, %max3A_490, %max3A_497, %max3A_504, %select_n3A, %select_n3A_463, %select_n3A_470, %select_n3A_477, %select_n3A_484, %select_n3A_491, %select_n3A_498, %select_n3A_505 : vector<16xf32>, vector<16xf32>, vector<16xf32>, vector<16xf32>, vector<16xf32>, vector<16xf32>, vector<16xf32>, vector<16xf32>, vector<16xi32>, vector<16xi32>, vector<16xi32>, vector<16xi32>, vector<16xi32>, vector<16xi32>, vector<16xi32>, vector<16xi32>
    }
    %scan3A_67 = arith.constant 184 : i32
    %dma_wait3A_68 = arith.constant 0 : i32
    %dma_wait3A_69 = tpu.memref_slice %arg2[%add3A_41, %dma_wait3A_68] : memref<100000x128xf32, #tpu.memory_space<hbm>> -> memref<184x128xf32, #tpu.memory_space<hbm>>
    %dma_wait3A_70 = arith.constant 0 : i32
    %dma_wait3A_71 = tpu.memref_slice %arg2[%add3A_41, %dma_wait3A_70] : memref<100000x128xf32, #tpu.memory_space<hbm>> -> memref<184x128xf32, #tpu.memory_space<hbm>>
    tpu.wait_dma2 semaphore(%arg20 : memref<!tpu.dma_semaphore, #tpu.memory_space<semaphore_mem>>) src(%dma_wait3A_71 : memref<184x128xf32, #tpu.memory_space<hbm>>) dst(%arg9 : memref<184x128xf32, #tpu.memory_space<vmem>>)
    %add3A_72 = arith.constant 736 : i32
    %add3A_73 = arith.addi %multiple_of3A, %add3A_72 : i32
    %dma_start3A_74 = arith.constant 0 : i32
    %dma_start3A_75 = tpu.memref_slice %arg2[%add3A_73, %dma_start3A_74] : memref<100000x128xf32, #tpu.memory_space<hbm>> -> memref<184x128xf32, #tpu.memory_space<hbm>>
    %dma_start3A_76 = arith.constant 0 : i32
    %dma_start3A_77 = tpu.memref_slice %arg2[%add3A_73, %dma_start3A_76] : memref<100000x128xf32, #tpu.memory_space<hbm>> -> memref<184x128xf32, #tpu.memory_space<hbm>>
    tpu.enqueue_dma source(%dma_start3A_77 : memref<184x128xf32, #tpu.memory_space<hbm>>) target(%arg8 : memref<184x128xf32, #tpu.memory_space<vmem>>) target_semaphore(%arg19 : memref<!tpu.dma_semaphore, #tpu.memory_space<semaphore_mem>>)
    %add3A_78 = arith.constant 184 : i32
    %add3A_79 = arith.addi %multiple_of3A, %add3A_78 : i32
    %scan3A_80 = arith.constant 0 : i32
    %scan3A_81 = arith.constant 184 : i32
    %scan3A_82 = arith.addi %scan3A_80, %scan3A_81 : i32
    %scan3A_83 = arith.constant 1 : i32
    %scan3A_84:16 = scf.for %scan3A_435 = %scan3A_80 to %scan3A_82 step %scan3A_83 iter_args(%scan3A_436 = %scan3A_66#0, %scan3A_437 = %scan3A_66#1, %scan3A_438 = %scan3A_66#2, %scan3A_439 = %scan3A_66#3, %scan3A_440 = %scan3A_66#4, %scan3A_441 = %scan3A_66#5, %scan3A_442 = %scan3A_66#6, %scan3A_443 = %scan3A_66#7, %scan3A_444 = %scan3A_66#8, %scan3A_445 = %scan3A_66#9, %scan3A_446 = %scan3A_66#10, %scan3A_447 = %scan3A_66#11, %scan3A_448 = %scan3A_66#12, %scan3A_449 = %scan3A_66#13, %scan3A_450 = %scan3A_66#14, %scan3A_451 = %scan3A_66#15) -> (vector<16xf32>, vector<16xf32>, vector<16xf32>, vector<16xf32>, vector<16xf32>, vector<16xf32>, vector<16xf32>, vector<16xf32>, vector<16xi32>, vector<16xi32>, vector<16xi32>, vector<16xi32>, vector<16xi32>, vector<16xi32>, vector<16xi32>, vector<16xi32>)  : i32 {
      %add3A_452 = arith.addi %add3A_79, %scan3A_435 : i32
      %broadcast_in_dim3A_453 = vector.broadcast %add3A_452 : i32 to vector<16xi32>
      %get3A = arith.index_cast %scan3A_435 : i32 to index
      %get3A_454 = arith.constant 0 : index
      %get3A_455 = tpu.vector_load %arg9[%get3A, %get3A_454] {strides = array<i32>} : memref<184x128xf32, #tpu.memory_space<vmem>>, vector<1x16xf32>,
      %get3A_456 = vector.shape_cast %get3A_455 : vector<1x16xf32> to vector<16xf32>
      %gt3A = arith.cmpf ogt, %get3A_456, %scan3A_436 : vector<16xf32>
      %max3A = arith.maximumf %scan3A_436, %get3A_456 : vector<16xf32>
      %select_n3A = arith.select %gt3A, %broadcast_in_dim3A_453, %scan3A_444 : vector<16xi1>, vector<16xi32>
      %get3A_457 = arith.index_cast %scan3A_435 : i32 to index
      %get3A_458 = arith.constant 16 : index
      %get3A_459 = tpu.vector_load %arg9[%get3A_457, %get3A_458] {strides = array<i32>} : memref<184x128xf32, #tpu.memory_space<vmem>>, vector<1x16xf32>,
      %get3A_460 = vector.shape_cast %get3A_459 : vector<1x16xf32> to vector<16xf32>
      %gt3A_461 = arith.cmpf ogt, %get3A_460, %scan3A_437 : vector<16xf32>
      %max3A_462 = arith.maximumf %scan3A_437, %get3A_460 : vector<16xf32>
      %select_n3A_463 = arith.select %gt3A_461, %broadcast_in_dim3A_453, %scan3A_445 : vector<16xi1>, vector<16xi32>
      %get3A_464 = arith.index_cast %scan3A_435 : i32 to index
      %get3A_465 = arith.constant 32 : index
      %get3A_466 = tpu.vector_load %arg9[%get3A_464, %get3A_465] {strides = array<i32>} : memref<184x128xf32, #tpu.memory_space<vmem>>, vector<1x16xf32>,
      %get3A_467 = vector.shape_cast %get3A_466 : vector<1x16xf32> to vector<16xf32>
      %gt3A_468 = arith.cmpf ogt, %get3A_467, %scan3A_438 : vector<16xf32>
      %max3A_469 = arith.maximumf %scan3A_438, %get3A_467 : vector<16xf32>
      %select_n3A_470 = arith.select %gt3A_468, %broadcast_in_dim3A_453, %scan3A_446 : vector<16xi1>, vector<16xi32>
      %get3A_471 = arith.index_cast %scan3A_435 : i32 to index
      %get3A_472 = arith.constant 48 : index
      %get3A_473 = tpu.vector_load %arg9[%get3A_471, %get3A_472] {strides = array<i32>} : memref<184x128xf32, #tpu.memory_space<vmem>>, vector<1x16xf32>,
      %get3A_474 = vector.shape_cast %get3A_473 : vector<1x16xf32> to vector<16xf32>
      %gt3A_475 = arith.cmpf ogt, %get3A_474, %scan3A_439 : vector<16xf32>
      %max3A_476 = arith.maximumf %scan3A_439, %get3A_474 : vector<16xf32>
      %select_n3A_477 = arith.select %gt3A_475, %broadcast_in_dim3A_453, %scan3A_447 : vector<16xi1>, vector<16xi32>
      %get3A_478 = arith.index_cast %scan3A_435 : i32 to index
      %get3A_479 = arith.constant 64 : index
      %get3A_480 = tpu.vector_load %arg9[%get3A_478, %get3A_479] {strides = array<i32>} : memref<184x128xf32, #tpu.memory_space<vmem>>, vector<1x16xf32>,
      %get3A_481 = vector.shape_cast %get3A_480 : vector<1x16xf32> to vector<16xf32>
      %gt3A_482 = arith.cmpf ogt, %get3A_481, %scan3A_440 : vector<16xf32>
      %max3A_483 = arith.maximumf %scan3A_440, %get3A_481 : vector<16xf32>
      %select_n3A_484 = arith.select %gt3A_482, %broadcast_in_dim3A_453, %scan3A_448 : vector<16xi1>, vector<16xi32>
      %get3A_485 = arith.index_cast %scan3A_435 : i32 to index
      %get3A_486 = arith.constant 80 : index
      %get3A_487 = tpu.vector_load %arg9[%get3A_485, %get3A_486] {strides = array<i32>} : memref<184x128xf32, #tpu.memory_space<vmem>>, vector<1x16xf32>,
      %get3A_488 = vector.shape_cast %get3A_487 : vector<1x16xf32> to vector<16xf32>
      %gt3A_489 = arith.cmpf ogt, %get3A_488, %scan3A_441 : vector<16xf32>
      %max3A_490 = arith.maximumf %scan3A_441, %get3A_488 : vector<16xf32>
      %select_n3A_491 = arith.select %gt3A_489, %broadcast_in_dim3A_453, %scan3A_449 : vector<16xi1>, vector<16xi32>
      %get3A_492 = arith.index_cast %scan3A_435 : i32 to index
      %get3A_493 = arith.constant 96 : index
      %get3A_494 = tpu.vector_load %arg9[%get3A_492, %get3A_493] {strides = array<i32>} : memref<184x128xf32, #tpu.memory_space<vmem>>, vector<1x16xf32>,
      %get3A_495 = vector.shape_cast %get3A_494 : vector<1x16xf32> to vector<16xf32>
      %gt3A_496 = arith.cmpf ogt, %get3A_495, %scan3A_442 : vector<16xf32>
      %max3A_497 = arith.maximumf %scan3A_442, %get3A_495 : vector<16xf32>
      %select_n3A_498 = arith.select %gt3A_496, %broadcast_in_dim3A_453, %scan3A_450 : vector<16xi1>, vector<16xi32>
      %get3A_499 = arith.index_cast %scan3A_435 : i32 to index
      %get3A_500 = arith.constant 112 : index
      %get3A_501 = tpu.vector_load %arg9[%get3A_499, %get3A_500] {strides = array<i32>} : memref<184x128xf32, #tpu.memory_space<vmem>>, vector<1x16xf32>,
      %get3A_502 = vector.shape_cast %get3A_501 : vector<1x16xf32> to vector<16xf32>
      %gt3A_503 = arith.cmpf ogt, %get3A_502, %scan3A_443 : vector<16xf32>
      %max3A_504 = arith.maximumf %scan3A_443, %get3A_502 : vector<16xf32>
      %select_n3A_505 = arith.select %gt3A_503, %broadcast_in_dim3A_453, %scan3A_451 : vector<16xi1>, vector<16xi32>
      scf.yield %max3A, %max3A_462, %max3A_469, %max3A_476, %max3A_483, %max3A_490, %max3A_497, %max3A_504, %select_n3A, %select_n3A_463, %select_n3A_470, %select_n3A_477, %select_n3A_484, %select_n3A_491, %select_n3A_498, %select_n3A_505 : vector<16xf32>, vector<16xf32>, vector<16xf32>, vector<16xf32>, vector<16xf32>, vector<16xf32>, vector<16xf32>, vector<16xf32>, vector<16xi32>, vector<16xi32>, vector<16xi32>, vector<16xi32>, vector<16xi32>, vector<16xi32>, vector<16xi32>, vector<16xi32>
    }
    %scan3A_85 = arith.constant 184 : i32
    %dma_wait3A_86 = arith.constant 0 : i32
    %dma_wait3A_87 = tpu.memref_slice %arg2[%add3A_47, %dma_wait3A_86] : memref<100000x128xf32, #tpu.memory_space<hbm>> -> memref<184x128xf32, #tpu.memory_space<hbm>>
    %dma_wait3A_88 = arith.constant 0 : i32
    %dma_wait3A_89 = tpu.memref_slice %arg2[%add3A_47, %dma_wait3A_88] : memref<100000x128xf32, #tpu.memory_space<hbm>> -> memref<184x128xf32, #tpu.memory_space<hbm>>
    tpu.wait_dma2 semaphore(%arg21 : memref<!tpu.dma_semaphore, #tpu.memory_space<semaphore_mem>>) src(%dma_wait3A_89 : memref<184x128xf32, #tpu.memory_space<hbm>>) dst(%arg10 : memref<184x128xf32, #tpu.memory_space<vmem>>)
    %add3A_90 = arith.constant 920 : i32
    %add3A_91 = arith.addi %multiple_of3A, %add3A_90 : i32
    %dma_start3A_92 = arith.constant 0 : i32
    %dma_start3A_93 = tpu.memref_slice %arg2[%add3A_91, %dma_start3A_92] : memref<100000x128xf32, #tpu.memory_space<hbm>> -> memref<184x128xf32, #tpu.memory_space<hbm>>
    %dma_start3A_94 = arith.constant 0 : i32
    %dma_start3A_95 = tpu.memref_slice %arg2[%add3A_91, %dma_start3A_94] : memref<100000x128xf32, #tpu.memory_space<hbm>> -> memref<184x128xf32, #tpu.memory_space<hbm>>
    tpu.enqueue_dma source(%dma_start3A_95 : memref<184x128xf32, #tpu.memory_space<hbm>>) target(%arg9 : memref<184x128xf32, #tpu.memory_space<vmem>>) target_semaphore(%arg20 : memref<!tpu.dma_semaphore, #tpu.memory_space<semaphore_mem>>)
    %add3A_96 = arith.constant 368 : i32
    %add3A_97 = arith.addi %multiple_of3A, %add3A_96 : i32
    %scan3A_98 = arith.constant 0 : i32
    %scan3A_99 = arith.constant 184 : i32
    %scan3A_100 = arith.addi %scan3A_98, %scan3A_99 : i32
    %scan3A_101 = arith.constant 1 : i32
    %scan3A_102:16 = scf.for %scan3A_435 = %scan3A_98 to %scan3A_100 step %scan3A_101 iter_args(%scan3A_436 = %scan3A_84#0, %scan3A_437 = %scan3A_84#1, %scan3A_438 = %scan3A_84#2, %scan3A_439 = %scan3A_84#3, %scan3A_440 = %scan3A_84#4, %scan3A_441 = %scan3A_84#5, %scan3A_442 = %scan3A_84#6, %scan3A_443 = %scan3A_84#7, %scan3A_444 = %scan3A_84#8, %scan3A_445 = %scan3A_84#9, %scan3A_446 = %scan3A_84#10, %scan3A_447 = %scan3A_84#11, %scan3A_448 = %scan3A_84#12, %scan3A_449 = %scan3A_84#13, %scan3A_450 = %scan3A_84#14, %scan3A_451 = %scan3A_84#15) -> (vector<16xf32>, vector<16xf32>, vector<16xf32>, vector<16xf32>, vector<16xf32>, vector<16xf32>, vector<16xf32>, vector<16xf32>, vector<16xi32>, vector<16xi32>, vector<16xi32>, vector<16xi32>, vector<16xi32>, vector<16xi32>, vector<16xi32>, vector<16xi32>)  : i32 {
      %add3A_452 = arith.addi %add3A_97, %scan3A_435 : i32
      %broadcast_in_dim3A_453 = vector.broadcast %add3A_452 : i32 to vector<16xi32>
      %get3A = arith.index_cast %scan3A_435 : i32 to index
      %get3A_454 = arith.constant 0 : index
      %get3A_455 = tpu.vector_load %arg10[%get3A, %get3A_454] {strides = array<i32>} : memref<184x128xf32, #tpu.memory_space<vmem>>, vector<1x16xf32>,
      %get3A_456 = vector.shape_cast %get3A_455 : vector<1x16xf32> to vector<16xf32>
      %gt3A = arith.cmpf ogt, %get3A_456, %scan3A_436 : vector<16xf32>
      %max3A = arith.maximumf %scan3A_436, %get3A_456 : vector<16xf32>
      %select_n3A = arith.select %gt3A, %broadcast_in_dim3A_453, %scan3A_444 : vector<16xi1>, vector<16xi32>
      %get3A_457 = arith.index_cast %scan3A_435 : i32 to index
      %get3A_458 = arith.constant 16 : index
      %get3A_459 = tpu.vector_load %arg10[%get3A_457, %get3A_458] {strides = array<i32>} : memref<184x128xf32, #tpu.memory_space<vmem>>, vector<1x16xf32>,
      %get3A_460 = vector.shape_cast %get3A_459 : vector<1x16xf32> to vector<16xf32>
      %gt3A_461 = arith.cmpf ogt, %get3A_460, %scan3A_437 : vector<16xf32>
      %max3A_462 = arith.maximumf %scan3A_437, %get3A_460 : vector<16xf32>
      %select_n3A_463 = arith.select %gt3A_461, %broadcast_in_dim3A_453, %scan3A_445 : vector<16xi1>, vector<16xi32>
      %get3A_464 = arith.index_cast %scan3A_435 : i32 to index
      %get3A_465 = arith.constant 32 : index
      %get3A_466 = tpu.vector_load %arg10[%get3A_464, %get3A_465] {strides = array<i32>} : memref<184x128xf32, #tpu.memory_space<vmem>>, vector<1x16xf32>,
      %get3A_467 = vector.shape_cast %get3A_466 : vector<1x16xf32> to vector<16xf32>
      %gt3A_468 = arith.cmpf ogt, %get3A_467, %scan3A_438 : vector<16xf32>
      %max3A_469 = arith.maximumf %scan3A_438, %get3A_467 : vector<16xf32>
      %select_n3A_470 = arith.select %gt3A_468, %broadcast_in_dim3A_453, %scan3A_446 : vector<16xi1>, vector<16xi32>
      %get3A_471 = arith.index_cast %scan3A_435 : i32 to index
      %get3A_472 = arith.constant 48 : index
      %get3A_473 = tpu.vector_load %arg10[%get3A_471, %get3A_472] {strides = array<i32>} : memref<184x128xf32, #tpu.memory_space<vmem>>, vector<1x16xf32>,
      %get3A_474 = vector.shape_cast %get3A_473 : vector<1x16xf32> to vector<16xf32>
      %gt3A_475 = arith.cmpf ogt, %get3A_474, %scan3A_439 : vector<16xf32>
      %max3A_476 = arith.maximumf %scan3A_439, %get3A_474 : vector<16xf32>
      %select_n3A_477 = arith.select %gt3A_475, %broadcast_in_dim3A_453, %scan3A_447 : vector<16xi1>, vector<16xi32>
      %get3A_478 = arith.index_cast %scan3A_435 : i32 to index
      %get3A_479 = arith.constant 64 : index
      %get3A_480 = tpu.vector_load %arg10[%get3A_478, %get3A_479] {strides = array<i32>} : memref<184x128xf32, #tpu.memory_space<vmem>>, vector<1x16xf32>,
      %get3A_481 = vector.shape_cast %get3A_480 : vector<1x16xf32> to vector<16xf32>
      %gt3A_482 = arith.cmpf ogt, %get3A_481, %scan3A_440 : vector<16xf32>
      %max3A_483 = arith.maximumf %scan3A_440, %get3A_481 : vector<16xf32>
      %select_n3A_484 = arith.select %gt3A_482, %broadcast_in_dim3A_453, %scan3A_448 : vector<16xi1>, vector<16xi32>
      %get3A_485 = arith.index_cast %scan3A_435 : i32 to index
      %get3A_486 = arith.constant 80 : index
      %get3A_487 = tpu.vector_load %arg10[%get3A_485, %get3A_486] {strides = array<i32>} : memref<184x128xf32, #tpu.memory_space<vmem>>, vector<1x16xf32>,
      %get3A_488 = vector.shape_cast %get3A_487 : vector<1x16xf32> to vector<16xf32>
      %gt3A_489 = arith.cmpf ogt, %get3A_488, %scan3A_441 : vector<16xf32>
      %max3A_490 = arith.maximumf %scan3A_441, %get3A_488 : vector<16xf32>
      %select_n3A_491 = arith.select %gt3A_489, %broadcast_in_dim3A_453, %scan3A_449 : vector<16xi1>, vector<16xi32>
      %get3A_492 = arith.index_cast %scan3A_435 : i32 to index
      %get3A_493 = arith.constant 96 : index
      %get3A_494 = tpu.vector_load %arg10[%get3A_492, %get3A_493] {strides = array<i32>} : memref<184x128xf32, #tpu.memory_space<vmem>>, vector<1x16xf32>,
      %get3A_495 = vector.shape_cast %get3A_494 : vector<1x16xf32> to vector<16xf32>
      %gt3A_496 = arith.cmpf ogt, %get3A_495, %scan3A_442 : vector<16xf32>
      %max3A_497 = arith.maximumf %scan3A_442, %get3A_495 : vector<16xf32>
      %select_n3A_498 = arith.select %gt3A_496, %broadcast_in_dim3A_453, %scan3A_450 : vector<16xi1>, vector<16xi32>
      %get3A_499 = arith.index_cast %scan3A_435 : i32 to index
      %get3A_500 = arith.constant 112 : index
      %get3A_501 = tpu.vector_load %arg10[%get3A_499, %get3A_500] {strides = array<i32>} : memref<184x128xf32, #tpu.memory_space<vmem>>, vector<1x16xf32>,
      %get3A_502 = vector.shape_cast %get3A_501 : vector<1x16xf32> to vector<16xf32>
      %gt3A_503 = arith.cmpf ogt, %get3A_502, %scan3A_443 : vector<16xf32>
      %max3A_504 = arith.maximumf %scan3A_443, %get3A_502 : vector<16xf32>
      %select_n3A_505 = arith.select %gt3A_503, %broadcast_in_dim3A_453, %scan3A_451 : vector<16xi1>, vector<16xi32>
      scf.yield %max3A, %max3A_462, %max3A_469, %max3A_476, %max3A_483, %max3A_490, %max3A_497, %max3A_504, %select_n3A, %select_n3A_463, %select_n3A_470, %select_n3A_477, %select_n3A_484, %select_n3A_491, %select_n3A_498, %select_n3A_505 : vector<16xf32>, vector<16xf32>, vector<16xf32>, vector<16xf32>, vector<16xf32>, vector<16xf32>, vector<16xf32>, vector<16xf32>, vector<16xi32>, vector<16xi32>, vector<16xi32>, vector<16xi32>, vector<16xi32>, vector<16xi32>, vector<16xi32>, vector<16xi32>
    }
    %scan3A_103 = arith.constant 184 : i32
    %dma_wait3A_104 = arith.constant 0 : i32
    %dma_wait3A_105 = tpu.memref_slice %arg2[%add3A_56, %dma_wait3A_104] : memref<100000x128xf32, #tpu.memory_space<hbm>> -> memref<184x128xf32, #tpu.memory_space<hbm>>
    %dma_wait3A_106 = arith.constant 0 : i32
    %dma_wait3A_107 = tpu.memref_slice %arg2[%add3A_56, %dma_wait3A_106] : memref<100000x128xf32, #tpu.memory_space<hbm>> -> memref<184x128xf32, #tpu.memory_space<hbm>>
    tpu.wait_dma2 semaphore(%arg22 : memref<!tpu.dma_semaphore, #tpu.memory_space<semaphore_mem>>) src(%dma_wait3A_107 : memref<184x128xf32, #tpu.memory_space<hbm>>) dst(%arg11 : memref<184x128xf32, #tpu.memory_space<vmem>>)
    %add3A_108 = arith.constant 1104 : i32
    %add3A_109 = arith.addi %multiple_of3A, %add3A_108 : i32
    %dma_start3A_110 = arith.constant 0 : i32
    %dma_start3A_111 = tpu.memref_slice %arg2[%add3A_109, %dma_start3A_110] : memref<100000x128xf32, #tpu.memory_space<hbm>> -> memref<184x128xf32, #tpu.memory_space<hbm>>
    %dma_start3A_112 = arith.constant 0 : i32
    %dma_start3A_113 = tpu.memref_slice %arg2[%add3A_109, %dma_start3A_112] : memref<100000x128xf32, #tpu.memory_space<hbm>> -> memref<184x128xf32, #tpu.memory_space<hbm>>
    tpu.enqueue_dma source(%dma_start3A_113 : memref<184x128xf32, #tpu.memory_space<hbm>>) target(%arg10 : memref<184x128xf32, #tpu.memory_space<vmem>>) target_semaphore(%arg21 : memref<!tpu.dma_semaphore, #tpu.memory_space<semaphore_mem>>)
    %add3A_114 = arith.constant 552 : i32
    %add3A_115 = arith.addi %multiple_of3A, %add3A_114 : i32
    %scan3A_116 = arith.constant 0 : i32
    %scan3A_117 = arith.constant 184 : i32
    %scan3A_118 = arith.addi %scan3A_116, %scan3A_117 : i32
    %scan3A_119 = arith.constant 1 : i32
    %scan3A_120:16 = scf.for %scan3A_435 = %scan3A_116 to %scan3A_118 step %scan3A_119 iter_args(%scan3A_436 = %scan3A_102#0, %scan3A_437 = %scan3A_102#1, %scan3A_438 = %scan3A_102#2, %scan3A_439 = %scan3A_102#3, %scan3A_440 = %scan3A_102#4, %scan3A_441 = %scan3A_102#5, %scan3A_442 = %scan3A_102#6, %scan3A_443 = %scan3A_102#7, %scan3A_444 = %scan3A_102#8, %scan3A_445 = %scan3A_102#9, %scan3A_446 = %scan3A_102#10, %scan3A_447 = %scan3A_102#11, %scan3A_448 = %scan3A_102#12, %scan3A_449 = %scan3A_102#13, %scan3A_450 = %scan3A_102#14, %scan3A_451 = %scan3A_102#15) -> (vector<16xf32>, vector<16xf32>, vector<16xf32>, vector<16xf32>, vector<16xf32>, vector<16xf32>, vector<16xf32>, vector<16xf32>, vector<16xi32>, vector<16xi32>, vector<16xi32>, vector<16xi32>, vector<16xi32>, vector<16xi32>, vector<16xi32>, vector<16xi32>)  : i32 {
      %add3A_452 = arith.addi %add3A_115, %scan3A_435 : i32
      %broadcast_in_dim3A_453 = vector.broadcast %add3A_452 : i32 to vector<16xi32>
      %get3A = arith.index_cast %scan3A_435 : i32 to index
      %get3A_454 = arith.constant 0 : index
      %get3A_455 = tpu.vector_load %arg11[%get3A, %get3A_454] {strides = array<i32>} : memref<184x128xf32, #tpu.memory_space<vmem>>, vector<1x16xf32>,
      %get3A_456 = vector.shape_cast %get3A_455 : vector<1x16xf32> to vector<16xf32>
      %gt3A = arith.cmpf ogt, %get3A_456, %scan3A_436 : vector<16xf32>
      %max3A = arith.maximumf %scan3A_436, %get3A_456 : vector<16xf32>
      %select_n3A = arith.select %gt3A, %broadcast_in_dim3A_453, %scan3A_444 : vector<16xi1>, vector<16xi32>
      %get3A_457 = arith.index_cast %scan3A_435 : i32 to index
      %get3A_458 = arith.constant 16 : index
      %get3A_459 = tpu.vector_load %arg11[%get3A_457, %get3A_458] {strides = array<i32>} : memref<184x128xf32, #tpu.memory_space<vmem>>, vector<1x16xf32>,
      %get3A_460 = vector.shape_cast %get3A_459 : vector<1x16xf32> to vector<16xf32>
      %gt3A_461 = arith.cmpf ogt, %get3A_460, %scan3A_437 : vector<16xf32>
      %max3A_462 = arith.maximumf %scan3A_437, %get3A_460 : vector<16xf32>
      %select_n3A_463 = arith.select %gt3A_461, %broadcast_in_dim3A_453, %scan3A_445 : vector<16xi1>, vector<16xi32>
      %get3A_464 = arith.index_cast %scan3A_435 : i32 to index
      %get3A_465 = arith.constant 32 : index
      %get3A_466 = tpu.vector_load %arg11[%get3A_464, %get3A_465] {strides = array<i32>} : memref<184x128xf32, #tpu.memory_space<vmem>>, vector<1x16xf32>,
      %get3A_467 = vector.shape_cast %get3A_466 : vector<1x16xf32> to vector<16xf32>
      %gt3A_468 = arith.cmpf ogt, %get3A_467, %scan3A_438 : vector<16xf32>
      %max3A_469 = arith.maximumf %scan3A_438, %get3A_467 : vector<16xf32>
      %select_n3A_470 = arith.select %gt3A_468, %broadcast_in_dim3A_453, %scan3A_446 : vector<16xi1>, vector<16xi32>
      %get3A_471 = arith.index_cast %scan3A_435 : i32 to index
      %get3A_472 = arith.constant 48 : index
      %get3A_473 = tpu.vector_load %arg11[%get3A_471, %get3A_472] {strides = array<i32>} : memref<184x128xf32, #tpu.memory_space<vmem>>, vector<1x16xf32>,
      %get3A_474 = vector.shape_cast %get3A_473 : vector<1x16xf32> to vector<16xf32>
      %gt3A_475 = arith.cmpf ogt, %get3A_474, %scan3A_439 : vector<16xf32>
      %max3A_476 = arith.maximumf %scan3A_439, %get3A_474 : vector<16xf32>
      %select_n3A_477 = arith.select %gt3A_475, %broadcast_in_dim3A_453, %scan3A_447 : vector<16xi1>, vector<16xi32>
      %get3A_478 = arith.index_cast %scan3A_435 : i32 to index
      %get3A_479 = arith.constant 64 : index
      %get3A_480 = tpu.vector_load %arg11[%get3A_478, %get3A_479] {strides = array<i32>} : memref<184x128xf32, #tpu.memory_space<vmem>>, vector<1x16xf32>,
      %get3A_481 = vector.shape_cast %get3A_480 : vector<1x16xf32> to vector<16xf32>
      %gt3A_482 = arith.cmpf ogt, %get3A_481, %scan3A_440 : vector<16xf32>
      %max3A_483 = arith.maximumf %scan3A_440, %get3A_481 : vector<16xf32>
      %select_n3A_484 = arith.select %gt3A_482, %broadcast_in_dim3A_453, %scan3A_448 : vector<16xi1>, vector<16xi32>
      %get3A_485 = arith.index_cast %scan3A_435 : i32 to index
      %get3A_486 = arith.constant 80 : index
      %get3A_487 = tpu.vector_load %arg11[%get3A_485, %get3A_486] {strides = array<i32>} : memref<184x128xf32, #tpu.memory_space<vmem>>, vector<1x16xf32>,
      %get3A_488 = vector.shape_cast %get3A_487 : vector<1x16xf32> to vector<16xf32>
      %gt3A_489 = arith.cmpf ogt, %get3A_488, %scan3A_441 : vector<16xf32>
      %max3A_490 = arith.maximumf %scan3A_441, %get3A_488 : vector<16xf32>
      %select_n3A_491 = arith.select %gt3A_489, %broadcast_in_dim3A_453, %scan3A_449 : vector<16xi1>, vector<16xi32>
      %get3A_492 = arith.index_cast %scan3A_435 : i32 to index
      %get3A_493 = arith.constant 96 : index
      %get3A_494 = tpu.vector_load %arg11[%get3A_492, %get3A_493] {strides = array<i32>} : memref<184x128xf32, #tpu.memory_space<vmem>>, vector<1x16xf32>,
      %get3A_495 = vector.shape_cast %get3A_494 : vector<1x16xf32> to vector<16xf32>
      %gt3A_496 = arith.cmpf ogt, %get3A_495, %scan3A_442 : vector<16xf32>
      %max3A_497 = arith.maximumf %scan3A_442, %get3A_495 : vector<16xf32>
      %select_n3A_498 = arith.select %gt3A_496, %broadcast_in_dim3A_453, %scan3A_450 : vector<16xi1>, vector<16xi32>
      %get3A_499 = arith.index_cast %scan3A_435 : i32 to index
      %get3A_500 = arith.constant 112 : index
      %get3A_501 = tpu.vector_load %arg11[%get3A_499, %get3A_500] {strides = array<i32>} : memref<184x128xf32, #tpu.memory_space<vmem>>, vector<1x16xf32>,
      %get3A_502 = vector.shape_cast %get3A_501 : vector<1x16xf32> to vector<16xf32>
      %gt3A_503 = arith.cmpf ogt, %get3A_502, %scan3A_443 : vector<16xf32>
      %max3A_504 = arith.maximumf %scan3A_443, %get3A_502 : vector<16xf32>
      %select_n3A_505 = arith.select %gt3A_503, %broadcast_in_dim3A_453, %scan3A_451 : vector<16xi1>, vector<16xi32>
      scf.yield %max3A, %max3A_462, %max3A_469, %max3A_476, %max3A_483, %max3A_490, %max3A_497, %max3A_504, %select_n3A, %select_n3A_463, %select_n3A_470, %select_n3A_477, %select_n3A_484, %select_n3A_491, %select_n3A_498, %select_n3A_505 : vector<16xf32>, vector<16xf32>, vector<16xf32>, vector<16xf32>, vector<16xf32>, vector<16xf32>, vector<16xf32>, vector<16xf32>, vector<16xi32>, vector<16xi32>, vector<16xi32>, vector<16xi32>, vector<16xi32>, vector<16xi32>, vector<16xi32>, vector<16xi32>
    }
    %scan3A_121 = arith.constant 184 : i32
    %dma_wait3A_122 = arith.constant 0 : i32
    %dma_wait3A_123 = tpu.memref_slice %arg2[%add3A_73, %dma_wait3A_122] : memref<100000x128xf32, #tpu.memory_space<hbm>> -> memref<184x128xf32, #tpu.memory_space<hbm>>
    %dma_wait3A_124 = arith.constant 0 : i32
    %dma_wait3A_125 = tpu.memref_slice %arg2[%add3A_73, %dma_wait3A_124] : memref<100000x128xf32, #tpu.memory_space<hbm>> -> memref<184x128xf32, #tpu.memory_space<hbm>>
    tpu.wait_dma2 semaphore(%arg19 : memref<!tpu.dma_semaphore, #tpu.memory_space<semaphore_mem>>) src(%dma_wait3A_125 : memref<184x128xf32, #tpu.memory_space<hbm>>) dst(%arg8 : memref<184x128xf32, #tpu.memory_space<vmem>>)
    %add3A_126 = arith.constant 1288 : i32
    %add3A_127 = arith.addi %multiple_of3A, %add3A_126 : i32
    %dma_start3A_128 = arith.constant 0 : i32
    %dma_start3A_129 = tpu.memref_slice %arg2[%add3A_127, %dma_start3A_128] : memref<100000x128xf32, #tpu.memory_space<hbm>> -> memref<184x128xf32, #tpu.memory_space<hbm>>
    %dma_start3A_130 = arith.constant 0 : i32
    %dma_start3A_131 = tpu.memref_slice %arg2[%add3A_127, %dma_start3A_130] : memref<100000x128xf32, #tpu.memory_space<hbm>> -> memref<184x128xf32, #tpu.memory_space<hbm>>
    tpu.enqueue_dma source(%dma_start3A_131 : memref<184x128xf32, #tpu.memory_space<hbm>>) target(%arg11 : memref<184x128xf32, #tpu.memory_space<vmem>>) target_semaphore(%arg22 : memref<!tpu.dma_semaphore, #tpu.memory_space<semaphore_mem>>)
    %add3A_132 = arith.constant 736 : i32
    %add3A_133 = arith.addi %multiple_of3A, %add3A_132 : i32
    %scan3A_134 = arith.constant 0 : i32
    %scan3A_135 = arith.constant 184 : i32
    %scan3A_136 = arith.addi %scan3A_134, %scan3A_135 : i32
    %scan3A_137 = arith.constant 1 : i32
    %scan3A_138:16 = scf.for %scan3A_435 = %scan3A_134 to %scan3A_136 step %scan3A_137 iter_args(%scan3A_436 = %scan3A_120#0, %scan3A_437 = %scan3A_120#1, %scan3A_438 = %scan3A_120#2, %scan3A_439 = %scan3A_120#3, %scan3A_440 = %scan3A_120#4, %scan3A_441 = %scan3A_120#5, %scan3A_442 = %scan3A_120#6, %scan3A_443 = %scan3A_120#7, %scan3A_444 = %scan3A_120#8, %scan3A_445 = %scan3A_120#9, %scan3A_446 = %scan3A_120#10, %scan3A_447 = %scan3A_120#11, %scan3A_448 = %scan3A_120#12, %scan3A_449 = %scan3A_120#13, %scan3A_450 = %scan3A_120#14, %scan3A_451 = %scan3A_120#15) -> (vector<16xf32>, vector<16xf32>, vector<16xf32>, vector<16xf32>, vector<16xf32>, vector<16xf32>, vector<16xf32>, vector<16xf32>, vector<16xi32>, vector<16xi32>, vector<16xi32>, vector<16xi32>, vector<16xi32>, vector<16xi32>, vector<16xi32>, vector<16xi32>)  : i32 {
      %add3A_452 = arith.addi %add3A_133, %scan3A_435 : i32
      %broadcast_in_dim3A_453 = vector.broadcast %add3A_452 : i32 to vector<16xi32>
      %get3A = arith.index_cast %scan3A_435 : i32 to index
      %get3A_454 = arith.constant 0 : index
      %get3A_455 = tpu.vector_load %arg8[%get3A, %get3A_454] {strides = array<i32>} : memref<184x128xf32, #tpu.memory_space<vmem>>, vector<1x16xf32>,
      %get3A_456 = vector.shape_cast %get3A_455 : vector<1x16xf32> to vector<16xf32>
      %gt3A = arith.cmpf ogt, %get3A_456, %scan3A_436 : vector<16xf32>
      %max3A = arith.maximumf %scan3A_436, %get3A_456 : vector<16xf32>
      %select_n3A = arith.select %gt3A, %broadcast_in_dim3A_453, %scan3A_444 : vector<16xi1>, vector<16xi32>
      %get3A_457 = arith.index_cast %scan3A_435 : i32 to index
      %get3A_458 = arith.constant 16 : index
      %get3A_459 = tpu.vector_load %arg8[%get3A_457, %get3A_458] {strides = array<i32>} : memref<184x128xf32, #tpu.memory_space<vmem>>, vector<1x16xf32>,
      %get3A_460 = vector.shape_cast %get3A_459 : vector<1x16xf32> to vector<16xf32>
      %gt3A_461 = arith.cmpf ogt, %get3A_460, %scan3A_437 : vector<16xf32>
      %max3A_462 = arith.maximumf %scan3A_437, %get3A_460 : vector<16xf32>
      %select_n3A_463 = arith.select %gt3A_461, %broadcast_in_dim3A_453, %scan3A_445 : vector<16xi1>, vector<16xi32>
      %get3A_464 = arith.index_cast %scan3A_435 : i32 to index
      %get3A_465 = arith.constant 32 : index
      %get3A_466 = tpu.vector_load %arg8[%get3A_464, %get3A_465] {strides = array<i32>} : memref<184x128xf32, #tpu.memory_space<vmem>>, vector<1x16xf32>,
      %get3A_467 = vector.shape_cast %get3A_466 : vector<1x16xf32> to vector<16xf32>
      %gt3A_468 = arith.cmpf ogt, %get3A_467, %scan3A_438 : vector<16xf32>
      %max3A_469 = arith.maximumf %scan3A_438, %get3A_467 : vector<16xf32>
      %select_n3A_470 = arith.select %gt3A_468, %broadcast_in_dim3A_453, %scan3A_446 : vector<16xi1>, vector<16xi32>
      %get3A_471 = arith.index_cast %scan3A_435 : i32 to index
      %get3A_472 = arith.constant 48 : index
      %get3A_473 = tpu.vector_load %arg8[%get3A_471, %get3A_472] {strides = array<i32>} : memref<184x128xf32, #tpu.memory_space<vmem>>, vector<1x16xf32>,
      %get3A_474 = vector.shape_cast %get3A_473 : vector<1x16xf32> to vector<16xf32>
      %gt3A_475 = arith.cmpf ogt, %get3A_474, %scan3A_439 : vector<16xf32>
      %max3A_476 = arith.maximumf %scan3A_439, %get3A_474 : vector<16xf32>
      %select_n3A_477 = arith.select %gt3A_475, %broadcast_in_dim3A_453, %scan3A_447 : vector<16xi1>, vector<16xi32>
      %get3A_478 = arith.index_cast %scan3A_435 : i32 to index
      %get3A_479 = arith.constant 64 : index
      %get3A_480 = tpu.vector_load %arg8[%get3A_478, %get3A_479] {strides = array<i32>} : memref<184x128xf32, #tpu.memory_space<vmem>>, vector<1x16xf32>,
      %get3A_481 = vector.shape_cast %get3A_480 : vector<1x16xf32> to vector<16xf32>
      %gt3A_482 = arith.cmpf ogt, %get3A_481, %scan3A_440 : vector<16xf32>
      %max3A_483 = arith.maximumf %scan3A_440, %get3A_481 : vector<16xf32>
      %select_n3A_484 = arith.select %gt3A_482, %broadcast_in_dim3A_453, %scan3A_448 : vector<16xi1>, vector<16xi32>
      %get3A_485 = arith.index_cast %scan3A_435 : i32 to index
      %get3A_486 = arith.constant 80 : index
      %get3A_487 = tpu.vector_load %arg8[%get3A_485, %get3A_486] {strides = array<i32>} : memref<184x128xf32, #tpu.memory_space<vmem>>, vector<1x16xf32>,
      %get3A_488 = vector.shape_cast %get3A_487 : vector<1x16xf32> to vector<16xf32>
      %gt3A_489 = arith.cmpf ogt, %get3A_488, %scan3A_441 : vector<16xf32>
      %max3A_490 = arith.maximumf %scan3A_441, %get3A_488 : vector<16xf32>
      %select_n3A_491 = arith.select %gt3A_489, %broadcast_in_dim3A_453, %scan3A_449 : vector<16xi1>, vector<16xi32>
      %get3A_492 = arith.index_cast %scan3A_435 : i32 to index
      %get3A_493 = arith.constant 96 : index
      %get3A_494 = tpu.vector_load %arg8[%get3A_492, %get3A_493] {strides = array<i32>} : memref<184x128xf32, #tpu.memory_space<vmem>>, vector<1x16xf32>,
      %get3A_495 = vector.shape_cast %get3A_494 : vector<1x16xf32> to vector<16xf32>
      %gt3A_496 = arith.cmpf ogt, %get3A_495, %scan3A_442 : vector<16xf32>
      %max3A_497 = arith.maximumf %scan3A_442, %get3A_495 : vector<16xf32>
      %select_n3A_498 = arith.select %gt3A_496, %broadcast_in_dim3A_453, %scan3A_450 : vector<16xi1>, vector<16xi32>
      %get3A_499 = arith.index_cast %scan3A_435 : i32 to index
      %get3A_500 = arith.constant 112 : index
      %get3A_501 = tpu.vector_load %arg8[%get3A_499, %get3A_500] {strides = array<i32>} : memref<184x128xf32, #tpu.memory_space<vmem>>, vector<1x16xf32>,
      %get3A_502 = vector.shape_cast %get3A_501 : vector<1x16xf32> to vector<16xf32>
      %gt3A_503 = arith.cmpf ogt, %get3A_502, %scan3A_443 : vector<16xf32>
      %max3A_504 = arith.maximumf %scan3A_443, %get3A_502 : vector<16xf32>
      %select_n3A_505 = arith.select %gt3A_503, %broadcast_in_dim3A_453, %scan3A_451 : vector<16xi1>, vector<16xi32>
      scf.yield %max3A, %max3A_462, %max3A_469, %max3A_476, %max3A_483, %max3A_490, %max3A_497, %max3A_504, %select_n3A, %select_n3A_463, %select_n3A_470, %select_n3A_477, %select_n3A_484, %select_n3A_491, %select_n3A_498, %select_n3A_505 : vector<16xf32>, vector<16xf32>, vector<16xf32>, vector<16xf32>, vector<16xf32>, vector<16xf32>, vector<16xf32>, vector<16xf32>, vector<16xi32>, vector<16xi32>, vector<16xi32>, vector<16xi32>, vector<16xi32>, vector<16xi32>, vector<16xi32>, vector<16xi32>
    }
    %scan3A_139 = arith.constant 184 : i32
    %dma_wait3A_140 = arith.constant 0 : i32
    %dma_wait3A_141 = tpu.memref_slice %arg2[%add3A_91, %dma_wait3A_140] : memref<100000x128xf32, #tpu.memory_space<hbm>> -> memref<184x128xf32, #tpu.memory_space<hbm>>
    %dma_wait3A_142 = arith.constant 0 : i32
    %dma_wait3A_143 = tpu.memref_slice %arg2[%add3A_91, %dma_wait3A_142] : memref<100000x128xf32, #tpu.memory_space<hbm>> -> memref<184x128xf32, #tpu.memory_space<hbm>>
    tpu.wait_dma2 semaphore(%arg20 : memref<!tpu.dma_semaphore, #tpu.memory_space<semaphore_mem>>) src(%dma_wait3A_143 : memref<184x128xf32, #tpu.memory_space<hbm>>) dst(%arg9 : memref<184x128xf32, #tpu.memory_space<vmem>>)
    %add3A_144 = arith.constant 1472 : i32
    %add3A_145 = arith.addi %multiple_of3A, %add3A_144 : i32
    %dma_start3A_146 = arith.constant 0 : i32
    %dma_start3A_147 = tpu.memref_slice %arg2[%add3A_145, %dma_start3A_146] : memref<100000x128xf32, #tpu.memory_space<hbm>> -> memref<184x128xf32, #tpu.memory_space<hbm>>
    %dma_start3A_148 = arith.constant 0 : i32
    %dma_start3A_149 = tpu.memref_slice %arg2[%add3A_145, %dma_start3A_148] : memref<100000x128xf32, #tpu.memory_space<hbm>> -> memref<184x128xf32, #tpu.memory_space<hbm>>
    tpu.enqueue_dma source(%dma_start3A_149 : memref<184x128xf32, #tpu.memory_space<hbm>>) target(%arg8 : memref<184x128xf32, #tpu.memory_space<vmem>>) target_semaphore(%arg19 : memref<!tpu.dma_semaphore, #tpu.memory_space<semaphore_mem>>)
    %add3A_150 = arith.constant 920 : i32
    %add3A_151 = arith.addi %multiple_of3A, %add3A_150 : i32
    %scan3A_152 = arith.constant 0 : i32
    %scan3A_153 = arith.constant 184 : i32
    %scan3A_154 = arith.addi %scan3A_152, %scan3A_153 : i32
    %scan3A_155 = arith.constant 1 : i32
    %scan3A_156:16 = scf.for %scan3A_435 = %scan3A_152 to %scan3A_154 step %scan3A_155 iter_args(%scan3A_436 = %scan3A_138#0, %scan3A_437 = %scan3A_138#1, %scan3A_438 = %scan3A_138#2, %scan3A_439 = %scan3A_138#3, %scan3A_440 = %scan3A_138#4, %scan3A_441 = %scan3A_138#5, %scan3A_442 = %scan3A_138#6, %scan3A_443 = %scan3A_138#7, %scan3A_444 = %scan3A_138#8, %scan3A_445 = %scan3A_138#9, %scan3A_446 = %scan3A_138#10, %scan3A_447 = %scan3A_138#11, %scan3A_448 = %scan3A_138#12, %scan3A_449 = %scan3A_138#13, %scan3A_450 = %scan3A_138#14, %scan3A_451 = %scan3A_138#15) -> (vector<16xf32>, vector<16xf32>, vector<16xf32>, vector<16xf32>, vector<16xf32>, vector<16xf32>, vector<16xf32>, vector<16xf32>, vector<16xi32>, vector<16xi32>, vector<16xi32>, vector<16xi32>, vector<16xi32>, vector<16xi32>, vector<16xi32>, vector<16xi32>)  : i32 {
      %add3A_452 = arith.addi %add3A_151, %scan3A_435 : i32
      %broadcast_in_dim3A_453 = vector.broadcast %add3A_452 : i32 to vector<16xi32>
      %get3A = arith.index_cast %scan3A_435 : i32 to index
      %get3A_454 = arith.constant 0 : index
      %get3A_455 = tpu.vector_load %arg9[%get3A, %get3A_454] {strides = array<i32>} : memref<184x128xf32, #tpu.memory_space<vmem>>, vector<1x16xf32>,
      %get3A_456 = vector.shape_cast %get3A_455 : vector<1x16xf32> to vector<16xf32>
      %gt3A = arith.cmpf ogt, %get3A_456, %scan3A_436 : vector<16xf32>
      %max3A = arith.maximumf %scan3A_436, %get3A_456 : vector<16xf32>
      %select_n3A = arith.select %gt3A, %broadcast_in_dim3A_453, %scan3A_444 : vector<16xi1>, vector<16xi32>
      %get3A_457 = arith.index_cast %scan3A_435 : i32 to index
      %get3A_458 = arith.constant 16 : index
      %get3A_459 = tpu.vector_load %arg9[%get3A_457, %get3A_458] {strides = array<i32>} : memref<184x128xf32, #tpu.memory_space<vmem>>, vector<1x16xf32>,
      %get3A_460 = vector.shape_cast %get3A_459 : vector<1x16xf32> to vector<16xf32>
      %gt3A_461 = arith.cmpf ogt, %get3A_460, %scan3A_437 : vector<16xf32>
      %max3A_462 = arith.maximumf %scan3A_437, %get3A_460 : vector<16xf32>
      %select_n3A_463 = arith.select %gt3A_461, %broadcast_in_dim3A_453, %scan3A_445 : vector<16xi1>, vector<16xi32>
      %get3A_464 = arith.index_cast %scan3A_435 : i32 to index
      %get3A_465 = arith.constant 32 : index
      %get3A_466 = tpu.vector_load %arg9[%get3A_464, %get3A_465] {strides = array<i32>} : memref<184x128xf32, #tpu.memory_space<vmem>>, vector<1x16xf32>,
      %get3A_467 = vector.shape_cast %get3A_466 : vector<1x16xf32> to vector<16xf32>
      %gt3A_468 = arith.cmpf ogt, %get3A_467, %scan3A_438 : vector<16xf32>
      %max3A_469 = arith.maximumf %scan3A_438, %get3A_467 : vector<16xf32>
      %select_n3A_470 = arith.select %gt3A_468, %broadcast_in_dim3A_453, %scan3A_446 : vector<16xi1>, vector<16xi32>
      %get3A_471 = arith.index_cast %scan3A_435 : i32 to index
      %get3A_472 = arith.constant 48 : index
      %get3A_473 = tpu.vector_load %arg9[%get3A_471, %get3A_472] {strides = array<i32>} : memref<184x128xf32, #tpu.memory_space<vmem>>, vector<1x16xf32>,
      %get3A_474 = vector.shape_cast %get3A_473 : vector<1x16xf32> to vector<16xf32>
      %gt3A_475 = arith.cmpf ogt, %get3A_474, %scan3A_439 : vector<16xf32>
      %max3A_476 = arith.maximumf %scan3A_439, %get3A_474 : vector<16xf32>
      %select_n3A_477 = arith.select %gt3A_475, %broadcast_in_dim3A_453, %scan3A_447 : vector<16xi1>, vector<16xi32>
      %get3A_478 = arith.index_cast %scan3A_435 : i32 to index
      %get3A_479 = arith.constant 64 : index
      %get3A_480 = tpu.vector_load %arg9[%get3A_478, %get3A_479] {strides = array<i32>} : memref<184x128xf32, #tpu.memory_space<vmem>>, vector<1x16xf32>,
      %get3A_481 = vector.shape_cast %get3A_480 : vector<1x16xf32> to vector<16xf32>
      %gt3A_482 = arith.cmpf ogt, %get3A_481, %scan3A_440 : vector<16xf32>
      %max3A_483 = arith.maximumf %scan3A_440, %get3A_481 : vector<16xf32>
      %select_n3A_484 = arith.select %gt3A_482, %broadcast_in_dim3A_453, %scan3A_448 : vector<16xi1>, vector<16xi32>
      %get3A_485 = arith.index_cast %scan3A_435 : i32 to index
      %get3A_486 = arith.constant 80 : index
      %get3A_487 = tpu.vector_load %arg9[%get3A_485, %get3A_486] {strides = array<i32>} : memref<184x128xf32, #tpu.memory_space<vmem>>, vector<1x16xf32>,
      %get3A_488 = vector.shape_cast %get3A_487 : vector<1x16xf32> to vector<16xf32>
      %gt3A_489 = arith.cmpf ogt, %get3A_488, %scan3A_441 : vector<16xf32>
      %max3A_490 = arith.maximumf %scan3A_441, %get3A_488 : vector<16xf32>
      %select_n3A_491 = arith.select %gt3A_489, %broadcast_in_dim3A_453, %scan3A_449 : vector<16xi1>, vector<16xi32>
      %get3A_492 = arith.index_cast %scan3A_435 : i32 to index
      %get3A_493 = arith.constant 96 : index
      %get3A_494 = tpu.vector_load %arg9[%get3A_492, %get3A_493] {strides = array<i32>} : memref<184x128xf32, #tpu.memory_space<vmem>>, vector<1x16xf32>,
      %get3A_495 = vector.shape_cast %get3A_494 : vector<1x16xf32> to vector<16xf32>
      %gt3A_496 = arith.cmpf ogt, %get3A_495, %scan3A_442 : vector<16xf32>
      %max3A_497 = arith.maximumf %scan3A_442, %get3A_495 : vector<16xf32>
      %select_n3A_498 = arith.select %gt3A_496, %broadcast_in_dim3A_453, %scan3A_450 : vector<16xi1>, vector<16xi32>
      %get3A_499 = arith.index_cast %scan3A_435 : i32 to index
      %get3A_500 = arith.constant 112 : index
      %get3A_501 = tpu.vector_load %arg9[%get3A_499, %get3A_500] {strides = array<i32>} : memref<184x128xf32, #tpu.memory_space<vmem>>, vector<1x16xf32>,
      %get3A_502 = vector.shape_cast %get3A_501 : vector<1x16xf32> to vector<16xf32>
      %gt3A_503 = arith.cmpf ogt, %get3A_502, %scan3A_443 : vector<16xf32>
      %max3A_504 = arith.maximumf %scan3A_443, %get3A_502 : vector<16xf32>
      %select_n3A_505 = arith.select %gt3A_503, %broadcast_in_dim3A_453, %scan3A_451 : vector<16xi1>, vector<16xi32>
      scf.yield %max3A, %max3A_462, %max3A_469, %max3A_476, %max3A_483, %max3A_490, %max3A_497, %max3A_504, %select_n3A, %select_n3A_463, %select_n3A_470, %select_n3A_477, %select_n3A_484, %select_n3A_491, %select_n3A_498, %select_n3A_505 : vector<16xf32>, vector<16xf32>, vector<16xf32>, vector<16xf32>, vector<16xf32>, vector<16xf32>, vector<16xf32>, vector<16xf32>, vector<16xi32>, vector<16xi32>, vector<16xi32>, vector<16xi32>, vector<16xi32>, vector<16xi32>, vector<16xi32>, vector<16xi32>
    }
    %scan3A_157 = arith.constant 184 : i32
    %dma_wait3A_158 = arith.constant 0 : i32
    %dma_wait3A_159 = tpu.memref_slice %arg2[%add3A_109, %dma_wait3A_158] : memref<100000x128xf32, #tpu.memory_space<hbm>> -> memref<184x128xf32, #tpu.memory_space<hbm>>
    %dma_wait3A_160 = arith.constant 0 : i32
    %dma_wait3A_161 = tpu.memref_slice %arg2[%add3A_109, %dma_wait3A_160] : memref<100000x128xf32, #tpu.memory_space<hbm>> -> memref<184x128xf32, #tpu.memory_space<hbm>>
    tpu.wait_dma2 semaphore(%arg21 : memref<!tpu.dma_semaphore, #tpu.memory_space<semaphore_mem>>) src(%dma_wait3A_161 : memref<184x128xf32, #tpu.memory_space<hbm>>) dst(%arg10 : memref<184x128xf32, #tpu.memory_space<vmem>>)
    %add3A_162 = arith.constant 1656 : i32
    %add3A_163 = arith.addi %multiple_of3A, %add3A_162 : i32
    %dma_start3A_164 = arith.constant 0 : i32
    %dma_start3A_165 = tpu.memref_slice %arg2[%add3A_163, %dma_start3A_164] : memref<100000x128xf32, #tpu.memory_space<hbm>> -> memref<184x128xf32, #tpu.memory_space<hbm>>
    %dma_start3A_166 = arith.constant 0 : i32
    %dma_start3A_167 = tpu.memref_slice %arg2[%add3A_163, %dma_start3A_166] : memref<100000x128xf32, #tpu.memory_space<hbm>> -> memref<184x128xf32, #tpu.memory_space<hbm>>
    tpu.enqueue_dma source(%dma_start3A_167 : memref<184x128xf32, #tpu.memory_space<hbm>>) target(%arg9 : memref<184x128xf32, #tpu.memory_space<vmem>>) target_semaphore(%arg20 : memref<!tpu.dma_semaphore, #tpu.memory_space<semaphore_mem>>)
    %add3A_168 = arith.constant 1104 : i32
    %add3A_169 = arith.addi %multiple_of3A, %add3A_168 : i32
    %scan3A_170 = arith.constant 0 : i32
    %scan3A_171 = arith.constant 184 : i32
    %scan3A_172 = arith.addi %scan3A_170, %scan3A_171 : i32
    %scan3A_173 = arith.constant 1 : i32
    %scan3A_174:16 = scf.for %scan3A_435 = %scan3A_170 to %scan3A_172 step %scan3A_173 iter_args(%scan3A_436 = %scan3A_156#0, %scan3A_437 = %scan3A_156#1, %scan3A_438 = %scan3A_156#2, %scan3A_439 = %scan3A_156#3, %scan3A_440 = %scan3A_156#4, %scan3A_441 = %scan3A_156#5, %scan3A_442 = %scan3A_156#6, %scan3A_443 = %scan3A_156#7, %scan3A_444 = %scan3A_156#8, %scan3A_445 = %scan3A_156#9, %scan3A_446 = %scan3A_156#10, %scan3A_447 = %scan3A_156#11, %scan3A_448 = %scan3A_156#12, %scan3A_449 = %scan3A_156#13, %scan3A_450 = %scan3A_156#14, %scan3A_451 = %scan3A_156#15) -> (vector<16xf32>, vector<16xf32>, vector<16xf32>, vector<16xf32>, vector<16xf32>, vector<16xf32>, vector<16xf32>, vector<16xf32>, vector<16xi32>, vector<16xi32>, vector<16xi32>, vector<16xi32>, vector<16xi32>, vector<16xi32>, vector<16xi32>, vector<16xi32>)  : i32 {
      %add3A_452 = arith.addi %add3A_169, %scan3A_435 : i32
      %broadcast_in_dim3A_453 = vector.broadcast %add3A_452 : i32 to vector<16xi32>
      %get3A = arith.index_cast %scan3A_435 : i32 to index
      %get3A_454 = arith.constant 0 : index
      %get3A_455 = tpu.vector_load %arg10[%get3A, %get3A_454] {strides = array<i32>} : memref<184x128xf32, #tpu.memory_space<vmem>>, vector<1x16xf32>,
      %get3A_456 = vector.shape_cast %get3A_455 : vector<1x16xf32> to vector<16xf32>
      %gt3A = arith.cmpf ogt, %get3A_456, %scan3A_436 : vector<16xf32>
      %max3A = arith.maximumf %scan3A_436, %get3A_456 : vector<16xf32>
      %select_n3A = arith.select %gt3A, %broadcast_in_dim3A_453, %scan3A_444 : vector<16xi1>, vector<16xi32>
      %get3A_457 = arith.index_cast %scan3A_435 : i32 to index
      %get3A_458 = arith.constant 16 : index
      %get3A_459 = tpu.vector_load %arg10[%get3A_457, %get3A_458] {strides = array<i32>} : memref<184x128xf32, #tpu.memory_space<vmem>>, vector<1x16xf32>,
      %get3A_460 = vector.shape_cast %get3A_459 : vector<1x16xf32> to vector<16xf32>
      %gt3A_461 = arith.cmpf ogt, %get3A_460, %scan3A_437 : vector<16xf32>
      %max3A_462 = arith.maximumf %scan3A_437, %get3A_460 : vector<16xf32>
      %select_n3A_463 = arith.select %gt3A_461, %broadcast_in_dim3A_453, %scan3A_445 : vector<16xi1>, vector<16xi32>
      %get3A_464 = arith.index_cast %scan3A_435 : i32 to index
      %get3A_465 = arith.constant 32 : index
      %get3A_466 = tpu.vector_load %arg10[%get3A_464, %get3A_465] {strides = array<i32>} : memref<184x128xf32, #tpu.memory_space<vmem>>, vector<1x16xf32>,
      %get3A_467 = vector.shape_cast %get3A_466 : vector<1x16xf32> to vector<16xf32>
      %gt3A_468 = arith.cmpf ogt, %get3A_467, %scan3A_438 : vector<16xf32>
      %max3A_469 = arith.maximumf %scan3A_438, %get3A_467 : vector<16xf32>
      %select_n3A_470 = arith.select %gt3A_468, %broadcast_in_dim3A_453, %scan3A_446 : vector<16xi1>, vector<16xi32>
      %get3A_471 = arith.index_cast %scan3A_435 : i32 to index
      %get3A_472 = arith.constant 48 : index
      %get3A_473 = tpu.vector_load %arg10[%get3A_471, %get3A_472] {strides = array<i32>} : memref<184x128xf32, #tpu.memory_space<vmem>>, vector<1x16xf32>,
      %get3A_474 = vector.shape_cast %get3A_473 : vector<1x16xf32> to vector<16xf32>
      %gt3A_475 = arith.cmpf ogt, %get3A_474, %scan3A_439 : vector<16xf32>
      %max3A_476 = arith.maximumf %scan3A_439, %get3A_474 : vector<16xf32>
      %select_n3A_477 = arith.select %gt3A_475, %broadcast_in_dim3A_453, %scan3A_447 : vector<16xi1>, vector<16xi32>
      %get3A_478 = arith.index_cast %scan3A_435 : i32 to index
      %get3A_479 = arith.constant 64 : index
      %get3A_480 = tpu.vector_load %arg10[%get3A_478, %get3A_479] {strides = array<i32>} : memref<184x128xf32, #tpu.memory_space<vmem>>, vector<1x16xf32>,
      %get3A_481 = vector.shape_cast %get3A_480 : vector<1x16xf32> to vector<16xf32>
      %gt3A_482 = arith.cmpf ogt, %get3A_481, %scan3A_440 : vector<16xf32>
      %max3A_483 = arith.maximumf %scan3A_440, %get3A_481 : vector<16xf32>
      %select_n3A_484 = arith.select %gt3A_482, %broadcast_in_dim3A_453, %scan3A_448 : vector<16xi1>, vector<16xi32>
      %get3A_485 = arith.index_cast %scan3A_435 : i32 to index
      %get3A_486 = arith.constant 80 : index
      %get3A_487 = tpu.vector_load %arg10[%get3A_485, %get3A_486] {strides = array<i32>} : memref<184x128xf32, #tpu.memory_space<vmem>>, vector<1x16xf32>,
      %get3A_488 = vector.shape_cast %get3A_487 : vector<1x16xf32> to vector<16xf32>
      %gt3A_489 = arith.cmpf ogt, %get3A_488, %scan3A_441 : vector<16xf32>
      %max3A_490 = arith.maximumf %scan3A_441, %get3A_488 : vector<16xf32>
      %select_n3A_491 = arith.select %gt3A_489, %broadcast_in_dim3A_453, %scan3A_449 : vector<16xi1>, vector<16xi32>
      %get3A_492 = arith.index_cast %scan3A_435 : i32 to index
      %get3A_493 = arith.constant 96 : index
      %get3A_494 = tpu.vector_load %arg10[%get3A_492, %get3A_493] {strides = array<i32>} : memref<184x128xf32, #tpu.memory_space<vmem>>, vector<1x16xf32>,
      %get3A_495 = vector.shape_cast %get3A_494 : vector<1x16xf32> to vector<16xf32>
      %gt3A_496 = arith.cmpf ogt, %get3A_495, %scan3A_442 : vector<16xf32>
      %max3A_497 = arith.maximumf %scan3A_442, %get3A_495 : vector<16xf32>
      %select_n3A_498 = arith.select %gt3A_496, %broadcast_in_dim3A_453, %scan3A_450 : vector<16xi1>, vector<16xi32>
      %get3A_499 = arith.index_cast %scan3A_435 : i32 to index
      %get3A_500 = arith.constant 112 : index
      %get3A_501 = tpu.vector_load %arg10[%get3A_499, %get3A_500] {strides = array<i32>} : memref<184x128xf32, #tpu.memory_space<vmem>>, vector<1x16xf32>,
      %get3A_502 = vector.shape_cast %get3A_501 : vector<1x16xf32> to vector<16xf32>
      %gt3A_503 = arith.cmpf ogt, %get3A_502, %scan3A_443 : vector<16xf32>
      %max3A_504 = arith.maximumf %scan3A_443, %get3A_502 : vector<16xf32>
      %select_n3A_505 = arith.select %gt3A_503, %broadcast_in_dim3A_453, %scan3A_451 : vector<16xi1>, vector<16xi32>
      scf.yield %max3A, %max3A_462, %max3A_469, %max3A_476, %max3A_483, %max3A_490, %max3A_497, %max3A_504, %select_n3A, %select_n3A_463, %select_n3A_470, %select_n3A_477, %select_n3A_484, %select_n3A_491, %select_n3A_498, %select_n3A_505 : vector<16xf32>, vector<16xf32>, vector<16xf32>, vector<16xf32>, vector<16xf32>, vector<16xf32>, vector<16xf32>, vector<16xf32>, vector<16xi32>, vector<16xi32>, vector<16xi32>, vector<16xi32>, vector<16xi32>, vector<16xi32>, vector<16xi32>, vector<16xi32>
    }
    %scan3A_175 = arith.constant 184 : i32
    %dma_wait3A_176 = arith.constant 0 : i32
    %dma_wait3A_177 = tpu.memref_slice %arg2[%add3A_127, %dma_wait3A_176] : memref<100000x128xf32, #tpu.memory_space<hbm>> -> memref<184x128xf32, #tpu.memory_space<hbm>>
    %dma_wait3A_178 = arith.constant 0 : i32
    %dma_wait3A_179 = tpu.memref_slice %arg2[%add3A_127, %dma_wait3A_178] : memref<100000x128xf32, #tpu.memory_space<hbm>> -> memref<184x128xf32, #tpu.memory_space<hbm>>
    tpu.wait_dma2 semaphore(%arg22 : memref<!tpu.dma_semaphore, #tpu.memory_space<semaphore_mem>>) src(%dma_wait3A_179 : memref<184x128xf32, #tpu.memory_space<hbm>>) dst(%arg11 : memref<184x128xf32, #tpu.memory_space<vmem>>)
    %add3A_180 = arith.constant 1840 : i32
    %add3A_181 = arith.addi %multiple_of3A, %add3A_180 : i32
    %dma_start3A_182 = arith.constant 0 : i32
    %dma_start3A_183 = tpu.memref_slice %arg2[%add3A_181, %dma_start3A_182] : memref<100000x128xf32, #tpu.memory_space<hbm>> -> memref<184x128xf32, #tpu.memory_space<hbm>>
    %dma_start3A_184 = arith.constant 0 : i32
    %dma_start3A_185 = tpu.memref_slice %arg2[%add3A_181, %dma_start3A_184] : memref<100000x128xf32, #tpu.memory_space<hbm>> -> memref<184x128xf32, #tpu.memory_space<hbm>>
    tpu.enqueue_dma source(%dma_start3A_185 : memref<184x128xf32, #tpu.memory_space<hbm>>) target(%arg10 : memref<184x128xf32, #tpu.memory_space<vmem>>) target_semaphore(%arg21 : memref<!tpu.dma_semaphore, #tpu.memory_space<semaphore_mem>>)
    %add3A_186 = arith.constant 1288 : i32
    %add3A_187 = arith.addi %multiple_of3A, %add3A_186 : i32
    %scan3A_188 = arith.constant 0 : i32
    %scan3A_189 = arith.constant 184 : i32
    %scan3A_190 = arith.addi %scan3A_188, %scan3A_189 : i32
    %scan3A_191 = arith.constant 1 : i32
    %scan3A_192:16 = scf.for %scan3A_435 = %scan3A_188 to %scan3A_190 step %scan3A_191 iter_args(%scan3A_436 = %scan3A_174#0, %scan3A_437 = %scan3A_174#1, %scan3A_438 = %scan3A_174#2, %scan3A_439 = %scan3A_174#3, %scan3A_440 = %scan3A_174#4, %scan3A_441 = %scan3A_174#5, %scan3A_442 = %scan3A_174#6, %scan3A_443 = %scan3A_174#7, %scan3A_444 = %scan3A_174#8, %scan3A_445 = %scan3A_174#9, %scan3A_446 = %scan3A_174#10, %scan3A_447 = %scan3A_174#11, %scan3A_448 = %scan3A_174#12, %scan3A_449 = %scan3A_174#13, %scan3A_450 = %scan3A_174#14, %scan3A_451 = %scan3A_174#15) -> (vector<16xf32>, vector<16xf32>, vector<16xf32>, vector<16xf32>, vector<16xf32>, vector<16xf32>, vector<16xf32>, vector<16xf32>, vector<16xi32>, vector<16xi32>, vector<16xi32>, vector<16xi32>, vector<16xi32>, vector<16xi32>, vector<16xi32>, vector<16xi32>)  : i32 {
      %add3A_452 = arith.addi %add3A_187, %scan3A_435 : i32
      %broadcast_in_dim3A_453 = vector.broadcast %add3A_452 : i32 to vector<16xi32>
      %get3A = arith.index_cast %scan3A_435 : i32 to index
      %get3A_454 = arith.constant 0 : index
      %get3A_455 = tpu.vector_load %arg11[%get3A, %get3A_454] {strides = array<i32>} : memref<184x128xf32, #tpu.memory_space<vmem>>, vector<1x16xf32>,
      %get3A_456 = vector.shape_cast %get3A_455 : vector<1x16xf32> to vector<16xf32>
      %gt3A = arith.cmpf ogt, %get3A_456, %scan3A_436 : vector<16xf32>
      %max3A = arith.maximumf %scan3A_436, %get3A_456 : vector<16xf32>
      %select_n3A = arith.select %gt3A, %broadcast_in_dim3A_453, %scan3A_444 : vector<16xi1>, vector<16xi32>
      %get3A_457 = arith.index_cast %scan3A_435 : i32 to index
      %get3A_458 = arith.constant 16 : index
      %get3A_459 = tpu.vector_load %arg11[%get3A_457, %get3A_458] {strides = array<i32>} : memref<184x128xf32, #tpu.memory_space<vmem>>, vector<1x16xf32>,
      %get3A_460 = vector.shape_cast %get3A_459 : vector<1x16xf32> to vector<16xf32>
      %gt3A_461 = arith.cmpf ogt, %get3A_460, %scan3A_437 : vector<16xf32>
      %max3A_462 = arith.maximumf %scan3A_437, %get3A_460 : vector<16xf32>
      %select_n3A_463 = arith.select %gt3A_461, %broadcast_in_dim3A_453, %scan3A_445 : vector<16xi1>, vector<16xi32>
      %get3A_464 = arith.index_cast %scan3A_435 : i32 to index
      %get3A_465 = arith.constant 32 : index
      %get3A_466 = tpu.vector_load %arg11[%get3A_464, %get3A_465] {strides = array<i32>} : memref<184x128xf32, #tpu.memory_space<vmem>>, vector<1x16xf32>,
      %get3A_467 = vector.shape_cast %get3A_466 : vector<1x16xf32> to vector<16xf32>
      %gt3A_468 = arith.cmpf ogt, %get3A_467, %scan3A_438 : vector<16xf32>
      %max3A_469 = arith.maximumf %scan3A_438, %get3A_467 : vector<16xf32>
      %select_n3A_470 = arith.select %gt3A_468, %broadcast_in_dim3A_453, %scan3A_446 : vector<16xi1>, vector<16xi32>
      %get3A_471 = arith.index_cast %scan3A_435 : i32 to index
      %get3A_472 = arith.constant 48 : index
      %get3A_473 = tpu.vector_load %arg11[%get3A_471, %get3A_472] {strides = array<i32>} : memref<184x128xf32, #tpu.memory_space<vmem>>, vector<1x16xf32>,
      %get3A_474 = vector.shape_cast %get3A_473 : vector<1x16xf32> to vector<16xf32>
      %gt3A_475 = arith.cmpf ogt, %get3A_474, %scan3A_439 : vector<16xf32>
      %max3A_476 = arith.maximumf %scan3A_439, %get3A_474 : vector<16xf32>
      %select_n3A_477 = arith.select %gt3A_475, %broadcast_in_dim3A_453, %scan3A_447 : vector<16xi1>, vector<16xi32>
      %get3A_478 = arith.index_cast %scan3A_435 : i32 to index
      %get3A_479 = arith.constant 64 : index
      %get3A_480 = tpu.vector_load %arg11[%get3A_478, %get3A_479] {strides = array<i32>} : memref<184x128xf32, #tpu.memory_space<vmem>>, vector<1x16xf32>,
      %get3A_481 = vector.shape_cast %get3A_480 : vector<1x16xf32> to vector<16xf32>
      %gt3A_482 = arith.cmpf ogt, %get3A_481, %scan3A_440 : vector<16xf32>
      %max3A_483 = arith.maximumf %scan3A_440, %get3A_481 : vector<16xf32>
      %select_n3A_484 = arith.select %gt3A_482, %broadcast_in_dim3A_453, %scan3A_448 : vector<16xi1>, vector<16xi32>
      %get3A_485 = arith.index_cast %scan3A_435 : i32 to index
      %get3A_486 = arith.constant 80 : index
      %get3A_487 = tpu.vector_load %arg11[%get3A_485, %get3A_486] {strides = array<i32>} : memref<184x128xf32, #tpu.memory_space<vmem>>, vector<1x16xf32>,
      %get3A_488 = vector.shape_cast %get3A_487 : vector<1x16xf32> to vector<16xf32>
      %gt3A_489 = arith.cmpf ogt, %get3A_488, %scan3A_441 : vector<16xf32>
      %max3A_490 = arith.maximumf %scan3A_441, %get3A_488 : vector<16xf32>
      %select_n3A_491 = arith.select %gt3A_489, %broadcast_in_dim3A_453, %scan3A_449 : vector<16xi1>, vector<16xi32>
      %get3A_492 = arith.index_cast %scan3A_435 : i32 to index
      %get3A_493 = arith.constant 96 : index
      %get3A_494 = tpu.vector_load %arg11[%get3A_492, %get3A_493] {strides = array<i32>} : memref<184x128xf32, #tpu.memory_space<vmem>>, vector<1x16xf32>,
      %get3A_495 = vector.shape_cast %get3A_494 : vector<1x16xf32> to vector<16xf32>
      %gt3A_496 = arith.cmpf ogt, %get3A_495, %scan3A_442 : vector<16xf32>
      %max3A_497 = arith.maximumf %scan3A_442, %get3A_495 : vector<16xf32>
      %select_n3A_498 = arith.select %gt3A_496, %broadcast_in_dim3A_453, %scan3A_450 : vector<16xi1>, vector<16xi32>
      %get3A_499 = arith.index_cast %scan3A_435 : i32 to index
      %get3A_500 = arith.constant 112 : index
      %get3A_501 = tpu.vector_load %arg11[%get3A_499, %get3A_500] {strides = array<i32>} : memref<184x128xf32, #tpu.memory_space<vmem>>, vector<1x16xf32>,
      %get3A_502 = vector.shape_cast %get3A_501 : vector<1x16xf32> to vector<16xf32>
      %gt3A_503 = arith.cmpf ogt, %get3A_502, %scan3A_443 : vector<16xf32>
      %max3A_504 = arith.maximumf %scan3A_443, %get3A_502 : vector<16xf32>
      %select_n3A_505 = arith.select %gt3A_503, %broadcast_in_dim3A_453, %scan3A_451 : vector<16xi1>, vector<16xi32>
      scf.yield %max3A, %max3A_462, %max3A_469, %max3A_476, %max3A_483, %max3A_490, %max3A_497, %max3A_504, %select_n3A, %select_n3A_463, %select_n3A_470, %select_n3A_477, %select_n3A_484, %select_n3A_491, %select_n3A_498, %select_n3A_505 : vector<16xf32>, vector<16xf32>, vector<16xf32>, vector<16xf32>, vector<16xf32>, vector<16xf32>, vector<16xf32>, vector<16xf32>, vector<16xi32>, vector<16xi32>, vector<16xi32>, vector<16xi32>, vector<16xi32>, vector<16xi32>, vector<16xi32>, vector<16xi32>
    }
    %scan3A_193 = arith.constant 184 : i32
    %dma_wait3A_194 = arith.constant 0 : i32
    %dma_wait3A_195 = tpu.memref_slice %arg2[%add3A_145, %dma_wait3A_194] : memref<100000x128xf32, #tpu.memory_space<hbm>> -> memref<184x128xf32, #tpu.memory_space<hbm>>
    %dma_wait3A_196 = arith.constant 0 : i32
    %dma_wait3A_197 = tpu.memref_slice %arg2[%add3A_145, %dma_wait3A_196] : memref<100000x128xf32, #tpu.memory_space<hbm>> -> memref<184x128xf32, #tpu.memory_space<hbm>>
    tpu.wait_dma2 semaphore(%arg19 : memref<!tpu.dma_semaphore, #tpu.memory_space<semaphore_mem>>) src(%dma_wait3A_197 : memref<184x128xf32, #tpu.memory_space<hbm>>) dst(%arg8 : memref<184x128xf32, #tpu.memory_space<vmem>>)
    %add3A_198 = arith.constant 2024 : i32
    %add3A_199 = arith.addi %multiple_of3A, %add3A_198 : i32
    %dma_start3A_200 = arith.constant 0 : i32
    %dma_start3A_201 = tpu.memref_slice %arg2[%add3A_199, %dma_start3A_200] : memref<100000x128xf32, #tpu.memory_space<hbm>> -> memref<184x128xf32, #tpu.memory_space<hbm>>
    %dma_start3A_202 = arith.constant 0 : i32
    %dma_start3A_203 = tpu.memref_slice %arg2[%add3A_199, %dma_start3A_202] : memref<100000x128xf32, #tpu.memory_space<hbm>> -> memref<184x128xf32, #tpu.memory_space<hbm>>
    tpu.enqueue_dma source(%dma_start3A_203 : memref<184x128xf32, #tpu.memory_space<hbm>>) target(%arg11 : memref<184x128xf32, #tpu.memory_space<vmem>>) target_semaphore(%arg22 : memref<!tpu.dma_semaphore, #tpu.memory_space<semaphore_mem>>)
    %add3A_204 = arith.constant 1472 : i32
    %add3A_205 = arith.addi %multiple_of3A, %add3A_204 : i32
    %scan3A_206 = arith.constant 0 : i32
    %scan3A_207 = arith.constant 184 : i32
    %scan3A_208 = arith.addi %scan3A_206, %scan3A_207 : i32
    %scan3A_209 = arith.constant 1 : i32
    %scan3A_210:16 = scf.for %scan3A_435 = %scan3A_206 to %scan3A_208 step %scan3A_209 iter_args(%scan3A_436 = %scan3A_192#0, %scan3A_437 = %scan3A_192#1, %scan3A_438 = %scan3A_192#2, %scan3A_439 = %scan3A_192#3, %scan3A_440 = %scan3A_192#4, %scan3A_441 = %scan3A_192#5, %scan3A_442 = %scan3A_192#6, %scan3A_443 = %scan3A_192#7, %scan3A_444 = %scan3A_192#8, %scan3A_445 = %scan3A_192#9, %scan3A_446 = %scan3A_192#10, %scan3A_447 = %scan3A_192#11, %scan3A_448 = %scan3A_192#12, %scan3A_449 = %scan3A_192#13, %scan3A_450 = %scan3A_192#14, %scan3A_451 = %scan3A_192#15) -> (vector<16xf32>, vector<16xf32>, vector<16xf32>, vector<16xf32>, vector<16xf32>, vector<16xf32>, vector<16xf32>, vector<16xf32>, vector<16xi32>, vector<16xi32>, vector<16xi32>, vector<16xi32>, vector<16xi32>, vector<16xi32>, vector<16xi32>, vector<16xi32>)  : i32 {
      %add3A_452 = arith.addi %add3A_205, %scan3A_435 : i32
      %broadcast_in_dim3A_453 = vector.broadcast %add3A_452 : i32 to vector<16xi32>
      %get3A = arith.index_cast %scan3A_435 : i32 to index
      %get3A_454 = arith.constant 0 : index
      %get3A_455 = tpu.vector_load %arg8[%get3A, %get3A_454] {strides = array<i32>} : memref<184x128xf32, #tpu.memory_space<vmem>>, vector<1x16xf32>,
      %get3A_456 = vector.shape_cast %get3A_455 : vector<1x16xf32> to vector<16xf32>
      %gt3A = arith.cmpf ogt, %get3A_456, %scan3A_436 : vector<16xf32>
      %max3A = arith.maximumf %scan3A_436, %get3A_456 : vector<16xf32>
      %select_n3A = arith.select %gt3A, %broadcast_in_dim3A_453, %scan3A_444 : vector<16xi1>, vector<16xi32>
      %get3A_457 = arith.index_cast %scan3A_435 : i32 to index
      %get3A_458 = arith.constant 16 : index
      %get3A_459 = tpu.vector_load %arg8[%get3A_457, %get3A_458] {strides = array<i32>} : memref<184x128xf32, #tpu.memory_space<vmem>>, vector<1x16xf32>,
      %get3A_460 = vector.shape_cast %get3A_459 : vector<1x16xf32> to vector<16xf32>
      %gt3A_461 = arith.cmpf ogt, %get3A_460, %scan3A_437 : vector<16xf32>
      %max3A_462 = arith.maximumf %scan3A_437, %get3A_460 : vector<16xf32>
      %select_n3A_463 = arith.select %gt3A_461, %broadcast_in_dim3A_453, %scan3A_445 : vector<16xi1>, vector<16xi32>
      %get3A_464 = arith.index_cast %scan3A_435 : i32 to index
      %get3A_465 = arith.constant 32 : index
      %get3A_466 = tpu.vector_load %arg8[%get3A_464, %get3A_465] {strides = array<i32>} : memref<184x128xf32, #tpu.memory_space<vmem>>, vector<1x16xf32>,
      %get3A_467 = vector.shape_cast %get3A_466 : vector<1x16xf32> to vector<16xf32>
      %gt3A_468 = arith.cmpf ogt, %get3A_467, %scan3A_438 : vector<16xf32>
      %max3A_469 = arith.maximumf %scan3A_438, %get3A_467 : vector<16xf32>
      %select_n3A_470 = arith.select %gt3A_468, %broadcast_in_dim3A_453, %scan3A_446 : vector<16xi1>, vector<16xi32>
      %get3A_471 = arith.index_cast %scan3A_435 : i32 to index
      %get3A_472 = arith.constant 48 : index
      %get3A_473 = tpu.vector_load %arg8[%get3A_471, %get3A_472] {strides = array<i32>} : memref<184x128xf32, #tpu.memory_space<vmem>>, vector<1x16xf32>,
      %get3A_474 = vector.shape_cast %get3A_473 : vector<1x16xf32> to vector<16xf32>
      %gt3A_475 = arith.cmpf ogt, %get3A_474, %scan3A_439 : vector<16xf32>
      %max3A_476 = arith.maximumf %scan3A_439, %get3A_474 : vector<16xf32>
      %select_n3A_477 = arith.select %gt3A_475, %broadcast_in_dim3A_453, %scan3A_447 : vector<16xi1>, vector<16xi32>
      %get3A_478 = arith.index_cast %scan3A_435 : i32 to index
      %get3A_479 = arith.constant 64 : index
      %get3A_480 = tpu.vector_load %arg8[%get3A_478, %get3A_479] {strides = array<i32>} : memref<184x128xf32, #tpu.memory_space<vmem>>, vector<1x16xf32>,
      %get3A_481 = vector.shape_cast %get3A_480 : vector<1x16xf32> to vector<16xf32>
      %gt3A_482 = arith.cmpf ogt, %get3A_481, %scan3A_440 : vector<16xf32>
      %max3A_483 = arith.maximumf %scan3A_440, %get3A_481 : vector<16xf32>
      %select_n3A_484 = arith.select %gt3A_482, %broadcast_in_dim3A_453, %scan3A_448 : vector<16xi1>, vector<16xi32>
      %get3A_485 = arith.index_cast %scan3A_435 : i32 to index
      %get3A_486 = arith.constant 80 : index
      %get3A_487 = tpu.vector_load %arg8[%get3A_485, %get3A_486] {strides = array<i32>} : memref<184x128xf32, #tpu.memory_space<vmem>>, vector<1x16xf32>,
      %get3A_488 = vector.shape_cast %get3A_487 : vector<1x16xf32> to vector<16xf32>
      %gt3A_489 = arith.cmpf ogt, %get3A_488, %scan3A_441 : vector<16xf32>
      %max3A_490 = arith.maximumf %scan3A_441, %get3A_488 : vector<16xf32>
      %select_n3A_491 = arith.select %gt3A_489, %broadcast_in_dim3A_453, %scan3A_449 : vector<16xi1>, vector<16xi32>
      %get3A_492 = arith.index_cast %scan3A_435 : i32 to index
      %get3A_493 = arith.constant 96 : index
      %get3A_494 = tpu.vector_load %arg8[%get3A_492, %get3A_493] {strides = array<i32>} : memref<184x128xf32, #tpu.memory_space<vmem>>, vector<1x16xf32>,
      %get3A_495 = vector.shape_cast %get3A_494 : vector<1x16xf32> to vector<16xf32>
      %gt3A_496 = arith.cmpf ogt, %get3A_495, %scan3A_442 : vector<16xf32>
      %max3A_497 = arith.maximumf %scan3A_442, %get3A_495 : vector<16xf32>
      %select_n3A_498 = arith.select %gt3A_496, %broadcast_in_dim3A_453, %scan3A_450 : vector<16xi1>, vector<16xi32>
      %get3A_499 = arith.index_cast %scan3A_435 : i32 to index
      %get3A_500 = arith.constant 112 : index
      %get3A_501 = tpu.vector_load %arg8[%get3A_499, %get3A_500] {strides = array<i32>} : memref<184x128xf32, #tpu.memory_space<vmem>>, vector<1x16xf32>,
      %get3A_502 = vector.shape_cast %get3A_501 : vector<1x16xf32> to vector<16xf32>
      %gt3A_503 = arith.cmpf ogt, %get3A_502, %scan3A_443 : vector<16xf32>
      %max3A_504 = arith.maximumf %scan3A_443, %get3A_502 : vector<16xf32>
      %select_n3A_505 = arith.select %gt3A_503, %broadcast_in_dim3A_453, %scan3A_451 : vector<16xi1>, vector<16xi32>
      scf.yield %max3A, %max3A_462, %max3A_469, %max3A_476, %max3A_483, %max3A_490, %max3A_497, %max3A_504, %select_n3A, %select_n3A_463, %select_n3A_470, %select_n3A_477, %select_n3A_484, %select_n3A_491, %select_n3A_498, %select_n3A_505 : vector<16xf32>, vector<16xf32>, vector<16xf32>, vector<16xf32>, vector<16xf32>, vector<16xf32>, vector<16xf32>, vector<16xf32>, vector<16xi32>, vector<16xi32>, vector<16xi32>, vector<16xi32>, vector<16xi32>, vector<16xi32>, vector<16xi32>, vector<16xi32>
    }
    %scan3A_211 = arith.constant 184 : i32
    %dma_wait3A_212 = arith.constant 0 : i32
    %dma_wait3A_213 = tpu.memref_slice %arg2[%add3A_163, %dma_wait3A_212] : memref<100000x128xf32, #tpu.memory_space<hbm>> -> memref<184x128xf32, #tpu.memory_space<hbm>>
    %dma_wait3A_214 = arith.constant 0 : i32
    %dma_wait3A_215 = tpu.memref_slice %arg2[%add3A_163, %dma_wait3A_214] : memref<100000x128xf32, #tpu.memory_space<hbm>> -> memref<184x128xf32, #tpu.memory_space<hbm>>
    tpu.wait_dma2 semaphore(%arg20 : memref<!tpu.dma_semaphore, #tpu.memory_space<semaphore_mem>>) src(%dma_wait3A_215 : memref<184x128xf32, #tpu.memory_space<hbm>>) dst(%arg9 : memref<184x128xf32, #tpu.memory_space<vmem>>)
    %add3A_216 = arith.constant 2208 : i32
    %add3A_217 = arith.addi %multiple_of3A, %add3A_216 : i32
    %dma_start3A_218 = arith.constant 0 : i32
    %dma_start3A_219 = tpu.memref_slice %arg2[%add3A_217, %dma_start3A_218] : memref<100000x128xf32, #tpu.memory_space<hbm>> -> memref<184x128xf32, #tpu.memory_space<hbm>>
    %dma_start3A_220 = arith.constant 0 : i32
    %dma_start3A_221 = tpu.memref_slice %arg2[%add3A_217, %dma_start3A_220] : memref<100000x128xf32, #tpu.memory_space<hbm>> -> memref<184x128xf32, #tpu.memory_space<hbm>>
    tpu.enqueue_dma source(%dma_start3A_221 : memref<184x128xf32, #tpu.memory_space<hbm>>) target(%arg8 : memref<184x128xf32, #tpu.memory_space<vmem>>) target_semaphore(%arg19 : memref<!tpu.dma_semaphore, #tpu.memory_space<semaphore_mem>>)
    %add3A_222 = arith.constant 1656 : i32
    %add3A_223 = arith.addi %multiple_of3A, %add3A_222 : i32
    %scan3A_224 = arith.constant 0 : i32
    %scan3A_225 = arith.constant 184 : i32
    %scan3A_226 = arith.addi %scan3A_224, %scan3A_225 : i32
    %scan3A_227 = arith.constant 1 : i32
    %scan3A_228:16 = scf.for %scan3A_435 = %scan3A_224 to %scan3A_226 step %scan3A_227 iter_args(%scan3A_436 = %scan3A_210#0, %scan3A_437 = %scan3A_210#1, %scan3A_438 = %scan3A_210#2, %scan3A_439 = %scan3A_210#3, %scan3A_440 = %scan3A_210#4, %scan3A_441 = %scan3A_210#5, %scan3A_442 = %scan3A_210#6, %scan3A_443 = %scan3A_210#7, %scan3A_444 = %scan3A_210#8, %scan3A_445 = %scan3A_210#9, %scan3A_446 = %scan3A_210#10, %scan3A_447 = %scan3A_210#11, %scan3A_448 = %scan3A_210#12, %scan3A_449 = %scan3A_210#13, %scan3A_450 = %scan3A_210#14, %scan3A_451 = %scan3A_210#15) -> (vector<16xf32>, vector<16xf32>, vector<16xf32>, vector<16xf32>, vector<16xf32>, vector<16xf32>, vector<16xf32>, vector<16xf32>, vector<16xi32>, vector<16xi32>, vector<16xi32>, vector<16xi32>, vector<16xi32>, vector<16xi32>, vector<16xi32>, vector<16xi32>)  : i32 {
      %add3A_452 = arith.addi %add3A_223, %scan3A_435 : i32
      %broadcast_in_dim3A_453 = vector.broadcast %add3A_452 : i32 to vector<16xi32>
      %get3A = arith.index_cast %scan3A_435 : i32 to index
      %get3A_454 = arith.constant 0 : index
      %get3A_455 = tpu.vector_load %arg9[%get3A, %get3A_454] {strides = array<i32>} : memref<184x128xf32, #tpu.memory_space<vmem>>, vector<1x16xf32>,
      %get3A_456 = vector.shape_cast %get3A_455 : vector<1x16xf32> to vector<16xf32>
      %gt3A = arith.cmpf ogt, %get3A_456, %scan3A_436 : vector<16xf32>
      %max3A = arith.maximumf %scan3A_436, %get3A_456 : vector<16xf32>
      %select_n3A = arith.select %gt3A, %broadcast_in_dim3A_453, %scan3A_444 : vector<16xi1>, vector<16xi32>
      %get3A_457 = arith.index_cast %scan3A_435 : i32 to index
      %get3A_458 = arith.constant 16 : index
      %get3A_459 = tpu.vector_load %arg9[%get3A_457, %get3A_458] {strides = array<i32>} : memref<184x128xf32, #tpu.memory_space<vmem>>, vector<1x16xf32>,
      %get3A_460 = vector.shape_cast %get3A_459 : vector<1x16xf32> to vector<16xf32>
      %gt3A_461 = arith.cmpf ogt, %get3A_460, %scan3A_437 : vector<16xf32>
      %max3A_462 = arith.maximumf %scan3A_437, %get3A_460 : vector<16xf32>
      %select_n3A_463 = arith.select %gt3A_461, %broadcast_in_dim3A_453, %scan3A_445 : vector<16xi1>, vector<16xi32>
      %get3A_464 = arith.index_cast %scan3A_435 : i32 to index
      %get3A_465 = arith.constant 32 : index
      %get3A_466 = tpu.vector_load %arg9[%get3A_464, %get3A_465] {strides = array<i32>} : memref<184x128xf32, #tpu.memory_space<vmem>>, vector<1x16xf32>,
      %get3A_467 = vector.shape_cast %get3A_466 : vector<1x16xf32> to vector<16xf32>
      %gt3A_468 = arith.cmpf ogt, %get3A_467, %scan3A_438 : vector<16xf32>
      %max3A_469 = arith.maximumf %scan3A_438, %get3A_467 : vector<16xf32>
      %select_n3A_470 = arith.select %gt3A_468, %broadcast_in_dim3A_453, %scan3A_446 : vector<16xi1>, vector<16xi32>
      %get3A_471 = arith.index_cast %scan3A_435 : i32 to index
      %get3A_472 = arith.constant 48 : index
      %get3A_473 = tpu.vector_load %arg9[%get3A_471, %get3A_472] {strides = array<i32>} : memref<184x128xf32, #tpu.memory_space<vmem>>, vector<1x16xf32>,
      %get3A_474 = vector.shape_cast %get3A_473 : vector<1x16xf32> to vector<16xf32>
      %gt3A_475 = arith.cmpf ogt, %get3A_474, %scan3A_439 : vector<16xf32>
      %max3A_476 = arith.maximumf %scan3A_439, %get3A_474 : vector<16xf32>
      %select_n3A_477 = arith.select %gt3A_475, %broadcast_in_dim3A_453, %scan3A_447 : vector<16xi1>, vector<16xi32>
      %get3A_478 = arith.index_cast %scan3A_435 : i32 to index
      %get3A_479 = arith.constant 64 : index
      %get3A_480 = tpu.vector_load %arg9[%get3A_478, %get3A_479] {strides = array<i32>} : memref<184x128xf32, #tpu.memory_space<vmem>>, vector<1x16xf32>,
      %get3A_481 = vector.shape_cast %get3A_480 : vector<1x16xf32> to vector<16xf32>
      %gt3A_482 = arith.cmpf ogt, %get3A_481, %scan3A_440 : vector<16xf32>
      %max3A_483 = arith.maximumf %scan3A_440, %get3A_481 : vector<16xf32>
      %select_n3A_484 = arith.select %gt3A_482, %broadcast_in_dim3A_453, %scan3A_448 : vector<16xi1>, vector<16xi32>
      %get3A_485 = arith.index_cast %scan3A_435 : i32 to index
      %get3A_486 = arith.constant 80 : index
      %get3A_487 = tpu.vector_load %arg9[%get3A_485, %get3A_486] {strides = array<i32>} : memref<184x128xf32, #tpu.memory_space<vmem>>, vector<1x16xf32>,
      %get3A_488 = vector.shape_cast %get3A_487 : vector<1x16xf32> to vector<16xf32>
      %gt3A_489 = arith.cmpf ogt, %get3A_488, %scan3A_441 : vector<16xf32>
      %max3A_490 = arith.maximumf %scan3A_441, %get3A_488 : vector<16xf32>
      %select_n3A_491 = arith.select %gt3A_489, %broadcast_in_dim3A_453, %scan3A_449 : vector<16xi1>, vector<16xi32>
      %get3A_492 = arith.index_cast %scan3A_435 : i32 to index
      %get3A_493 = arith.constant 96 : index
      %get3A_494 = tpu.vector_load %arg9[%get3A_492, %get3A_493] {strides = array<i32>} : memref<184x128xf32, #tpu.memory_space<vmem>>, vector<1x16xf32>,
      %get3A_495 = vector.shape_cast %get3A_494 : vector<1x16xf32> to vector<16xf32>
      %gt3A_496 = arith.cmpf ogt, %get3A_495, %scan3A_442 : vector<16xf32>
      %max3A_497 = arith.maximumf %scan3A_442, %get3A_495 : vector<16xf32>
      %select_n3A_498 = arith.select %gt3A_496, %broadcast_in_dim3A_453, %scan3A_450 : vector<16xi1>, vector<16xi32>
      %get3A_499 = arith.index_cast %scan3A_435 : i32 to index
      %get3A_500 = arith.constant 112 : index
      %get3A_501 = tpu.vector_load %arg9[%get3A_499, %get3A_500] {strides = array<i32>} : memref<184x128xf32, #tpu.memory_space<vmem>>, vector<1x16xf32>,
      %get3A_502 = vector.shape_cast %get3A_501 : vector<1x16xf32> to vector<16xf32>
      %gt3A_503 = arith.cmpf ogt, %get3A_502, %scan3A_443 : vector<16xf32>
      %max3A_504 = arith.maximumf %scan3A_443, %get3A_502 : vector<16xf32>
      %select_n3A_505 = arith.select %gt3A_503, %broadcast_in_dim3A_453, %scan3A_451 : vector<16xi1>, vector<16xi32>
      scf.yield %max3A, %max3A_462, %max3A_469, %max3A_476, %max3A_483, %max3A_490, %max3A_497, %max3A_504, %select_n3A, %select_n3A_463, %select_n3A_470, %select_n3A_477, %select_n3A_484, %select_n3A_491, %select_n3A_498, %select_n3A_505 : vector<16xf32>, vector<16xf32>, vector<16xf32>, vector<16xf32>, vector<16xf32>, vector<16xf32>, vector<16xf32>, vector<16xf32>, vector<16xi32>, vector<16xi32>, vector<16xi32>, vector<16xi32>, vector<16xi32>, vector<16xi32>, vector<16xi32>, vector<16xi32>
    }
    %scan3A_229 = arith.constant 184 : i32
    %dma_wait3A_230 = arith.constant 0 : i32
    %dma_wait3A_231 = tpu.memref_slice %arg2[%add3A_181, %dma_wait3A_230] : memref<100000x128xf32, #tpu.memory_space<hbm>> -> memref<184x128xf32, #tpu.memory_space<hbm>>
    %dma_wait3A_232 = arith.constant 0 : i32
    %dma_wait3A_233 = tpu.memref_slice %arg2[%add3A_181, %dma_wait3A_232] : memref<100000x128xf32, #tpu.memory_space<hbm>> -> memref<184x128xf32, #tpu.memory_space<hbm>>
    tpu.wait_dma2 semaphore(%arg21 : memref<!tpu.dma_semaphore, #tpu.memory_space<semaphore_mem>>) src(%dma_wait3A_233 : memref<184x128xf32, #tpu.memory_space<hbm>>) dst(%arg10 : memref<184x128xf32, #tpu.memory_space<vmem>>)
    %add3A_234 = arith.constant 2392 : i32
    %add3A_235 = arith.addi %multiple_of3A, %add3A_234 : i32
    %dma_start3A_236 = arith.constant 0 : i32
    %dma_start3A_237 = tpu.memref_slice %arg2[%add3A_235, %dma_start3A_236] : memref<100000x128xf32, #tpu.memory_space<hbm>> -> memref<184x128xf32, #tpu.memory_space<hbm>>
    %dma_start3A_238 = arith.constant 0 : i32
    %dma_start3A_239 = tpu.memref_slice %arg2[%add3A_235, %dma_start3A_238] : memref<100000x128xf32, #tpu.memory_space<hbm>> -> memref<184x128xf32, #tpu.memory_space<hbm>>
    tpu.enqueue_dma source(%dma_start3A_239 : memref<184x128xf32, #tpu.memory_space<hbm>>) target(%arg9 : memref<184x128xf32, #tpu.memory_space<vmem>>) target_semaphore(%arg20 : memref<!tpu.dma_semaphore, #tpu.memory_space<semaphore_mem>>)
    %add3A_240 = arith.constant 1840 : i32
    %add3A_241 = arith.addi %multiple_of3A, %add3A_240 : i32
    %scan3A_242 = arith.constant 0 : i32
    %scan3A_243 = arith.constant 184 : i32
    %scan3A_244 = arith.addi %scan3A_242, %scan3A_243 : i32
    %scan3A_245 = arith.constant 1 : i32
    %scan3A_246:16 = scf.for %scan3A_435 = %scan3A_242 to %scan3A_244 step %scan3A_245 iter_args(%scan3A_436 = %scan3A_228#0, %scan3A_437 = %scan3A_228#1, %scan3A_438 = %scan3A_228#2, %scan3A_439 = %scan3A_228#3, %scan3A_440 = %scan3A_228#4, %scan3A_441 = %scan3A_228#5, %scan3A_442 = %scan3A_228#6, %scan3A_443 = %scan3A_228#7, %scan3A_444 = %scan3A_228#8, %scan3A_445 = %scan3A_228#9, %scan3A_446 = %scan3A_228#10, %scan3A_447 = %scan3A_228#11, %scan3A_448 = %scan3A_228#12, %scan3A_449 = %scan3A_228#13, %scan3A_450 = %scan3A_228#14, %scan3A_451 = %scan3A_228#15) -> (vector<16xf32>, vector<16xf32>, vector<16xf32>, vector<16xf32>, vector<16xf32>, vector<16xf32>, vector<16xf32>, vector<16xf32>, vector<16xi32>, vector<16xi32>, vector<16xi32>, vector<16xi32>, vector<16xi32>, vector<16xi32>, vector<16xi32>, vector<16xi32>)  : i32 {
      %add3A_452 = arith.addi %add3A_241, %scan3A_435 : i32
      %broadcast_in_dim3A_453 = vector.broadcast %add3A_452 : i32 to vector<16xi32>
      %get3A = arith.index_cast %scan3A_435 : i32 to index
      %get3A_454 = arith.constant 0 : index
      %get3A_455 = tpu.vector_load %arg10[%get3A, %get3A_454] {strides = array<i32>} : memref<184x128xf32, #tpu.memory_space<vmem>>, vector<1x16xf32>,
      %get3A_456 = vector.shape_cast %get3A_455 : vector<1x16xf32> to vector<16xf32>
      %gt3A = arith.cmpf ogt, %get3A_456, %scan3A_436 : vector<16xf32>
      %max3A = arith.maximumf %scan3A_436, %get3A_456 : vector<16xf32>
      %select_n3A = arith.select %gt3A, %broadcast_in_dim3A_453, %scan3A_444 : vector<16xi1>, vector<16xi32>
      %get3A_457 = arith.index_cast %scan3A_435 : i32 to index
      %get3A_458 = arith.constant 16 : index
      %get3A_459 = tpu.vector_load %arg10[%get3A_457, %get3A_458] {strides = array<i32>} : memref<184x128xf32, #tpu.memory_space<vmem>>, vector<1x16xf32>,
      %get3A_460 = vector.shape_cast %get3A_459 : vector<1x16xf32> to vector<16xf32>
      %gt3A_461 = arith.cmpf ogt, %get3A_460, %scan3A_437 : vector<16xf32>
      %max3A_462 = arith.maximumf %scan3A_437, %get3A_460 : vector<16xf32>
      %select_n3A_463 = arith.select %gt3A_461, %broadcast_in_dim3A_453, %scan3A_445 : vector<16xi1>, vector<16xi32>
      %get3A_464 = arith.index_cast %scan3A_435 : i32 to index
      %get3A_465 = arith.constant 32 : index
      %get3A_466 = tpu.vector_load %arg10[%get3A_464, %get3A_465] {strides = array<i32>} : memref<184x128xf32, #tpu.memory_space<vmem>>, vector<1x16xf32>,
      %get3A_467 = vector.shape_cast %get3A_466 : vector<1x16xf32> to vector<16xf32>
      %gt3A_468 = arith.cmpf ogt, %get3A_467, %scan3A_438 : vector<16xf32>
      %max3A_469 = arith.maximumf %scan3A_438, %get3A_467 : vector<16xf32>
      %select_n3A_470 = arith.select %gt3A_468, %broadcast_in_dim3A_453, %scan3A_446 : vector<16xi1>, vector<16xi32>
      %get3A_471 = arith.index_cast %scan3A_435 : i32 to index
      %get3A_472 = arith.constant 48 : index
      %get3A_473 = tpu.vector_load %arg10[%get3A_471, %get3A_472] {strides = array<i32>} : memref<184x128xf32, #tpu.memory_space<vmem>>, vector<1x16xf32>,
      %get3A_474 = vector.shape_cast %get3A_473 : vector<1x16xf32> to vector<16xf32>
      %gt3A_475 = arith.cmpf ogt, %get3A_474, %scan3A_439 : vector<16xf32>
      %max3A_476 = arith.maximumf %scan3A_439, %get3A_474 : vector<16xf32>
      %select_n3A_477 = arith.select %gt3A_475, %broadcast_in_dim3A_453, %scan3A_447 : vector<16xi1>, vector<16xi32>
      %get3A_478 = arith.index_cast %scan3A_435 : i32 to index
      %get3A_479 = arith.constant 64 : index
      %get3A_480 = tpu.vector_load %arg10[%get3A_478, %get3A_479] {strides = array<i32>} : memref<184x128xf32, #tpu.memory_space<vmem>>, vector<1x16xf32>,
      %get3A_481 = vector.shape_cast %get3A_480 : vector<1x16xf32> to vector<16xf32>
      %gt3A_482 = arith.cmpf ogt, %get3A_481, %scan3A_440 : vector<16xf32>
      %max3A_483 = arith.maximumf %scan3A_440, %get3A_481 : vector<16xf32>
      %select_n3A_484 = arith.select %gt3A_482, %broadcast_in_dim3A_453, %scan3A_448 : vector<16xi1>, vector<16xi32>
      %get3A_485 = arith.index_cast %scan3A_435 : i32 to index
      %get3A_486 = arith.constant 80 : index
      %get3A_487 = tpu.vector_load %arg10[%get3A_485, %get3A_486] {strides = array<i32>} : memref<184x128xf32, #tpu.memory_space<vmem>>, vector<1x16xf32>,
      %get3A_488 = vector.shape_cast %get3A_487 : vector<1x16xf32> to vector<16xf32>
      %gt3A_489 = arith.cmpf ogt, %get3A_488, %scan3A_441 : vector<16xf32>
      %max3A_490 = arith.maximumf %scan3A_441, %get3A_488 : vector<16xf32>
      %select_n3A_491 = arith.select %gt3A_489, %broadcast_in_dim3A_453, %scan3A_449 : vector<16xi1>, vector<16xi32>
      %get3A_492 = arith.index_cast %scan3A_435 : i32 to index
      %get3A_493 = arith.constant 96 : index
      %get3A_494 = tpu.vector_load %arg10[%get3A_492, %get3A_493] {strides = array<i32>} : memref<184x128xf32, #tpu.memory_space<vmem>>, vector<1x16xf32>,
      %get3A_495 = vector.shape_cast %get3A_494 : vector<1x16xf32> to vector<16xf32>
      %gt3A_496 = arith.cmpf ogt, %get3A_495, %scan3A_442 : vector<16xf32>
      %max3A_497 = arith.maximumf %scan3A_442, %get3A_495 : vector<16xf32>
      %select_n3A_498 = arith.select %gt3A_496, %broadcast_in_dim3A_453, %scan3A_450 : vector<16xi1>, vector<16xi32>
      %get3A_499 = arith.index_cast %scan3A_435 : i32 to index
      %get3A_500 = arith.constant 112 : index
      %get3A_501 = tpu.vector_load %arg10[%get3A_499, %get3A_500] {strides = array<i32>} : memref<184x128xf32, #tpu.memory_space<vmem>>, vector<1x16xf32>,
      %get3A_502 = vector.shape_cast %get3A_501 : vector<1x16xf32> to vector<16xf32>
      %gt3A_503 = arith.cmpf ogt, %get3A_502, %scan3A_443 : vector<16xf32>
      %max3A_504 = arith.maximumf %scan3A_443, %get3A_502 : vector<16xf32>
      %select_n3A_505 = arith.select %gt3A_503, %broadcast_in_dim3A_453, %scan3A_451 : vector<16xi1>, vector<16xi32>
      scf.yield %max3A, %max3A_462, %max3A_469, %max3A_476, %max3A_483, %max3A_490, %max3A_497, %max3A_504, %select_n3A, %select_n3A_463, %select_n3A_470, %select_n3A_477, %select_n3A_484, %select_n3A_491, %select_n3A_498, %select_n3A_505 : vector<16xf32>, vector<16xf32>, vector<16xf32>, vector<16xf32>, vector<16xf32>, vector<16xf32>, vector<16xf32>, vector<16xf32>, vector<16xi32>, vector<16xi32>, vector<16xi32>, vector<16xi32>, vector<16xi32>, vector<16xi32>, vector<16xi32>, vector<16xi32>
    }
    %scan3A_247 = arith.constant 184 : i32
    %dma_wait3A_248 = arith.constant 0 : i32
    %dma_wait3A_249 = tpu.memref_slice %arg2[%add3A_199, %dma_wait3A_248] : memref<100000x128xf32, #tpu.memory_space<hbm>> -> memref<184x128xf32, #tpu.memory_space<hbm>>
    %dma_wait3A_250 = arith.constant 0 : i32
    %dma_wait3A_251 = tpu.memref_slice %arg2[%add3A_199, %dma_wait3A_250] : memref<100000x128xf32, #tpu.memory_space<hbm>> -> memref<184x128xf32, #tpu.memory_space<hbm>>
    tpu.wait_dma2 semaphore(%arg22 : memref<!tpu.dma_semaphore, #tpu.memory_space<semaphore_mem>>) src(%dma_wait3A_251 : memref<184x128xf32, #tpu.memory_space<hbm>>) dst(%arg11 : memref<184x128xf32, #tpu.memory_space<vmem>>)
    %add3A_252 = arith.constant 2576 : i32
    %add3A_253 = arith.addi %multiple_of3A, %add3A_252 : i32
    %dma_start3A_254 = arith.constant 0 : i32
    %dma_start3A_255 = tpu.memref_slice %arg2[%add3A_253, %dma_start3A_254] : memref<100000x128xf32, #tpu.memory_space<hbm>> -> memref<184x128xf32, #tpu.memory_space<hbm>>
    %dma_start3A_256 = arith.constant 0 : i32
    %dma_start3A_257 = tpu.memref_slice %arg2[%add3A_253, %dma_start3A_256] : memref<100000x128xf32, #tpu.memory_space<hbm>> -> memref<184x128xf32, #tpu.memory_space<hbm>>
    tpu.enqueue_dma source(%dma_start3A_257 : memref<184x128xf32, #tpu.memory_space<hbm>>) target(%arg10 : memref<184x128xf32, #tpu.memory_space<vmem>>) target_semaphore(%arg21 : memref<!tpu.dma_semaphore, #tpu.memory_space<semaphore_mem>>)
    %add3A_258 = arith.constant 2024 : i32
    %add3A_259 = arith.addi %multiple_of3A, %add3A_258 : i32
    %scan3A_260 = arith.constant 0 : i32
    %scan3A_261 = arith.constant 184 : i32
    %scan3A_262 = arith.addi %scan3A_260, %scan3A_261 : i32
    %scan3A_263 = arith.constant 1 : i32
    %scan3A_264:16 = scf.for %scan3A_435 = %scan3A_260 to %scan3A_262 step %scan3A_263 iter_args(%scan3A_436 = %scan3A_246#0, %scan3A_437 = %scan3A_246#1, %scan3A_438 = %scan3A_246#2, %scan3A_439 = %scan3A_246#3, %scan3A_440 = %scan3A_246#4, %scan3A_441 = %scan3A_246#5, %scan3A_442 = %scan3A_246#6, %scan3A_443 = %scan3A_246#7, %scan3A_444 = %scan3A_246#8, %scan3A_445 = %scan3A_246#9, %scan3A_446 = %scan3A_246#10, %scan3A_447 = %scan3A_246#11, %scan3A_448 = %scan3A_246#12, %scan3A_449 = %scan3A_246#13, %scan3A_450 = %scan3A_246#14, %scan3A_451 = %scan3A_246#15) -> (vector<16xf32>, vector<16xf32>, vector<16xf32>, vector<16xf32>, vector<16xf32>, vector<16xf32>, vector<16xf32>, vector<16xf32>, vector<16xi32>, vector<16xi32>, vector<16xi32>, vector<16xi32>, vector<16xi32>, vector<16xi32>, vector<16xi32>, vector<16xi32>)  : i32 {
      %add3A_452 = arith.addi %add3A_259, %scan3A_435 : i32
      %broadcast_in_dim3A_453 = vector.broadcast %add3A_452 : i32 to vector<16xi32>
      %get3A = arith.index_cast %scan3A_435 : i32 to index
      %get3A_454 = arith.constant 0 : index
      %get3A_455 = tpu.vector_load %arg11[%get3A, %get3A_454] {strides = array<i32>} : memref<184x128xf32, #tpu.memory_space<vmem>>, vector<1x16xf32>,
      %get3A_456 = vector.shape_cast %get3A_455 : vector<1x16xf32> to vector<16xf32>
      %gt3A = arith.cmpf ogt, %get3A_456, %scan3A_436 : vector<16xf32>
      %max3A = arith.maximumf %scan3A_436, %get3A_456 : vector<16xf32>
      %select_n3A = arith.select %gt3A, %broadcast_in_dim3A_453, %scan3A_444 : vector<16xi1>, vector<16xi32>
      %get3A_457 = arith.index_cast %scan3A_435 : i32 to index
      %get3A_458 = arith.constant 16 : index
      %get3A_459 = tpu.vector_load %arg11[%get3A_457, %get3A_458] {strides = array<i32>} : memref<184x128xf32, #tpu.memory_space<vmem>>, vector<1x16xf32>,
      %get3A_460 = vector.shape_cast %get3A_459 : vector<1x16xf32> to vector<16xf32>
      %gt3A_461 = arith.cmpf ogt, %get3A_460, %scan3A_437 : vector<16xf32>
      %max3A_462 = arith.maximumf %scan3A_437, %get3A_460 : vector<16xf32>
      %select_n3A_463 = arith.select %gt3A_461, %broadcast_in_dim3A_453, %scan3A_445 : vector<16xi1>, vector<16xi32>
      %get3A_464 = arith.index_cast %scan3A_435 : i32 to index
      %get3A_465 = arith.constant 32 : index
      %get3A_466 = tpu.vector_load %arg11[%get3A_464, %get3A_465] {strides = array<i32>} : memref<184x128xf32, #tpu.memory_space<vmem>>, vector<1x16xf32>,
      %get3A_467 = vector.shape_cast %get3A_466 : vector<1x16xf32> to vector<16xf32>
      %gt3A_468 = arith.cmpf ogt, %get3A_467, %scan3A_438 : vector<16xf32>
      %max3A_469 = arith.maximumf %scan3A_438, %get3A_467 : vector<16xf32>
      %select_n3A_470 = arith.select %gt3A_468, %broadcast_in_dim3A_453, %scan3A_446 : vector<16xi1>, vector<16xi32>
      %get3A_471 = arith.index_cast %scan3A_435 : i32 to index
      %get3A_472 = arith.constant 48 : index
      %get3A_473 = tpu.vector_load %arg11[%get3A_471, %get3A_472] {strides = array<i32>} : memref<184x128xf32, #tpu.memory_space<vmem>>, vector<1x16xf32>,
      %get3A_474 = vector.shape_cast %get3A_473 : vector<1x16xf32> to vector<16xf32>
      %gt3A_475 = arith.cmpf ogt, %get3A_474, %scan3A_439 : vector<16xf32>
      %max3A_476 = arith.maximumf %scan3A_439, %get3A_474 : vector<16xf32>
      %select_n3A_477 = arith.select %gt3A_475, %broadcast_in_dim3A_453, %scan3A_447 : vector<16xi1>, vector<16xi32>
      %get3A_478 = arith.index_cast %scan3A_435 : i32 to index
      %get3A_479 = arith.constant 64 : index
      %get3A_480 = tpu.vector_load %arg11[%get3A_478, %get3A_479] {strides = array<i32>} : memref<184x128xf32, #tpu.memory_space<vmem>>, vector<1x16xf32>,
      %get3A_481 = vector.shape_cast %get3A_480 : vector<1x16xf32> to vector<16xf32>
      %gt3A_482 = arith.cmpf ogt, %get3A_481, %scan3A_440 : vector<16xf32>
      %max3A_483 = arith.maximumf %scan3A_440, %get3A_481 : vector<16xf32>
      %select_n3A_484 = arith.select %gt3A_482, %broadcast_in_dim3A_453, %scan3A_448 : vector<16xi1>, vector<16xi32>
      %get3A_485 = arith.index_cast %scan3A_435 : i32 to index
      %get3A_486 = arith.constant 80 : index
      %get3A_487 = tpu.vector_load %arg11[%get3A_485, %get3A_486] {strides = array<i32>} : memref<184x128xf32, #tpu.memory_space<vmem>>, vector<1x16xf32>,
      %get3A_488 = vector.shape_cast %get3A_487 : vector<1x16xf32> to vector<16xf32>
      %gt3A_489 = arith.cmpf ogt, %get3A_488, %scan3A_441 : vector<16xf32>
      %max3A_490 = arith.maximumf %scan3A_441, %get3A_488 : vector<16xf32>
      %select_n3A_491 = arith.select %gt3A_489, %broadcast_in_dim3A_453, %scan3A_449 : vector<16xi1>, vector<16xi32>
      %get3A_492 = arith.index_cast %scan3A_435 : i32 to index
      %get3A_493 = arith.constant 96 : index
      %get3A_494 = tpu.vector_load %arg11[%get3A_492, %get3A_493] {strides = array<i32>} : memref<184x128xf32, #tpu.memory_space<vmem>>, vector<1x16xf32>,
      %get3A_495 = vector.shape_cast %get3A_494 : vector<1x16xf32> to vector<16xf32>
      %gt3A_496 = arith.cmpf ogt, %get3A_495, %scan3A_442 : vector<16xf32>
      %max3A_497 = arith.maximumf %scan3A_442, %get3A_495 : vector<16xf32>
      %select_n3A_498 = arith.select %gt3A_496, %broadcast_in_dim3A_453, %scan3A_450 : vector<16xi1>, vector<16xi32>
      %get3A_499 = arith.index_cast %scan3A_435 : i32 to index
      %get3A_500 = arith.constant 112 : index
      %get3A_501 = tpu.vector_load %arg11[%get3A_499, %get3A_500] {strides = array<i32>} : memref<184x128xf32, #tpu.memory_space<vmem>>, vector<1x16xf32>,
      %get3A_502 = vector.shape_cast %get3A_501 : vector<1x16xf32> to vector<16xf32>
      %gt3A_503 = arith.cmpf ogt, %get3A_502, %scan3A_443 : vector<16xf32>
      %max3A_504 = arith.maximumf %scan3A_443, %get3A_502 : vector<16xf32>
      %select_n3A_505 = arith.select %gt3A_503, %broadcast_in_dim3A_453, %scan3A_451 : vector<16xi1>, vector<16xi32>
      scf.yield %max3A, %max3A_462, %max3A_469, %max3A_476, %max3A_483, %max3A_490, %max3A_497, %max3A_504, %select_n3A, %select_n3A_463, %select_n3A_470, %select_n3A_477, %select_n3A_484, %select_n3A_491, %select_n3A_498, %select_n3A_505 : vector<16xf32>, vector<16xf32>, vector<16xf32>, vector<16xf32>, vector<16xf32>, vector<16xf32>, vector<16xf32>, vector<16xf32>, vector<16xi32>, vector<16xi32>, vector<16xi32>, vector<16xi32>, vector<16xi32>, vector<16xi32>, vector<16xi32>, vector<16xi32>
    }
    %scan3A_265 = arith.constant 184 : i32
    %dma_wait3A_266 = arith.constant 0 : i32
    %dma_wait3A_267 = tpu.memref_slice %arg2[%add3A_217, %dma_wait3A_266] : memref<100000x128xf32, #tpu.memory_space<hbm>> -> memref<184x128xf32, #tpu.memory_space<hbm>>
    %dma_wait3A_268 = arith.constant 0 : i32
    %dma_wait3A_269 = tpu.memref_slice %arg2[%add3A_217, %dma_wait3A_268] : memref<100000x128xf32, #tpu.memory_space<hbm>> -> memref<184x128xf32, #tpu.memory_space<hbm>>
    tpu.wait_dma2 semaphore(%arg19 : memref<!tpu.dma_semaphore, #tpu.memory_space<semaphore_mem>>) src(%dma_wait3A_269 : memref<184x128xf32, #tpu.memory_space<hbm>>) dst(%arg8 : memref<184x128xf32, #tpu.memory_space<vmem>>)
    %add3A_270 = arith.constant 2760 : i32
    %add3A_271 = arith.addi %multiple_of3A, %add3A_270 : i32
    %dma_start3A_272 = arith.constant 0 : i32
    %dma_start3A_273 = tpu.memref_slice %arg2[%add3A_271, %dma_start3A_272] : memref<100000x128xf32, #tpu.memory_space<hbm>> -> memref<184x128xf32, #tpu.memory_space<hbm>>
    %dma_start3A_274 = arith.constant 0 : i32
    %dma_start3A_275 = tpu.memref_slice %arg2[%add3A_271, %dma_start3A_274] : memref<100000x128xf32, #tpu.memory_space<hbm>> -> memref<184x128xf32, #tpu.memory_space<hbm>>
    tpu.enqueue_dma source(%dma_start3A_275 : memref<184x128xf32, #tpu.memory_space<hbm>>) target(%arg11 : memref<184x128xf32, #tpu.memory_space<vmem>>) target_semaphore(%arg22 : memref<!tpu.dma_semaphore, #tpu.memory_space<semaphore_mem>>)
    %add3A_276 = arith.constant 2208 : i32
    %add3A_277 = arith.addi %multiple_of3A, %add3A_276 : i32
    %scan3A_278 = arith.constant 0 : i32
    %scan3A_279 = arith.constant 184 : i32
    %scan3A_280 = arith.addi %scan3A_278, %scan3A_279 : i32
    %scan3A_281 = arith.constant 1 : i32
    %scan3A_282:16 = scf.for %scan3A_435 = %scan3A_278 to %scan3A_280 step %scan3A_281 iter_args(%scan3A_436 = %scan3A_264#0, %scan3A_437 = %scan3A_264#1, %scan3A_438 = %scan3A_264#2, %scan3A_439 = %scan3A_264#3, %scan3A_440 = %scan3A_264#4, %scan3A_441 = %scan3A_264#5, %scan3A_442 = %scan3A_264#6, %scan3A_443 = %scan3A_264#7, %scan3A_444 = %scan3A_264#8, %scan3A_445 = %scan3A_264#9, %scan3A_446 = %scan3A_264#10, %scan3A_447 = %scan3A_264#11, %scan3A_448 = %scan3A_264#12, %scan3A_449 = %scan3A_264#13, %scan3A_450 = %scan3A_264#14, %scan3A_451 = %scan3A_264#15) -> (vector<16xf32>, vector<16xf32>, vector<16xf32>, vector<16xf32>, vector<16xf32>, vector<16xf32>, vector<16xf32>, vector<16xf32>, vector<16xi32>, vector<16xi32>, vector<16xi32>, vector<16xi32>, vector<16xi32>, vector<16xi32>, vector<16xi32>, vector<16xi32>)  : i32 {
      %add3A_452 = arith.addi %add3A_277, %scan3A_435 : i32
      %broadcast_in_dim3A_453 = vector.broadcast %add3A_452 : i32 to vector<16xi32>
      %get3A = arith.index_cast %scan3A_435 : i32 to index
      %get3A_454 = arith.constant 0 : index
      %get3A_455 = tpu.vector_load %arg8[%get3A, %get3A_454] {strides = array<i32>} : memref<184x128xf32, #tpu.memory_space<vmem>>, vector<1x16xf32>,
      %get3A_456 = vector.shape_cast %get3A_455 : vector<1x16xf32> to vector<16xf32>
      %gt3A = arith.cmpf ogt, %get3A_456, %scan3A_436 : vector<16xf32>
      %max3A = arith.maximumf %scan3A_436, %get3A_456 : vector<16xf32>
      %select_n3A = arith.select %gt3A, %broadcast_in_dim3A_453, %scan3A_444 : vector<16xi1>, vector<16xi32>
      %get3A_457 = arith.index_cast %scan3A_435 : i32 to index
      %get3A_458 = arith.constant 16 : index
      %get3A_459 = tpu.vector_load %arg8[%get3A_457, %get3A_458] {strides = array<i32>} : memref<184x128xf32, #tpu.memory_space<vmem>>, vector<1x16xf32>,
      %get3A_460 = vector.shape_cast %get3A_459 : vector<1x16xf32> to vector<16xf32>
      %gt3A_461 = arith.cmpf ogt, %get3A_460, %scan3A_437 : vector<16xf32>
      %max3A_462 = arith.maximumf %scan3A_437, %get3A_460 : vector<16xf32>
      %select_n3A_463 = arith.select %gt3A_461, %broadcast_in_dim3A_453, %scan3A_445 : vector<16xi1>, vector<16xi32>
      %get3A_464 = arith.index_cast %scan3A_435 : i32 to index
      %get3A_465 = arith.constant 32 : index
      %get3A_466 = tpu.vector_load %arg8[%get3A_464, %get3A_465] {strides = array<i32>} : memref<184x128xf32, #tpu.memory_space<vmem>>, vector<1x16xf32>,
      %get3A_467 = vector.shape_cast %get3A_466 : vector<1x16xf32> to vector<16xf32>
      %gt3A_468 = arith.cmpf ogt, %get3A_467, %scan3A_438 : vector<16xf32>
      %max3A_469 = arith.maximumf %scan3A_438, %get3A_467 : vector<16xf32>
      %select_n3A_470 = arith.select %gt3A_468, %broadcast_in_dim3A_453, %scan3A_446 : vector<16xi1>, vector<16xi32>
      %get3A_471 = arith.index_cast %scan3A_435 : i32 to index
      %get3A_472 = arith.constant 48 : index
      %get3A_473 = tpu.vector_load %arg8[%get3A_471, %get3A_472] {strides = array<i32>} : memref<184x128xf32, #tpu.memory_space<vmem>>, vector<1x16xf32>,
      %get3A_474 = vector.shape_cast %get3A_473 : vector<1x16xf32> to vector<16xf32>
      %gt3A_475 = arith.cmpf ogt, %get3A_474, %scan3A_439 : vector<16xf32>
      %max3A_476 = arith.maximumf %scan3A_439, %get3A_474 : vector<16xf32>
      %select_n3A_477 = arith.select %gt3A_475, %broadcast_in_dim3A_453, %scan3A_447 : vector<16xi1>, vector<16xi32>
      %get3A_478 = arith.index_cast %scan3A_435 : i32 to index
      %get3A_479 = arith.constant 64 : index
      %get3A_480 = tpu.vector_load %arg8[%get3A_478, %get3A_479] {strides = array<i32>} : memref<184x128xf32, #tpu.memory_space<vmem>>, vector<1x16xf32>,
      %get3A_481 = vector.shape_cast %get3A_480 : vector<1x16xf32> to vector<16xf32>
      %gt3A_482 = arith.cmpf ogt, %get3A_481, %scan3A_440 : vector<16xf32>
      %max3A_483 = arith.maximumf %scan3A_440, %get3A_481 : vector<16xf32>
      %select_n3A_484 = arith.select %gt3A_482, %broadcast_in_dim3A_453, %scan3A_448 : vector<16xi1>, vector<16xi32>
      %get3A_485 = arith.index_cast %scan3A_435 : i32 to index
      %get3A_486 = arith.constant 80 : index
      %get3A_487 = tpu.vector_load %arg8[%get3A_485, %get3A_486] {strides = array<i32>} : memref<184x128xf32, #tpu.memory_space<vmem>>, vector<1x16xf32>,
      %get3A_488 = vector.shape_cast %get3A_487 : vector<1x16xf32> to vector<16xf32>
      %gt3A_489 = arith.cmpf ogt, %get3A_488, %scan3A_441 : vector<16xf32>
      %max3A_490 = arith.maximumf %scan3A_441, %get3A_488 : vector<16xf32>
      %select_n3A_491 = arith.select %gt3A_489, %broadcast_in_dim3A_453, %scan3A_449 : vector<16xi1>, vector<16xi32>
      %get3A_492 = arith.index_cast %scan3A_435 : i32 to index
      %get3A_493 = arith.constant 96 : index
      %get3A_494 = tpu.vector_load %arg8[%get3A_492, %get3A_493] {strides = array<i32>} : memref<184x128xf32, #tpu.memory_space<vmem>>, vector<1x16xf32>,
      %get3A_495 = vector.shape_cast %get3A_494 : vector<1x16xf32> to vector<16xf32>
      %gt3A_496 = arith.cmpf ogt, %get3A_495, %scan3A_442 : vector<16xf32>
      %max3A_497 = arith.maximumf %scan3A_442, %get3A_495 : vector<16xf32>
      %select_n3A_498 = arith.select %gt3A_496, %broadcast_in_dim3A_453, %scan3A_450 : vector<16xi1>, vector<16xi32>
      %get3A_499 = arith.index_cast %scan3A_435 : i32 to index
      %get3A_500 = arith.constant 112 : index
      %get3A_501 = tpu.vector_load %arg8[%get3A_499, %get3A_500] {strides = array<i32>} : memref<184x128xf32, #tpu.memory_space<vmem>>, vector<1x16xf32>,
      %get3A_502 = vector.shape_cast %get3A_501 : vector<1x16xf32> to vector<16xf32>
      %gt3A_503 = arith.cmpf ogt, %get3A_502, %scan3A_443 : vector<16xf32>
      %max3A_504 = arith.maximumf %scan3A_443, %get3A_502 : vector<16xf32>
      %select_n3A_505 = arith.select %gt3A_503, %broadcast_in_dim3A_453, %scan3A_451 : vector<16xi1>, vector<16xi32>
      scf.yield %max3A, %max3A_462, %max3A_469, %max3A_476, %max3A_483, %max3A_490, %max3A_497, %max3A_504, %select_n3A, %select_n3A_463, %select_n3A_470, %select_n3A_477, %select_n3A_484, %select_n3A_491, %select_n3A_498, %select_n3A_505 : vector<16xf32>, vector<16xf32>, vector<16xf32>, vector<16xf32>, vector<16xf32>, vector<16xf32>, vector<16xf32>, vector<16xf32>, vector<16xi32>, vector<16xi32>, vector<16xi32>, vector<16xi32>, vector<16xi32>, vector<16xi32>, vector<16xi32>, vector<16xi32>
    }
    %scan3A_283 = arith.constant 184 : i32
    %dma_wait3A_284 = arith.constant 0 : i32
    %dma_wait3A_285 = tpu.memref_slice %arg2[%add3A_235, %dma_wait3A_284] : memref<100000x128xf32, #tpu.memory_space<hbm>> -> memref<184x128xf32, #tpu.memory_space<hbm>>
    %dma_wait3A_286 = arith.constant 0 : i32
    %dma_wait3A_287 = tpu.memref_slice %arg2[%add3A_235, %dma_wait3A_286] : memref<100000x128xf32, #tpu.memory_space<hbm>> -> memref<184x128xf32, #tpu.memory_space<hbm>>
    tpu.wait_dma2 semaphore(%arg20 : memref<!tpu.dma_semaphore, #tpu.memory_space<semaphore_mem>>) src(%dma_wait3A_287 : memref<184x128xf32, #tpu.memory_space<hbm>>) dst(%arg9 : memref<184x128xf32, #tpu.memory_space<vmem>>)
    %add3A_288 = arith.constant 2944 : i32
    %add3A_289 = arith.addi %multiple_of3A, %add3A_288 : i32
    %dma_start3A_290 = arith.constant 0 : i32
    %dma_start3A_291 = tpu.memref_slice %arg2[%add3A_289, %dma_start3A_290] : memref<100000x128xf32, #tpu.memory_space<hbm>> -> memref<184x128xf32, #tpu.memory_space<hbm>>
    %dma_start3A_292 = arith.constant 0 : i32
    %dma_start3A_293 = tpu.memref_slice %arg2[%add3A_289, %dma_start3A_292] : memref<100000x128xf32, #tpu.memory_space<hbm>> -> memref<184x128xf32, #tpu.memory_space<hbm>>
    tpu.enqueue_dma source(%dma_start3A_293 : memref<184x128xf32, #tpu.memory_space<hbm>>) target(%arg8 : memref<184x128xf32, #tpu.memory_space<vmem>>) target_semaphore(%arg19 : memref<!tpu.dma_semaphore, #tpu.memory_space<semaphore_mem>>)
    %add3A_294 = arith.constant 2392 : i32
    %add3A_295 = arith.addi %multiple_of3A, %add3A_294 : i32
    %scan3A_296 = arith.constant 0 : i32
    %scan3A_297 = arith.constant 184 : i32
    %scan3A_298 = arith.addi %scan3A_296, %scan3A_297 : i32
    %scan3A_299 = arith.constant 1 : i32
    %scan3A_300:16 = scf.for %scan3A_435 = %scan3A_296 to %scan3A_298 step %scan3A_299 iter_args(%scan3A_436 = %scan3A_282#0, %scan3A_437 = %scan3A_282#1, %scan3A_438 = %scan3A_282#2, %scan3A_439 = %scan3A_282#3, %scan3A_440 = %scan3A_282#4, %scan3A_441 = %scan3A_282#5, %scan3A_442 = %scan3A_282#6, %scan3A_443 = %scan3A_282#7, %scan3A_444 = %scan3A_282#8, %scan3A_445 = %scan3A_282#9, %scan3A_446 = %scan3A_282#10, %scan3A_447 = %scan3A_282#11, %scan3A_448 = %scan3A_282#12, %scan3A_449 = %scan3A_282#13, %scan3A_450 = %scan3A_282#14, %scan3A_451 = %scan3A_282#15) -> (vector<16xf32>, vector<16xf32>, vector<16xf32>, vector<16xf32>, vector<16xf32>, vector<16xf32>, vector<16xf32>, vector<16xf32>, vector<16xi32>, vector<16xi32>, vector<16xi32>, vector<16xi32>, vector<16xi32>, vector<16xi32>, vector<16xi32>, vector<16xi32>)  : i32 {
      %add3A_452 = arith.addi %add3A_295, %scan3A_435 : i32
      %broadcast_in_dim3A_453 = vector.broadcast %add3A_452 : i32 to vector<16xi32>
      %get3A = arith.index_cast %scan3A_435 : i32 to index
      %get3A_454 = arith.constant 0 : index
      %get3A_455 = tpu.vector_load %arg9[%get3A, %get3A_454] {strides = array<i32>} : memref<184x128xf32, #tpu.memory_space<vmem>>, vector<1x16xf32>,
      %get3A_456 = vector.shape_cast %get3A_455 : vector<1x16xf32> to vector<16xf32>
      %gt3A = arith.cmpf ogt, %get3A_456, %scan3A_436 : vector<16xf32>
      %max3A = arith.maximumf %scan3A_436, %get3A_456 : vector<16xf32>
      %select_n3A = arith.select %gt3A, %broadcast_in_dim3A_453, %scan3A_444 : vector<16xi1>, vector<16xi32>
      %get3A_457 = arith.index_cast %scan3A_435 : i32 to index
      %get3A_458 = arith.constant 16 : index
      %get3A_459 = tpu.vector_load %arg9[%get3A_457, %get3A_458] {strides = array<i32>} : memref<184x128xf32, #tpu.memory_space<vmem>>, vector<1x16xf32>,
      %get3A_460 = vector.shape_cast %get3A_459 : vector<1x16xf32> to vector<16xf32>
      %gt3A_461 = arith.cmpf ogt, %get3A_460, %scan3A_437 : vector<16xf32>
      %max3A_462 = arith.maximumf %scan3A_437, %get3A_460 : vector<16xf32>
      %select_n3A_463 = arith.select %gt3A_461, %broadcast_in_dim3A_453, %scan3A_445 : vector<16xi1>, vector<16xi32>
      %get3A_464 = arith.index_cast %scan3A_435 : i32 to index
      %get3A_465 = arith.constant 32 : index
      %get3A_466 = tpu.vector_load %arg9[%get3A_464, %get3A_465] {strides = array<i32>} : memref<184x128xf32, #tpu.memory_space<vmem>>, vector<1x16xf32>,
      %get3A_467 = vector.shape_cast %get3A_466 : vector<1x16xf32> to vector<16xf32>
      %gt3A_468 = arith.cmpf ogt, %get3A_467, %scan3A_438 : vector<16xf32>
      %max3A_469 = arith.maximumf %scan3A_438, %get3A_467 : vector<16xf32>
      %select_n3A_470 = arith.select %gt3A_468, %broadcast_in_dim3A_453, %scan3A_446 : vector<16xi1>, vector<16xi32>
      %get3A_471 = arith.index_cast %scan3A_435 : i32 to index
      %get3A_472 = arith.constant 48 : index
      %get3A_473 = tpu.vector_load %arg9[%get3A_471, %get3A_472] {strides = array<i32>} : memref<184x128xf32, #tpu.memory_space<vmem>>, vector<1x16xf32>,
      %get3A_474 = vector.shape_cast %get3A_473 : vector<1x16xf32> to vector<16xf32>
      %gt3A_475 = arith.cmpf ogt, %get3A_474, %scan3A_439 : vector<16xf32>
      %max3A_476 = arith.maximumf %scan3A_439, %get3A_474 : vector<16xf32>
      %select_n3A_477 = arith.select %gt3A_475, %broadcast_in_dim3A_453, %scan3A_447 : vector<16xi1>, vector<16xi32>
      %get3A_478 = arith.index_cast %scan3A_435 : i32 to index
      %get3A_479 = arith.constant 64 : index
      %get3A_480 = tpu.vector_load %arg9[%get3A_478, %get3A_479] {strides = array<i32>} : memref<184x128xf32, #tpu.memory_space<vmem>>, vector<1x16xf32>,
      %get3A_481 = vector.shape_cast %get3A_480 : vector<1x16xf32> to vector<16xf32>
      %gt3A_482 = arith.cmpf ogt, %get3A_481, %scan3A_440 : vector<16xf32>
      %max3A_483 = arith.maximumf %scan3A_440, %get3A_481 : vector<16xf32>
      %select_n3A_484 = arith.select %gt3A_482, %broadcast_in_dim3A_453, %scan3A_448 : vector<16xi1>, vector<16xi32>
      %get3A_485 = arith.index_cast %scan3A_435 : i32 to index
      %get3A_486 = arith.constant 80 : index
      %get3A_487 = tpu.vector_load %arg9[%get3A_485, %get3A_486] {strides = array<i32>} : memref<184x128xf32, #tpu.memory_space<vmem>>, vector<1x16xf32>,
      %get3A_488 = vector.shape_cast %get3A_487 : vector<1x16xf32> to vector<16xf32>
      %gt3A_489 = arith.cmpf ogt, %get3A_488, %scan3A_441 : vector<16xf32>
      %max3A_490 = arith.maximumf %scan3A_441, %get3A_488 : vector<16xf32>
      %select_n3A_491 = arith.select %gt3A_489, %broadcast_in_dim3A_453, %scan3A_449 : vector<16xi1>, vector<16xi32>
      %get3A_492 = arith.index_cast %scan3A_435 : i32 to index
      %get3A_493 = arith.constant 96 : index
      %get3A_494 = tpu.vector_load %arg9[%get3A_492, %get3A_493] {strides = array<i32>} : memref<184x128xf32, #tpu.memory_space<vmem>>, vector<1x16xf32>,
      %get3A_495 = vector.shape_cast %get3A_494 : vector<1x16xf32> to vector<16xf32>
      %gt3A_496 = arith.cmpf ogt, %get3A_495, %scan3A_442 : vector<16xf32>
      %max3A_497 = arith.maximumf %scan3A_442, %get3A_495 : vector<16xf32>
      %select_n3A_498 = arith.select %gt3A_496, %broadcast_in_dim3A_453, %scan3A_450 : vector<16xi1>, vector<16xi32>
      %get3A_499 = arith.index_cast %scan3A_435 : i32 to index
      %get3A_500 = arith.constant 112 : index
      %get3A_501 = tpu.vector_load %arg9[%get3A_499, %get3A_500] {strides = array<i32>} : memref<184x128xf32, #tpu.memory_space<vmem>>, vector<1x16xf32>,
      %get3A_502 = vector.shape_cast %get3A_501 : vector<1x16xf32> to vector<16xf32>
      %gt3A_503 = arith.cmpf ogt, %get3A_502, %scan3A_443 : vector<16xf32>
      %max3A_504 = arith.maximumf %scan3A_443, %get3A_502 : vector<16xf32>
      %select_n3A_505 = arith.select %gt3A_503, %broadcast_in_dim3A_453, %scan3A_451 : vector<16xi1>, vector<16xi32>
      scf.yield %max3A, %max3A_462, %max3A_469, %max3A_476, %max3A_483, %max3A_490, %max3A_497, %max3A_504, %select_n3A, %select_n3A_463, %select_n3A_470, %select_n3A_477, %select_n3A_484, %select_n3A_491, %select_n3A_498, %select_n3A_505 : vector<16xf32>, vector<16xf32>, vector<16xf32>, vector<16xf32>, vector<16xf32>, vector<16xf32>, vector<16xf32>, vector<16xf32>, vector<16xi32>, vector<16xi32>, vector<16xi32>, vector<16xi32>, vector<16xi32>, vector<16xi32>, vector<16xi32>, vector<16xi32>
    }
    %scan3A_301 = arith.constant 184 : i32
    %dma_wait3A_302 = arith.constant 0 : i32
    %dma_wait3A_303 = tpu.memref_slice %arg2[%add3A_253, %dma_wait3A_302] : memref<100000x128xf32, #tpu.memory_space<hbm>> -> memref<184x128xf32, #tpu.memory_space<hbm>>
    %dma_wait3A_304 = arith.constant 0 : i32
    %dma_wait3A_305 = tpu.memref_slice %arg2[%add3A_253, %dma_wait3A_304] : memref<100000x128xf32, #tpu.memory_space<hbm>> -> memref<184x128xf32, #tpu.memory_space<hbm>>
    tpu.wait_dma2 semaphore(%arg21 : memref<!tpu.dma_semaphore, #tpu.memory_space<semaphore_mem>>) src(%dma_wait3A_305 : memref<184x128xf32, #tpu.memory_space<hbm>>) dst(%arg10 : memref<184x128xf32, #tpu.memory_space<vmem>>)
    %add3A_306 = arith.constant 2576 : i32
    %add3A_307 = arith.addi %multiple_of3A, %add3A_306 : i32
    %scan3A_308 = arith.constant 0 : i32
    %scan3A_309 = arith.constant 184 : i32
    %scan3A_310 = arith.addi %scan3A_308, %scan3A_309 : i32
    %scan3A_311 = arith.constant 1 : i32
    %scan3A_312:16 = scf.for %scan3A_435 = %scan3A_308 to %scan3A_310 step %scan3A_311 iter_args(%scan3A_436 = %scan3A_300#0, %scan3A_437 = %scan3A_300#1, %scan3A_438 = %scan3A_300#2, %scan3A_439 = %scan3A_300#3, %scan3A_440 = %scan3A_300#4, %scan3A_441 = %scan3A_300#5, %scan3A_442 = %scan3A_300#6, %scan3A_443 = %scan3A_300#7, %scan3A_444 = %scan3A_300#8, %scan3A_445 = %scan3A_300#9, %scan3A_446 = %scan3A_300#10, %scan3A_447 = %scan3A_300#11, %scan3A_448 = %scan3A_300#12, %scan3A_449 = %scan3A_300#13, %scan3A_450 = %scan3A_300#14, %scan3A_451 = %scan3A_300#15) -> (vector<16xf32>, vector<16xf32>, vector<16xf32>, vector<16xf32>, vector<16xf32>, vector<16xf32>, vector<16xf32>, vector<16xf32>, vector<16xi32>, vector<16xi32>, vector<16xi32>, vector<16xi32>, vector<16xi32>, vector<16xi32>, vector<16xi32>, vector<16xi32>)  : i32 {
      %add3A_452 = arith.addi %add3A_307, %scan3A_435 : i32
      %broadcast_in_dim3A_453 = vector.broadcast %add3A_452 : i32 to vector<16xi32>
      %get3A = arith.index_cast %scan3A_435 : i32 to index
      %get3A_454 = arith.constant 0 : index
      %get3A_455 = tpu.vector_load %arg10[%get3A, %get3A_454] {strides = array<i32>} : memref<184x128xf32, #tpu.memory_space<vmem>>, vector<1x16xf32>,
      %get3A_456 = vector.shape_cast %get3A_455 : vector<1x16xf32> to vector<16xf32>
      %gt3A = arith.cmpf ogt, %get3A_456, %scan3A_436 : vector<16xf32>
      %max3A = arith.maximumf %scan3A_436, %get3A_456 : vector<16xf32>
      %select_n3A = arith.select %gt3A, %broadcast_in_dim3A_453, %scan3A_444 : vector<16xi1>, vector<16xi32>
      %get3A_457 = arith.index_cast %scan3A_435 : i32 to index
      %get3A_458 = arith.constant 16 : index
      %get3A_459 = tpu.vector_load %arg10[%get3A_457, %get3A_458] {strides = array<i32>} : memref<184x128xf32, #tpu.memory_space<vmem>>, vector<1x16xf32>,
      %get3A_460 = vector.shape_cast %get3A_459 : vector<1x16xf32> to vector<16xf32>
      %gt3A_461 = arith.cmpf ogt, %get3A_460, %scan3A_437 : vector<16xf32>
      %max3A_462 = arith.maximumf %scan3A_437, %get3A_460 : vector<16xf32>
      %select_n3A_463 = arith.select %gt3A_461, %broadcast_in_dim3A_453, %scan3A_445 : vector<16xi1>, vector<16xi32>
      %get3A_464 = arith.index_cast %scan3A_435 : i32 to index
      %get3A_465 = arith.constant 32 : index
      %get3A_466 = tpu.vector_load %arg10[%get3A_464, %get3A_465] {strides = array<i32>} : memref<184x128xf32, #tpu.memory_space<vmem>>, vector<1x16xf32>,
      %get3A_467 = vector.shape_cast %get3A_466 : vector<1x16xf32> to vector<16xf32>
      %gt3A_468 = arith.cmpf ogt, %get3A_467, %scan3A_438 : vector<16xf32>
      %max3A_469 = arith.maximumf %scan3A_438, %get3A_467 : vector<16xf32>
      %select_n3A_470 = arith.select %gt3A_468, %broadcast_in_dim3A_453, %scan3A_446 : vector<16xi1>, vector<16xi32>
      %get3A_471 = arith.index_cast %scan3A_435 : i32 to index
      %get3A_472 = arith.constant 48 : index
      %get3A_473 = tpu.vector_load %arg10[%get3A_471, %get3A_472] {strides = array<i32>} : memref<184x128xf32, #tpu.memory_space<vmem>>, vector<1x16xf32>,
      %get3A_474 = vector.shape_cast %get3A_473 : vector<1x16xf32> to vector<16xf32>
      %gt3A_475 = arith.cmpf ogt, %get3A_474, %scan3A_439 : vector<16xf32>
      %max3A_476 = arith.maximumf %scan3A_439, %get3A_474 : vector<16xf32>
      %select_n3A_477 = arith.select %gt3A_475, %broadcast_in_dim3A_453, %scan3A_447 : vector<16xi1>, vector<16xi32>
      %get3A_478 = arith.index_cast %scan3A_435 : i32 to index
      %get3A_479 = arith.constant 64 : index
      %get3A_480 = tpu.vector_load %arg10[%get3A_478, %get3A_479] {strides = array<i32>} : memref<184x128xf32, #tpu.memory_space<vmem>>, vector<1x16xf32>,
      %get3A_481 = vector.shape_cast %get3A_480 : vector<1x16xf32> to vector<16xf32>
      %gt3A_482 = arith.cmpf ogt, %get3A_481, %scan3A_440 : vector<16xf32>
      %max3A_483 = arith.maximumf %scan3A_440, %get3A_481 : vector<16xf32>
      %select_n3A_484 = arith.select %gt3A_482, %broadcast_in_dim3A_453, %scan3A_448 : vector<16xi1>, vector<16xi32>
      %get3A_485 = arith.index_cast %scan3A_435 : i32 to index
      %get3A_486 = arith.constant 80 : index
      %get3A_487 = tpu.vector_load %arg10[%get3A_485, %get3A_486] {strides = array<i32>} : memref<184x128xf32, #tpu.memory_space<vmem>>, vector<1x16xf32>,
      %get3A_488 = vector.shape_cast %get3A_487 : vector<1x16xf32> to vector<16xf32>
      %gt3A_489 = arith.cmpf ogt, %get3A_488, %scan3A_441 : vector<16xf32>
      %max3A_490 = arith.maximumf %scan3A_441, %get3A_488 : vector<16xf32>
      %select_n3A_491 = arith.select %gt3A_489, %broadcast_in_dim3A_453, %scan3A_449 : vector<16xi1>, vector<16xi32>
      %get3A_492 = arith.index_cast %scan3A_435 : i32 to index
      %get3A_493 = arith.constant 96 : index
      %get3A_494 = tpu.vector_load %arg10[%get3A_492, %get3A_493] {strides = array<i32>} : memref<184x128xf32, #tpu.memory_space<vmem>>, vector<1x16xf32>,
      %get3A_495 = vector.shape_cast %get3A_494 : vector<1x16xf32> to vector<16xf32>
      %gt3A_496 = arith.cmpf ogt, %get3A_495, %scan3A_442 : vector<16xf32>
      %max3A_497 = arith.maximumf %scan3A_442, %get3A_495 : vector<16xf32>
      %select_n3A_498 = arith.select %gt3A_496, %broadcast_in_dim3A_453, %scan3A_450 : vector<16xi1>, vector<16xi32>
      %get3A_499 = arith.index_cast %scan3A_435 : i32 to index
      %get3A_500 = arith.constant 112 : index
      %get3A_501 = tpu.vector_load %arg10[%get3A_499, %get3A_500] {strides = array<i32>} : memref<184x128xf32, #tpu.memory_space<vmem>>, vector<1x16xf32>,
      %get3A_502 = vector.shape_cast %get3A_501 : vector<1x16xf32> to vector<16xf32>
      %gt3A_503 = arith.cmpf ogt, %get3A_502, %scan3A_443 : vector<16xf32>
      %max3A_504 = arith.maximumf %scan3A_443, %get3A_502 : vector<16xf32>
      %select_n3A_505 = arith.select %gt3A_503, %broadcast_in_dim3A_453, %scan3A_451 : vector<16xi1>, vector<16xi32>
      scf.yield %max3A, %max3A_462, %max3A_469, %max3A_476, %max3A_483, %max3A_490, %max3A_497, %max3A_504, %select_n3A, %select_n3A_463, %select_n3A_470, %select_n3A_477, %select_n3A_484, %select_n3A_491, %select_n3A_498, %select_n3A_505 : vector<16xf32>, vector<16xf32>, vector<16xf32>, vector<16xf32>, vector<16xf32>, vector<16xf32>, vector<16xf32>, vector<16xf32>, vector<16xi32>, vector<16xi32>, vector<16xi32>, vector<16xi32>, vector<16xi32>, vector<16xi32>, vector<16xi32>, vector<16xi32>
    }
    %scan3A_313 = arith.constant 184 : i32
    %dma_wait3A_314 = arith.constant 0 : i32
    %dma_wait3A_315 = tpu.memref_slice %arg2[%add3A_271, %dma_wait3A_314] : memref<100000x128xf32, #tpu.memory_space<hbm>> -> memref<184x128xf32, #tpu.memory_space<hbm>>
    %dma_wait3A_316 = arith.constant 0 : i32
    %dma_wait3A_317 = tpu.memref_slice %arg2[%add3A_271, %dma_wait3A_316] : memref<100000x128xf32, #tpu.memory_space<hbm>> -> memref<184x128xf32, #tpu.memory_space<hbm>>
    tpu.wait_dma2 semaphore(%arg22 : memref<!tpu.dma_semaphore, #tpu.memory_space<semaphore_mem>>) src(%dma_wait3A_317 : memref<184x128xf32, #tpu.memory_space<hbm>>) dst(%arg11 : memref<184x128xf32, #tpu.memory_space<vmem>>)
    %add3A_318 = arith.constant 2760 : i32
    %add3A_319 = arith.addi %multiple_of3A, %add3A_318 : i32
    %scan3A_320 = arith.constant 0 : i32
    %scan3A_321 = arith.constant 184 : i32
    %scan3A_322 = arith.addi %scan3A_320, %scan3A_321 : i32
    %scan3A_323 = arith.constant 1 : i32
    %scan3A_324:16 = scf.for %scan3A_435 = %scan3A_320 to %scan3A_322 step %scan3A_323 iter_args(%scan3A_436 = %scan3A_312#0, %scan3A_437 = %scan3A_312#1, %scan3A_438 = %scan3A_312#2, %scan3A_439 = %scan3A_312#3, %scan3A_440 = %scan3A_312#4, %scan3A_441 = %scan3A_312#5, %scan3A_442 = %scan3A_312#6, %scan3A_443 = %scan3A_312#7, %scan3A_444 = %scan3A_312#8, %scan3A_445 = %scan3A_312#9, %scan3A_446 = %scan3A_312#10, %scan3A_447 = %scan3A_312#11, %scan3A_448 = %scan3A_312#12, %scan3A_449 = %scan3A_312#13, %scan3A_450 = %scan3A_312#14, %scan3A_451 = %scan3A_312#15) -> (vector<16xf32>, vector<16xf32>, vector<16xf32>, vector<16xf32>, vector<16xf32>, vector<16xf32>, vector<16xf32>, vector<16xf32>, vector<16xi32>, vector<16xi32>, vector<16xi32>, vector<16xi32>, vector<16xi32>, vector<16xi32>, vector<16xi32>, vector<16xi32>)  : i32 {
      %add3A_452 = arith.addi %add3A_319, %scan3A_435 : i32
      %broadcast_in_dim3A_453 = vector.broadcast %add3A_452 : i32 to vector<16xi32>
      %get3A = arith.index_cast %scan3A_435 : i32 to index
      %get3A_454 = arith.constant 0 : index
      %get3A_455 = tpu.vector_load %arg11[%get3A, %get3A_454] {strides = array<i32>} : memref<184x128xf32, #tpu.memory_space<vmem>>, vector<1x16xf32>,
      %get3A_456 = vector.shape_cast %get3A_455 : vector<1x16xf32> to vector<16xf32>
      %gt3A = arith.cmpf ogt, %get3A_456, %scan3A_436 : vector<16xf32>
      %max3A = arith.maximumf %scan3A_436, %get3A_456 : vector<16xf32>
      %select_n3A = arith.select %gt3A, %broadcast_in_dim3A_453, %scan3A_444 : vector<16xi1>, vector<16xi32>
      %get3A_457 = arith.index_cast %scan3A_435 : i32 to index
      %get3A_458 = arith.constant 16 : index
      %get3A_459 = tpu.vector_load %arg11[%get3A_457, %get3A_458] {strides = array<i32>} : memref<184x128xf32, #tpu.memory_space<vmem>>, vector<1x16xf32>,
      %get3A_460 = vector.shape_cast %get3A_459 : vector<1x16xf32> to vector<16xf32>
      %gt3A_461 = arith.cmpf ogt, %get3A_460, %scan3A_437 : vector<16xf32>
      %max3A_462 = arith.maximumf %scan3A_437, %get3A_460 : vector<16xf32>
      %select_n3A_463 = arith.select %gt3A_461, %broadcast_in_dim3A_453, %scan3A_445 : vector<16xi1>, vector<16xi32>
      %get3A_464 = arith.index_cast %scan3A_435 : i32 to index
      %get3A_465 = arith.constant 32 : index
      %get3A_466 = tpu.vector_load %arg11[%get3A_464, %get3A_465] {strides = array<i32>} : memref<184x128xf32, #tpu.memory_space<vmem>>, vector<1x16xf32>,
      %get3A_467 = vector.shape_cast %get3A_466 : vector<1x16xf32> to vector<16xf32>
      %gt3A_468 = arith.cmpf ogt, %get3A_467, %scan3A_438 : vector<16xf32>
      %max3A_469 = arith.maximumf %scan3A_438, %get3A_467 : vector<16xf32>
      %select_n3A_470 = arith.select %gt3A_468, %broadcast_in_dim3A_453, %scan3A_446 : vector<16xi1>, vector<16xi32>
      %get3A_471 = arith.index_cast %scan3A_435 : i32 to index
      %get3A_472 = arith.constant 48 : index
      %get3A_473 = tpu.vector_load %arg11[%get3A_471, %get3A_472] {strides = array<i32>} : memref<184x128xf32, #tpu.memory_space<vmem>>, vector<1x16xf32>,
      %get3A_474 = vector.shape_cast %get3A_473 : vector<1x16xf32> to vector<16xf32>
      %gt3A_475 = arith.cmpf ogt, %get3A_474, %scan3A_439 : vector<16xf32>
      %max3A_476 = arith.maximumf %scan3A_439, %get3A_474 : vector<16xf32>
      %select_n3A_477 = arith.select %gt3A_475, %broadcast_in_dim3A_453, %scan3A_447 : vector<16xi1>, vector<16xi32>
      %get3A_478 = arith.index_cast %scan3A_435 : i32 to index
      %get3A_479 = arith.constant 64 : index
      %get3A_480 = tpu.vector_load %arg11[%get3A_478, %get3A_479] {strides = array<i32>} : memref<184x128xf32, #tpu.memory_space<vmem>>, vector<1x16xf32>,
      %get3A_481 = vector.shape_cast %get3A_480 : vector<1x16xf32> to vector<16xf32>
      %gt3A_482 = arith.cmpf ogt, %get3A_481, %scan3A_440 : vector<16xf32>
      %max3A_483 = arith.maximumf %scan3A_440, %get3A_481 : vector<16xf32>
      %select_n3A_484 = arith.select %gt3A_482, %broadcast_in_dim3A_453, %scan3A_448 : vector<16xi1>, vector<16xi32>
      %get3A_485 = arith.index_cast %scan3A_435 : i32 to index
      %get3A_486 = arith.constant 80 : index
      %get3A_487 = tpu.vector_load %arg11[%get3A_485, %get3A_486] {strides = array<i32>} : memref<184x128xf32, #tpu.memory_space<vmem>>, vector<1x16xf32>,
      %get3A_488 = vector.shape_cast %get3A_487 : vector<1x16xf32> to vector<16xf32>
      %gt3A_489 = arith.cmpf ogt, %get3A_488, %scan3A_441 : vector<16xf32>
      %max3A_490 = arith.maximumf %scan3A_441, %get3A_488 : vector<16xf32>
      %select_n3A_491 = arith.select %gt3A_489, %broadcast_in_dim3A_453, %scan3A_449 : vector<16xi1>, vector<16xi32>
      %get3A_492 = arith.index_cast %scan3A_435 : i32 to index
      %get3A_493 = arith.constant 96 : index
      %get3A_494 = tpu.vector_load %arg11[%get3A_492, %get3A_493] {strides = array<i32>} : memref<184x128xf32, #tpu.memory_space<vmem>>, vector<1x16xf32>,
      %get3A_495 = vector.shape_cast %get3A_494 : vector<1x16xf32> to vector<16xf32>
      %gt3A_496 = arith.cmpf ogt, %get3A_495, %scan3A_442 : vector<16xf32>
      %max3A_497 = arith.maximumf %scan3A_442, %get3A_495 : vector<16xf32>
      %select_n3A_498 = arith.select %gt3A_496, %broadcast_in_dim3A_453, %scan3A_450 : vector<16xi1>, vector<16xi32>
      %get3A_499 = arith.index_cast %scan3A_435 : i32 to index
      %get3A_500 = arith.constant 112 : index
      %get3A_501 = tpu.vector_load %arg11[%get3A_499, %get3A_500] {strides = array<i32>} : memref<184x128xf32, #tpu.memory_space<vmem>>, vector<1x16xf32>,
      %get3A_502 = vector.shape_cast %get3A_501 : vector<1x16xf32> to vector<16xf32>
      %gt3A_503 = arith.cmpf ogt, %get3A_502, %scan3A_443 : vector<16xf32>
      %max3A_504 = arith.maximumf %scan3A_443, %get3A_502 : vector<16xf32>
      %select_n3A_505 = arith.select %gt3A_503, %broadcast_in_dim3A_453, %scan3A_451 : vector<16xi1>, vector<16xi32>
      scf.yield %max3A, %max3A_462, %max3A_469, %max3A_476, %max3A_483, %max3A_490, %max3A_497, %max3A_504, %select_n3A, %select_n3A_463, %select_n3A_470, %select_n3A_477, %select_n3A_484, %select_n3A_491, %select_n3A_498, %select_n3A_505 : vector<16xf32>, vector<16xf32>, vector<16xf32>, vector<16xf32>, vector<16xf32>, vector<16xf32>, vector<16xf32>, vector<16xf32>, vector<16xi32>, vector<16xi32>, vector<16xi32>, vector<16xi32>, vector<16xi32>, vector<16xi32>, vector<16xi32>, vector<16xi32>
    }
    %scan3A_325 = arith.constant 184 : i32
    %dma_wait3A_326 = arith.constant 0 : i32
    %dma_wait3A_327 = tpu.memref_slice %arg2[%add3A_289, %dma_wait3A_326] : memref<100000x128xf32, #tpu.memory_space<hbm>> -> memref<184x128xf32, #tpu.memory_space<hbm>>
    %dma_wait3A_328 = arith.constant 0 : i32
    %dma_wait3A_329 = tpu.memref_slice %arg2[%add3A_289, %dma_wait3A_328] : memref<100000x128xf32, #tpu.memory_space<hbm>> -> memref<184x128xf32, #tpu.memory_space<hbm>>
    tpu.wait_dma2 semaphore(%arg19 : memref<!tpu.dma_semaphore, #tpu.memory_space<semaphore_mem>>) src(%dma_wait3A_329 : memref<184x128xf32, #tpu.memory_space<hbm>>) dst(%arg8 : memref<184x128xf32, #tpu.memory_space<vmem>>)
    %add3A_330 = arith.constant 2944 : i32
    %add3A_331 = arith.addi %multiple_of3A, %add3A_330 : i32
    %scan3A_332 = arith.constant 0 : i32
    %scan3A_333 = arith.constant 184 : i32
    %scan3A_334 = arith.addi %scan3A_332, %scan3A_333 : i32
    %scan3A_335 = arith.constant 1 : i32
    %scan3A_336:16 = scf.for %scan3A_435 = %scan3A_332 to %scan3A_334 step %scan3A_335 iter_args(%scan3A_436 = %scan3A_324#0, %scan3A_437 = %scan3A_324#1, %scan3A_438 = %scan3A_324#2, %scan3A_439 = %scan3A_324#3, %scan3A_440 = %scan3A_324#4, %scan3A_441 = %scan3A_324#5, %scan3A_442 = %scan3A_324#6, %scan3A_443 = %scan3A_324#7, %scan3A_444 = %scan3A_324#8, %scan3A_445 = %scan3A_324#9, %scan3A_446 = %scan3A_324#10, %scan3A_447 = %scan3A_324#11, %scan3A_448 = %scan3A_324#12, %scan3A_449 = %scan3A_324#13, %scan3A_450 = %scan3A_324#14, %scan3A_451 = %scan3A_324#15) -> (vector<16xf32>, vector<16xf32>, vector<16xf32>, vector<16xf32>, vector<16xf32>, vector<16xf32>, vector<16xf32>, vector<16xf32>, vector<16xi32>, vector<16xi32>, vector<16xi32>, vector<16xi32>, vector<16xi32>, vector<16xi32>, vector<16xi32>, vector<16xi32>)  : i32 {
      %add3A_452 = arith.addi %add3A_331, %scan3A_435 : i32
      %broadcast_in_dim3A_453 = vector.broadcast %add3A_452 : i32 to vector<16xi32>
      %get3A = arith.index_cast %scan3A_435 : i32 to index
      %get3A_454 = arith.constant 0 : index
      %get3A_455 = tpu.vector_load %arg8[%get3A, %get3A_454] {strides = array<i32>} : memref<184x128xf32, #tpu.memory_space<vmem>>, vector<1x16xf32>,
      %get3A_456 = vector.shape_cast %get3A_455 : vector<1x16xf32> to vector<16xf32>
      %gt3A = arith.cmpf ogt, %get3A_456, %scan3A_436 : vector<16xf32>
      %max3A = arith.maximumf %scan3A_436, %get3A_456 : vector<16xf32>
      %select_n3A = arith.select %gt3A, %broadcast_in_dim3A_453, %scan3A_444 : vector<16xi1>, vector<16xi32>
      %get3A_457 = arith.index_cast %scan3A_435 : i32 to index
      %get3A_458 = arith.constant 16 : index
      %get3A_459 = tpu.vector_load %arg8[%get3A_457, %get3A_458] {strides = array<i32>} : memref<184x128xf32, #tpu.memory_space<vmem>>, vector<1x16xf32>,
      %get3A_460 = vector.shape_cast %get3A_459 : vector<1x16xf32> to vector<16xf32>
      %gt3A_461 = arith.cmpf ogt, %get3A_460, %scan3A_437 : vector<16xf32>
      %max3A_462 = arith.maximumf %scan3A_437, %get3A_460 : vector<16xf32>
      %select_n3A_463 = arith.select %gt3A_461, %broadcast_in_dim3A_453, %scan3A_445 : vector<16xi1>, vector<16xi32>
      %get3A_464 = arith.index_cast %scan3A_435 : i32 to index
      %get3A_465 = arith.constant 32 : index
      %get3A_466 = tpu.vector_load %arg8[%get3A_464, %get3A_465] {strides = array<i32>} : memref<184x128xf32, #tpu.memory_space<vmem>>, vector<1x16xf32>,
      %get3A_467 = vector.shape_cast %get3A_466 : vector<1x16xf32> to vector<16xf32>
      %gt3A_468 = arith.cmpf ogt, %get3A_467, %scan3A_438 : vector<16xf32>
      %max3A_469 = arith.maximumf %scan3A_438, %get3A_467 : vector<16xf32>
      %select_n3A_470 = arith.select %gt3A_468, %broadcast_in_dim3A_453, %scan3A_446 : vector<16xi1>, vector<16xi32>
      %get3A_471 = arith.index_cast %scan3A_435 : i32 to index
      %get3A_472 = arith.constant 48 : index
      %get3A_473 = tpu.vector_load %arg8[%get3A_471, %get3A_472] {strides = array<i32>} : memref<184x128xf32, #tpu.memory_space<vmem>>, vector<1x16xf32>,
      %get3A_474 = vector.shape_cast %get3A_473 : vector<1x16xf32> to vector<16xf32>
      %gt3A_475 = arith.cmpf ogt, %get3A_474, %scan3A_439 : vector<16xf32>
      %max3A_476 = arith.maximumf %scan3A_439, %get3A_474 : vector<16xf32>
      %select_n3A_477 = arith.select %gt3A_475, %broadcast_in_dim3A_453, %scan3A_447 : vector<16xi1>, vector<16xi32>
      %get3A_478 = arith.index_cast %scan3A_435 : i32 to index
      %get3A_479 = arith.constant 64 : index
      %get3A_480 = tpu.vector_load %arg8[%get3A_478, %get3A_479] {strides = array<i32>} : memref<184x128xf32, #tpu.memory_space<vmem>>, vector<1x16xf32>,
      %get3A_481 = vector.shape_cast %get3A_480 : vector<1x16xf32> to vector<16xf32>
      %gt3A_482 = arith.cmpf ogt, %get3A_481, %scan3A_440 : vector<16xf32>
      %max3A_483 = arith.maximumf %scan3A_440, %get3A_481 : vector<16xf32>
      %select_n3A_484 = arith.select %gt3A_482, %broadcast_in_dim3A_453, %scan3A_448 : vector<16xi1>, vector<16xi32>
      %get3A_485 = arith.index_cast %scan3A_435 : i32 to index
      %get3A_486 = arith.constant 80 : index
      %get3A_487 = tpu.vector_load %arg8[%get3A_485, %get3A_486] {strides = array<i32>} : memref<184x128xf32, #tpu.memory_space<vmem>>, vector<1x16xf32>,
      %get3A_488 = vector.shape_cast %get3A_487 : vector<1x16xf32> to vector<16xf32>
      %gt3A_489 = arith.cmpf ogt, %get3A_488, %scan3A_441 : vector<16xf32>
      %max3A_490 = arith.maximumf %scan3A_441, %get3A_488 : vector<16xf32>
      %select_n3A_491 = arith.select %gt3A_489, %broadcast_in_dim3A_453, %scan3A_449 : vector<16xi1>, vector<16xi32>
      %get3A_492 = arith.index_cast %scan3A_435 : i32 to index
      %get3A_493 = arith.constant 96 : index
      %get3A_494 = tpu.vector_load %arg8[%get3A_492, %get3A_493] {strides = array<i32>} : memref<184x128xf32, #tpu.memory_space<vmem>>, vector<1x16xf32>,
      %get3A_495 = vector.shape_cast %get3A_494 : vector<1x16xf32> to vector<16xf32>
      %gt3A_496 = arith.cmpf ogt, %get3A_495, %scan3A_442 : vector<16xf32>
      %max3A_497 = arith.maximumf %scan3A_442, %get3A_495 : vector<16xf32>
      %select_n3A_498 = arith.select %gt3A_496, %broadcast_in_dim3A_453, %scan3A_450 : vector<16xi1>, vector<16xi32>
      %get3A_499 = arith.index_cast %scan3A_435 : i32 to index
      %get3A_500 = arith.constant 112 : index
      %get3A_501 = tpu.vector_load %arg8[%get3A_499, %get3A_500] {strides = array<i32>} : memref<184x128xf32, #tpu.memory_space<vmem>>, vector<1x16xf32>,
      %get3A_502 = vector.shape_cast %get3A_501 : vector<1x16xf32> to vector<16xf32>
      %gt3A_503 = arith.cmpf ogt, %get3A_502, %scan3A_443 : vector<16xf32>
      %max3A_504 = arith.maximumf %scan3A_443, %get3A_502 : vector<16xf32>
      %select_n3A_505 = arith.select %gt3A_503, %broadcast_in_dim3A_453, %scan3A_451 : vector<16xi1>, vector<16xi32>
      scf.yield %max3A, %max3A_462, %max3A_469, %max3A_476, %max3A_483, %max3A_490, %max3A_497, %max3A_504, %select_n3A, %select_n3A_463, %select_n3A_470, %select_n3A_477, %select_n3A_484, %select_n3A_491, %select_n3A_498, %select_n3A_505 : vector<16xf32>, vector<16xf32>, vector<16xf32>, vector<16xf32>, vector<16xf32>, vector<16xf32>, vector<16xf32>, vector<16xf32>, vector<16xi32>, vector<16xi32>, vector<16xi32>, vector<16xi32>, vector<16xi32>, vector<16xi32>, vector<16xi32>, vector<16xi32>
    }
    %scan3A_337 = arith.constant 184 : i32
    %swap3A = arith.constant 0 : i32
    %swap3A_338 = arith.index_cast %swap3A : i32 to index
    %swap3A_339 = arith.constant 0 : index
    %swap3A_340 = tpu.vector_load %arg12[%swap3A_338, %swap3A_339] {strides = array<i32>} : memref<8x16xf32, #tpu.memory_space<vmem>>, vector<1x16xf32>,
    %swap3A_341 = vector.shape_cast %swap3A_340 : vector<1x16xf32> to vector<16xf32>
    %swap3A_342 = vector.shape_cast %scan3A_336#0 : vector<16xf32> to vector<1x16xf32>
    tpu.vector_store %arg12[%swap3A_338, %swap3A_339], %swap3A_342 {strides = array<i32>} : memref<8x16xf32, #tpu.memory_space<vmem>>, vector<1x16xf32>,
    %swap3A_343 = arith.constant 0 : i32
    %swap3A_344 = arith.index_cast %swap3A_343 : i32 to index
    %swap3A_345 = arith.constant 0 : index
    %swap3A_346 = tpu.vector_load %arg13[%swap3A_344, %swap3A_345] {strides = array<i32>} : memref<8x16xi32, #tpu.memory_space<vmem>>, vector<1x16xi32>,
    %swap3A_347 = vector.shape_cast %swap3A_346 : vector<1x16xi32> to vector<16xi32>
    %swap3A_348 = vector.shape_cast %scan3A_336#8 : vector<16xi32> to vector<1x16xi32>
    tpu.vector_store %arg13[%swap3A_344, %swap3A_345], %swap3A_348 {strides = array<i32>} : memref<8x16xi32, #tpu.memory_space<vmem>>, vector<1x16xi32>,
    %swap3A_349 = arith.constant 1 : i32
    %swap3A_350 = arith.index_cast %swap3A_349 : i32 to index
    %swap3A_351 = arith.constant 0 : index
    %swap3A_352 = tpu.vector_load %arg12[%swap3A_350, %swap3A_351] {strides = array<i32>} : memref<8x16xf32, #tpu.memory_space<vmem>>, vector<1x16xf32>,
    %swap3A_353 = vector.shape_cast %swap3A_352 : vector<1x16xf32> to vector<16xf32>
    %swap3A_354 = vector.shape_cast %scan3A_336#1 : vector<16xf32> to vector<1x16xf32>
    tpu.vector_store %arg12[%swap3A_350, %swap3A_351], %swap3A_354 {strides = array<i32>} : memref<8x16xf32, #tpu.memory_space<vmem>>, vector<1x16xf32>,
    %swap3A_355 = arith.constant 1 : i32
    %swap3A_356 = arith.index_cast %swap3A_355 : i32 to index
    %swap3A_357 = arith.constant 0 : index
    %swap3A_358 = tpu.vector_load %arg13[%swap3A_356, %swap3A_357] {strides = array<i32>} : memref<8x16xi32, #tpu.memory_space<vmem>>, vector<1x16xi32>,
    %swap3A_359 = vector.shape_cast %swap3A_358 : vector<1x16xi32> to vector<16xi32>
    %swap3A_360 = vector.shape_cast %scan3A_336#9 : vector<16xi32> to vector<1x16xi32>
    tpu.vector_store %arg13[%swap3A_356, %swap3A_357], %swap3A_360 {strides = array<i32>} : memref<8x16xi32, #tpu.memory_space<vmem>>, vector<1x16xi32>,
    %swap3A_361 = arith.constant 2 : i32
    %swap3A_362 = arith.index_cast %swap3A_361 : i32 to index
    %swap3A_363 = arith.constant 0 : index
    %swap3A_364 = tpu.vector_load %arg12[%swap3A_362, %swap3A_363] {strides = array<i32>} : memref<8x16xf32, #tpu.memory_space<vmem>>, vector<1x16xf32>,
    %swap3A_365 = vector.shape_cast %swap3A_364 : vector<1x16xf32> to vector<16xf32>
    %swap3A_366 = vector.shape_cast %scan3A_336#2 : vector<16xf32> to vector<1x16xf32>
    tpu.vector_store %arg12[%swap3A_362, %swap3A_363], %swap3A_366 {strides = array<i32>} : memref<8x16xf32, #tpu.memory_space<vmem>>, vector<1x16xf32>,
    %swap3A_367 = arith.constant 2 : i32
    %swap3A_368 = arith.index_cast %swap3A_367 : i32 to index
    %swap3A_369 = arith.constant 0 : index
    %swap3A_370 = tpu.vector_load %arg13[%swap3A_368, %swap3A_369] {strides = array<i32>} : memref<8x16xi32, #tpu.memory_space<vmem>>, vector<1x16xi32>,
    %swap3A_371 = vector.shape_cast %swap3A_370 : vector<1x16xi32> to vector<16xi32>
    %swap3A_372 = vector.shape_cast %scan3A_336#10 : vector<16xi32> to vector<1x16xi32>
    tpu.vector_store %arg13[%swap3A_368, %swap3A_369], %swap3A_372 {strides = array<i32>} : memref<8x16xi32, #tpu.memory_space<vmem>>, vector<1x16xi32>,
    %swap3A_373 = arith.constant 3 : i32
    %swap3A_374 = arith.index_cast %swap3A_373 : i32 to index
    %swap3A_375 = arith.constant 0 : index
    %swap3A_376 = tpu.vector_load %arg12[%swap3A_374, %swap3A_375] {strides = array<i32>} : memref<8x16xf32, #tpu.memory_space<vmem>>, vector<1x16xf32>,
    %swap3A_377 = vector.shape_cast %swap3A_376 : vector<1x16xf32> to vector<16xf32>
    %swap3A_378 = vector.shape_cast %scan3A_336#3 : vector<16xf32> to vector<1x16xf32>
    tpu.vector_store %arg12[%swap3A_374, %swap3A_375], %swap3A_378 {strides = array<i32>} : memref<8x16xf32, #tpu.memory_space<vmem>>, vector<1x16xf32>,
    %swap3A_379 = arith.constant 3 : i32
    %swap3A_380 = arith.index_cast %swap3A_379 : i32 to index
    %swap3A_381 = arith.constant 0 : index
    %swap3A_382 = tpu.vector_load %arg13[%swap3A_380, %swap3A_381] {strides = array<i32>} : memref<8x16xi32, #tpu.memory_space<vmem>>, vector<1x16xi32>,
    %swap3A_383 = vector.shape_cast %swap3A_382 : vector<1x16xi32> to vector<16xi32>
    %swap3A_384 = vector.shape_cast %scan3A_336#11 : vector<16xi32> to vector<1x16xi32>
    tpu.vector_store %arg13[%swap3A_380, %swap3A_381], %swap3A_384 {strides = array<i32>} : memref<8x16xi32, #tpu.memory_space<vmem>>, vector<1x16xi32>,
    %swap3A_385 = arith.constant 4 : i32
    %swap3A_386 = arith.index_cast %swap3A_385 : i32 to index
    %swap3A_387 = arith.constant 0 : index
    %swap3A_388 = tpu.vector_load %arg12[%swap3A_386, %swap3A_387] {strides = array<i32>} : memref<8x16xf32, #tpu.memory_space<vmem>>, vector<1x16xf32>,
    %swap3A_389 = vector.shape_cast %swap3A_388 : vector<1x16xf32> to vector<16xf32>
    %swap3A_390 = vector.shape_cast %scan3A_336#4 : vector<16xf32> to vector<1x16xf32>
    tpu.vector_store %arg12[%swap3A_386, %swap3A_387], %swap3A_390 {strides = array<i32>} : memref<8x16xf32, #tpu.memory_space<vmem>>, vector<1x16xf32>,
    %swap3A_391 = arith.constant 4 : i32
    %swap3A_392 = arith.index_cast %swap3A_391 : i32 to index
    %swap3A_393 = arith.constant 0 : index
    %swap3A_394 = tpu.vector_load %arg13[%swap3A_392, %swap3A_393] {strides = array<i32>} : memref<8x16xi32, #tpu.memory_space<vmem>>, vector<1x16xi32>,
    %swap3A_395 = vector.shape_cast %swap3A_394 : vector<1x16xi32> to vector<16xi32>
    %swap3A_396 = vector.shape_cast %scan3A_336#12 : vector<16xi32> to vector<1x16xi32>
    tpu.vector_store %arg13[%swap3A_392, %swap3A_393], %swap3A_396 {strides = array<i32>} : memref<8x16xi32, #tpu.memory_space<vmem>>, vector<1x16xi32>,
    %swap3A_397 = arith.constant 5 : i32
    %swap3A_398 = arith.index_cast %swap3A_397 : i32 to index
    %swap3A_399 = arith.constant 0 : index
    %swap3A_400 = tpu.vector_load %arg12[%swap3A_398, %swap3A_399] {strides = array<i32>} : memref<8x16xf32, #tpu.memory_space<vmem>>, vector<1x16xf32>,
    %swap3A_401 = vector.shape_cast %swap3A_400 : vector<1x16xf32> to vector<16xf32>
    %swap3A_402 = vector.shape_cast %scan3A_336#5 : vector<16xf32> to vector<1x16xf32>
    tpu.vector_store %arg12[%swap3A_398, %swap3A_399], %swap3A_402 {strides = array<i32>} : memref<8x16xf32, #tpu.memory_space<vmem>>, vector<1x16xf32>,
    %swap3A_403 = arith.constant 5 : i32
    %swap3A_404 = arith.index_cast %swap3A_403 : i32 to index
    %swap3A_405 = arith.constant 0 : index
    %swap3A_406 = tpu.vector_load %arg13[%swap3A_404, %swap3A_405] {strides = array<i32>} : memref<8x16xi32, #tpu.memory_space<vmem>>, vector<1x16xi32>,
    %swap3A_407 = vector.shape_cast %swap3A_406 : vector<1x16xi32> to vector<16xi32>
    %swap3A_408 = vector.shape_cast %scan3A_336#13 : vector<16xi32> to vector<1x16xi32>
    tpu.vector_store %arg13[%swap3A_404, %swap3A_405], %swap3A_408 {strides = array<i32>} : memref<8x16xi32, #tpu.memory_space<vmem>>, vector<1x16xi32>,
    %swap3A_409 = arith.constant 6 : i32
    %swap3A_410 = arith.index_cast %swap3A_409 : i32 to index
    %swap3A_411 = arith.constant 0 : index
    %swap3A_412 = tpu.vector_load %arg12[%swap3A_410, %swap3A_411] {strides = array<i32>} : memref<8x16xf32, #tpu.memory_space<vmem>>, vector<1x16xf32>,
    %swap3A_413 = vector.shape_cast %swap3A_412 : vector<1x16xf32> to vector<16xf32>
    %swap3A_414 = vector.shape_cast %scan3A_336#6 : vector<16xf32> to vector<1x16xf32>
    tpu.vector_store %arg12[%swap3A_410, %swap3A_411], %swap3A_414 {strides = array<i32>} : memref<8x16xf32, #tpu.memory_space<vmem>>, vector<1x16xf32>,
    %swap3A_415 = arith.constant 6 : i32
    %swap3A_416 = arith.index_cast %swap3A_415 : i32 to index
    %swap3A_417 = arith.constant 0 : index
    %swap3A_418 = tpu.vector_load %arg13[%swap3A_416, %swap3A_417] {strides = array<i32>} : memref<8x16xi32, #tpu.memory_space<vmem>>, vector<1x16xi32>,
    %swap3A_419 = vector.shape_cast %swap3A_418 : vector<1x16xi32> to vector<16xi32>
    %swap3A_420 = vector.shape_cast %scan3A_336#14 : vector<16xi32> to vector<1x16xi32>
    tpu.vector_store %arg13[%swap3A_416, %swap3A_417], %swap3A_420 {strides = array<i32>} : memref<8x16xi32, #tpu.memory_space<vmem>>, vector<1x16xi32>,
    %swap3A_421 = arith.constant 7 : i32
    %swap3A_422 = arith.index_cast %swap3A_421 : i32 to index
    %swap3A_423 = arith.constant 0 : index
    %swap3A_424 = tpu.vector_load %arg12[%swap3A_422, %swap3A_423] {strides = array<i32>} : memref<8x16xf32, #tpu.memory_space<vmem>>, vector<1x16xf32>,
    %swap3A_425 = vector.shape_cast %swap3A_424 : vector<1x16xf32> to vector<16xf32>
    %swap3A_426 = vector.shape_cast %scan3A_336#7 : vector<16xf32> to vector<1x16xf32>
    tpu.vector_store %arg12[%swap3A_422, %swap3A_423], %swap3A_426 {strides = array<i32>} : memref<8x16xf32, #tpu.memory_space<vmem>>, vector<1x16xf32>,
    %swap3A_427 = arith.constant 7 : i32
    %swap3A_428 = arith.index_cast %swap3A_427 : i32 to index
    %swap3A_429 = arith.constant 0 : index
    %swap3A_430 = tpu.vector_load %arg13[%swap3A_428, %swap3A_429] {strides = array<i32>} : memref<8x16xi32, #tpu.memory_space<vmem>>, vector<1x16xi32>,
    %swap3A_431 = vector.shape_cast %swap3A_430 : vector<1x16xi32> to vector<16xi32>
    %swap3A_432 = vector.shape_cast %scan3A_336#15 : vector<16xi32> to vector<1x16xi32>
    tpu.vector_store %arg13[%swap3A_428, %swap3A_429], %swap3A_432 {strides = array<i32>} : memref<8x16xi32, #tpu.memory_space<vmem>>, vector<1x16xi32>,
    "tpu.region"() ({
      %run_scoped3A = tpu.sem_alloc : memref<!tpu.dma_semaphore, #tpu.memory_space<semaphore_mem>>
      %dma_start3A_435 = arith.constant 0 : i32
      %dma_start3A_436 = arith.constant 0 : i32
      %dma_start3A_437 = tpu.memref_slice %arg6[%add3A, %dma_start3A_435, %dma_start3A_436] : memref<32x8x16xf32, #tpu.memory_space<hbm>> -> memref<1x8x16xf32, #tpu.memory_space<hbm>>
      %dma_start3A_438 = tpu.memref_squeeze %dma_start3A_437 : memref<1x8x16xf32, #tpu.memory_space<hbm>> -> memref<8x16xf32, #tpu.memory_space<hbm>>
      %dma_start3A_439 = arith.constant 0 : i32
      %dma_start3A_440 = arith.constant 0 : i32
      %dma_start3A_441 = tpu.memref_slice %arg6[%add3A, %dma_start3A_439, %dma_start3A_440] : memref<32x8x16xf32, #tpu.memory_space<hbm>> -> memref<1x8x16xf32, #tpu.memory_space<hbm>>
      %dma_start3A_442 = tpu.memref_squeeze %dma_start3A_441 : memref<1x8x16xf32, #tpu.memory_space<hbm>> -> memref<8x16xf32, #tpu.memory_space<hbm>>
      tpu.enqueue_dma source(%arg12 : memref<8x16xf32, #tpu.memory_space<vmem>>) target(%dma_start3A_442 : memref<8x16xf32, #tpu.memory_space<hbm>>) target_semaphore(%run_scoped3A : memref<!tpu.dma_semaphore, #tpu.memory_space<semaphore_mem>>)
      %dma_wait3A_443 = arith.constant 0 : i32
      %dma_wait3A_444 = arith.constant 0 : i32
      %dma_wait3A_445 = tpu.memref_slice %arg6[%add3A, %dma_wait3A_443, %dma_wait3A_444] : memref<32x8x16xf32, #tpu.memory_space<hbm>> -> memref<1x8x16xf32, #tpu.memory_space<hbm>>
      %dma_wait3A_446 = tpu.memref_squeeze %dma_wait3A_445 : memref<1x8x16xf32, #tpu.memory_space<hbm>> -> memref<8x16xf32, #tpu.memory_space<hbm>>
      %dma_wait3A_447 = arith.constant 0 : i32
      %dma_wait3A_448 = arith.constant 0 : i32
      %dma_wait3A_449 = tpu.memref_slice %arg6[%add3A, %dma_wait3A_447, %dma_wait3A_448] : memref<32x8x16xf32, #tpu.memory_space<hbm>> -> memref<1x8x16xf32, #tpu.memory_space<hbm>>
      %dma_wait3A_450 = tpu.memref_squeeze %dma_wait3A_449 : memref<1x8x16xf32, #tpu.memory_space<hbm>> -> memref<8x16xf32, #tpu.memory_space<hbm>>
      tpu.wait_dma2 semaphore(%run_scoped3A : memref<!tpu.dma_semaphore, #tpu.memory_space<semaphore_mem>>) src(%arg12 : memref<8x16xf32, #tpu.memory_space<vmem>>) dst(%dma_wait3A_450 : memref<8x16xf32, #tpu.memory_space<hbm>>)
      tpu.yield
    }) : () -> ()
    "tpu.region"() ({
      %run_scoped3A = tpu.sem_alloc : memref<!tpu.dma_semaphore, #tpu.memory_space<semaphore_mem>>
      %dma_start3A_435 = arith.constant 0 : i32
      %dma_start3A_436 = arith.constant 0 : i32
      %dma_start3A_437 = tpu.memref_slice %arg7[%add3A, %dma_start3A_435, %dma_start3A_436] : memref<32x8x16xi32, #tpu.memory_space<hbm>> -> memref<1x8x16xi32, #tpu.memory_space<hbm>>
      %dma_start3A_438 = tpu.memref_squeeze %dma_start3A_437 : memref<1x8x16xi32, #tpu.memory_space<hbm>> -> memref<8x16xi32, #tpu.memory_space<hbm>>
      %dma_start3A_439 = arith.constant 0 : i32
      %dma_start3A_440 = arith.constant 0 : i32
      %dma_start3A_441 = tpu.memref_slice %arg7[%add3A, %dma_start3A_439, %dma_start3A_440] : memref<32x8x16xi32, #tpu.memory_space<hbm>> -> memref<1x8x16xi32, #tpu.memory_space<hbm>>
      %dma_start3A_442 = tpu.memref_squeeze %dma_start3A_441 : memref<1x8x16xi32, #tpu.memory_space<hbm>> -> memref<8x16xi32, #tpu.memory_space<hbm>>
      tpu.enqueue_dma source(%arg13 : memref<8x16xi32, #tpu.memory_space<vmem>>) target(%dma_start3A_442 : memref<8x16xi32, #tpu.memory_space<hbm>>) target_semaphore(%run_scoped3A : memref<!tpu.dma_semaphore, #tpu.memory_space<semaphore_mem>>)
      %dma_wait3A_443 = arith.constant 0 : i32
      %dma_wait3A_444 = arith.constant 0 : i32
      %dma_wait3A_445 = tpu.memref_slice %arg7[%add3A, %dma_wait3A_443, %dma_wait3A_444] : memref<32x8x16xi32, #tpu.memory_space<hbm>> -> memref<1x8x16xi32, #tpu.memory_space<hbm>>
      %dma_wait3A_446 = tpu.memref_squeeze %dma_wait3A_445 : memref<1x8x16xi32, #tpu.memory_space<hbm>> -> memref<8x16xi32, #tpu.memory_space<hbm>>
      %dma_wait3A_447 = arith.constant 0 : i32
      %dma_wait3A_448 = arith.constant 0 : i32
      %dma_wait3A_449 = tpu.memref_slice %arg7[%add3A, %dma_wait3A_447, %dma_wait3A_448] : memref<32x8x16xi32, #tpu.memory_space<hbm>> -> memref<1x8x16xi32, #tpu.memory_space<hbm>>
      %dma_wait3A_450 = tpu.memref_squeeze %dma_wait3A_449 : memref<1x8x16xi32, #tpu.memory_space<hbm>> -> memref<8x16xi32, #tpu.memory_space<hbm>>
      tpu.wait_dma2 semaphore(%run_scoped3A : memref<!tpu.dma_semaphore, #tpu.memory_space<semaphore_mem>>) src(%arg13 : memref<8x16xi32, #tpu.memory_space<vmem>>) dst(%dma_wait3A_450 : memref<8x16xi32, #tpu.memory_space<hbm>>)
      tpu.yield
    }) : () -> ()
    %barrier3A = arith.constant 0 : index
    tpu.barrier barrier_id(%barrier3A)
    %lt3A = arith.constant 8 : i32
    %lt3A_433 = arith.cmpi slt, %arg1, %lt3A : i32
    %convert_element_type3A = arith.extui %lt3A_433 : i1 to i32
    %cond3A = arith.constant 0 : i32
    %cond3A_434 = arith.cmpi ne, %convert_element_type3A, %cond3A : i32
    scf.if %cond3A_434 {
      %mul3A_435 = arith.constant 16 : i32
      %mul3A_436 = arith.muli %arg0, %mul3A_435 : i32
      "tpu.region"() ({
        %run_scoped3A = tpu.sem_alloc : memref<!tpu.dma_semaphore, #tpu.memory_space<semaphore_mem>>
        %dma_start3A_745 = arith.constant 0 : i32
        %dma_start3A_746 = arith.constant 0 : i32
        %dma_start3A_747 = tpu.memref_slice %arg6[%mul3A_436, %dma_start3A_745, %dma_start3A_746] : memref<32x8x16xf32, #tpu.memory_space<hbm>> -> memref<16x8x16xf32, #tpu.memory_space<hbm>>
        %dma_start3A_748 = arith.constant 0 : i32
        %dma_start3A_749 = arith.constant 0 : i32
        %dma_start3A_750 = tpu.memref_slice %arg6[%mul3A_436, %dma_start3A_748, %dma_start3A_749] : memref<32x8x16xf32, #tpu.memory_space<hbm>> -> memref<16x8x16xf32, #tpu.memory_space<hbm>>
        tpu.enqueue_dma source(%dma_start3A_750 : memref<16x8x16xf32, #tpu.memory_space<hbm>>) target(%arg14 : memref<16x8x16xf32, #tpu.memory_space<vmem>>) target_semaphore(%run_scoped3A : memref<!tpu.dma_semaphore, #tpu.memory_space<semaphore_mem>>)
        %dma_wait3A_751 = arith.constant 0 : i32
        %dma_wait3A_752 = arith.constant 0 : i32
        %dma_wait3A_753 = tpu.memref_slice %arg6[%mul3A_436, %dma_wait3A_751, %dma_wait3A_752] : memref<32x8x16xf32, #tpu.memory_space<hbm>> -> memref<16x8x16xf32, #tpu.memory_space<hbm>>
        %dma_wait3A_754 = arith.constant 0 : i32
        %dma_wait3A_755 = arith.constant 0 : i32
        %dma_wait3A_756 = tpu.memref_slice %arg6[%mul3A_436, %dma_wait3A_754, %dma_wait3A_755] : memref<32x8x16xf32, #tpu.memory_space<hbm>> -> memref<16x8x16xf32, #tpu.memory_space<hbm>>
        tpu.wait_dma2 semaphore(%run_scoped3A : memref<!tpu.dma_semaphore, #tpu.memory_space<semaphore_mem>>) src(%dma_wait3A_756 : memref<16x8x16xf32, #tpu.memory_space<hbm>>) dst(%arg14 : memref<16x8x16xf32, #tpu.memory_space<vmem>>)
        tpu.yield
      }) : () -> ()
      %mul3A_437 = arith.constant 16 : i32
      %mul3A_438 = arith.muli %arg0, %mul3A_437 : i32
      "tpu.region"() ({
        %run_scoped3A = tpu.sem_alloc : memref<!tpu.dma_semaphore, #tpu.memory_space<semaphore_mem>>
        %dma_start3A_745 = arith.constant 0 : i32
        %dma_start3A_746 = arith.constant 0 : i32
        %dma_start3A_747 = tpu.memref_slice %arg7[%mul3A_438, %dma_start3A_745, %dma_start3A_746] : memref<32x8x16xi32, #tpu.memory_space<hbm>> -> memref<16x8x16xi32, #tpu.memory_space<hbm>>
        %dma_start3A_748 = arith.constant 0 : i32
        %dma_start3A_749 = arith.constant 0 : i32
        %dma_start3A_750 = tpu.memref_slice %arg7[%mul3A_438, %dma_start3A_748, %dma_start3A_749] : memref<32x8x16xi32, #tpu.memory_space<hbm>> -> memref<16x8x16xi32, #tpu.memory_space<hbm>>
        tpu.enqueue_dma source(%dma_start3A_750 : memref<16x8x16xi32, #tpu.memory_space<hbm>>) target(%arg15 : memref<16x8x16xi32, #tpu.memory_space<vmem>>) target_semaphore(%run_scoped3A : memref<!tpu.dma_semaphore, #tpu.memory_space<semaphore_mem>>)
        %dma_wait3A_751 = arith.constant 0 : i32
        %dma_wait3A_752 = arith.constant 0 : i32
        %dma_wait3A_753 = tpu.memref_slice %arg7[%mul3A_438, %dma_wait3A_751, %dma_wait3A_752] : memref<32x8x16xi32, #tpu.memory_space<hbm>> -> memref<16x8x16xi32, #tpu.memory_space<hbm>>
        %dma_wait3A_754 = arith.constant 0 : i32
        %dma_wait3A_755 = arith.constant 0 : i32
        %dma_wait3A_756 = tpu.memref_slice %arg7[%mul3A_438, %dma_wait3A_754, %dma_wait3A_755] : memref<32x8x16xi32, #tpu.memory_space<hbm>> -> memref<16x8x16xi32, #tpu.memory_space<hbm>>
        tpu.wait_dma2 semaphore(%run_scoped3A : memref<!tpu.dma_semaphore, #tpu.memory_space<semaphore_mem>>) src(%dma_wait3A_756 : memref<16x8x16xi32, #tpu.memory_space<hbm>>) dst(%arg15 : memref<16x8x16xi32, #tpu.memory_space<vmem>>)
        tpu.yield
      }) : () -> ()
      %get3A = arith.constant 0 : i32
      %get3A_439 = arith.index_cast %get3A : i32 to index
      %get3A_440 = arith.index_cast %arg1 : i32 to index
      %get3A_441 = arith.constant 0 : index
      %get3A_442 = tpu.vector_load %arg14[%get3A_439, %get3A_440, %get3A_441] {strides = array<i32>} : memref<16x8x16xf32, #tpu.memory_space<vmem>>, vector<1x1x16xf32>,
      %get3A_443 = vector.shape_cast %get3A_442 : vector<1x1x16xf32> to vector<16xf32>
      %get3A_444 = arith.constant 0 : i32
      %get3A_445 = arith.index_cast %get3A_444 : i32 to index
      %get3A_446 = arith.index_cast %arg1 : i32 to index
      %get3A_447 = arith.constant 0 : index
      %get3A_448 = tpu.vector_load %arg15[%get3A_445, %get3A_446, %get3A_447] {strides = array<i32>} : memref<16x8x16xi32, #tpu.memory_space<vmem>>, vector<1x1x16xi32>,
      %get3A_449 = vector.shape_cast %get3A_448 : vector<1x1x16xi32> to vector<16xi32>
      %get3A_450 = arith.constant 1 : i32
      %get3A_451 = arith.index_cast %get3A_450 : i32 to index
      %get3A_452 = arith.index_cast %arg1 : i32 to index
      %get3A_453 = arith.constant 0 : index
      %get3A_454 = tpu.vector_load %arg14[%get3A_451, %get3A_452, %get3A_453] {strides = array<i32>} : memref<16x8x16xf32, #tpu.memory_space<vmem>>, vector<1x1x16xf32>,
      %get3A_455 = vector.shape_cast %get3A_454 : vector<1x1x16xf32> to vector<16xf32>
      %get3A_456 = arith.constant 1 : i32
      %get3A_457 = arith.index_cast %get3A_456 : i32 to index
      %get3A_458 = arith.index_cast %arg1 : i32 to index
      %get3A_459 = arith.constant 0 : index
      %get3A_460 = tpu.vector_load %arg15[%get3A_457, %get3A_458, %get3A_459] {strides = array<i32>} : memref<16x8x16xi32, #tpu.memory_space<vmem>>, vector<1x1x16xi32>,
      %get3A_461 = vector.shape_cast %get3A_460 : vector<1x1x16xi32> to vector<16xi32>
      %gt3A = arith.cmpf ogt, %get3A_455, %get3A_443 : vector<16xf32>
      %eq3A = arith.cmpf oeq, %get3A_455, %get3A_443 : vector<16xf32>
      %lt3A_462 = arith.cmpi slt, %get3A_461, %get3A_449 : vector<16xi32>
      %and3A = arith.andi %eq3A, %lt3A_462 : vector<16xi1>
      %or3A = arith.ori %gt3A, %and3A : vector<16xi1>
      %select_n3A = arith.select %or3A, %get3A_455, %get3A_443 : vector<16xi1>, vector<16xf32>
      %select_n3A_463 = arith.select %or3A, %get3A_461, %get3A_449 : vector<16xi1>, vector<16xi32>
      %get3A_464 = arith.constant 2 : i32
      %get3A_465 = arith.index_cast %get3A_464 : i32 to index
      %get3A_466 = arith.index_cast %arg1 : i32 to index
      %get3A_467 = arith.constant 0 : index
      %get3A_468 = tpu.vector_load %arg14[%get3A_465, %get3A_466, %get3A_467] {strides = array<i32>} : memref<16x8x16xf32, #tpu.memory_space<vmem>>, vector<1x1x16xf32>,
      %get3A_469 = vector.shape_cast %get3A_468 : vector<1x1x16xf32> to vector<16xf32>
      %get3A_470 = arith.constant 2 : i32
      %get3A_471 = arith.index_cast %get3A_470 : i32 to index
      %get3A_472 = arith.index_cast %arg1 : i32 to index
      %get3A_473 = arith.constant 0 : index
      %get3A_474 = tpu.vector_load %arg15[%get3A_471, %get3A_472, %get3A_473] {strides = array<i32>} : memref<16x8x16xi32, #tpu.memory_space<vmem>>, vector<1x1x16xi32>,
      %get3A_475 = vector.shape_cast %get3A_474 : vector<1x1x16xi32> to vector<16xi32>
      %gt3A_476 = arith.cmpf ogt, %get3A_469, %select_n3A : vector<16xf32>
      %eq3A_477 = arith.cmpf oeq, %get3A_469, %select_n3A : vector<16xf32>
      %lt3A_478 = arith.cmpi slt, %get3A_475, %select_n3A_463 : vector<16xi32>
      %and3A_479 = arith.andi %eq3A_477, %lt3A_478 : vector<16xi1>
      %or3A_480 = arith.ori %gt3A_476, %and3A_479 : vector<16xi1>
      %select_n3A_481 = arith.select %or3A_480, %get3A_469, %select_n3A : vector<16xi1>, vector<16xf32>
      %select_n3A_482 = arith.select %or3A_480, %get3A_475, %select_n3A_463 : vector<16xi1>, vector<16xi32>
      %get3A_483 = arith.constant 3 : i32
      %get3A_484 = arith.index_cast %get3A_483 : i32 to index
      %get3A_485 = arith.index_cast %arg1 : i32 to index
      %get3A_486 = arith.constant 0 : index
      %get3A_487 = tpu.vector_load %arg14[%get3A_484, %get3A_485, %get3A_486] {strides = array<i32>} : memref<16x8x16xf32, #tpu.memory_space<vmem>>, vector<1x1x16xf32>,
      %get3A_488 = vector.shape_cast %get3A_487 : vector<1x1x16xf32> to vector<16xf32>
      %get3A_489 = arith.constant 3 : i32
      %get3A_490 = arith.index_cast %get3A_489 : i32 to index
      %get3A_491 = arith.index_cast %arg1 : i32 to index
      %get3A_492 = arith.constant 0 : index
      %get3A_493 = tpu.vector_load %arg15[%get3A_490, %get3A_491, %get3A_492] {strides = array<i32>} : memref<16x8x16xi32, #tpu.memory_space<vmem>>, vector<1x1x16xi32>,
      %get3A_494 = vector.shape_cast %get3A_493 : vector<1x1x16xi32> to vector<16xi32>
      %gt3A_495 = arith.cmpf ogt, %get3A_488, %select_n3A_481 : vector<16xf32>
      %eq3A_496 = arith.cmpf oeq, %get3A_488, %select_n3A_481 : vector<16xf32>
      %lt3A_497 = arith.cmpi slt, %get3A_494, %select_n3A_482 : vector<16xi32>
      %and3A_498 = arith.andi %eq3A_496, %lt3A_497 : vector<16xi1>
      %or3A_499 = arith.ori %gt3A_495, %and3A_498 : vector<16xi1>
      %select_n3A_500 = arith.select %or3A_499, %get3A_488, %select_n3A_481 : vector<16xi1>, vector<16xf32>
      %select_n3A_501 = arith.select %or3A_499, %get3A_494, %select_n3A_482 : vector<16xi1>, vector<16xi32>
      %get3A_502 = arith.constant 4 : i32
      %get3A_503 = arith.index_cast %get3A_502 : i32 to index
      %get3A_504 = arith.index_cast %arg1 : i32 to index
      %get3A_505 = arith.constant 0 : index
      %get3A_506 = tpu.vector_load %arg14[%get3A_503, %get3A_504, %get3A_505] {strides = array<i32>} : memref<16x8x16xf32, #tpu.memory_space<vmem>>, vector<1x1x16xf32>,
      %get3A_507 = vector.shape_cast %get3A_506 : vector<1x1x16xf32> to vector<16xf32>
      %get3A_508 = arith.constant 4 : i32
      %get3A_509 = arith.index_cast %get3A_508 : i32 to index
      %get3A_510 = arith.index_cast %arg1 : i32 to index
      %get3A_511 = arith.constant 0 : index
      %get3A_512 = tpu.vector_load %arg15[%get3A_509, %get3A_510, %get3A_511] {strides = array<i32>} : memref<16x8x16xi32, #tpu.memory_space<vmem>>, vector<1x1x16xi32>,
      %get3A_513 = vector.shape_cast %get3A_512 : vector<1x1x16xi32> to vector<16xi32>
      %gt3A_514 = arith.cmpf ogt, %get3A_507, %select_n3A_500 : vector<16xf32>
      %eq3A_515 = arith.cmpf oeq, %get3A_507, %select_n3A_500 : vector<16xf32>
      %lt3A_516 = arith.cmpi slt, %get3A_513, %select_n3A_501 : vector<16xi32>
      %and3A_517 = arith.andi %eq3A_515, %lt3A_516 : vector<16xi1>
      %or3A_518 = arith.ori %gt3A_514, %and3A_517 : vector<16xi1>
      %select_n3A_519 = arith.select %or3A_518, %get3A_507, %select_n3A_500 : vector<16xi1>, vector<16xf32>
      %select_n3A_520 = arith.select %or3A_518, %get3A_513, %select_n3A_501 : vector<16xi1>, vector<16xi32>
      %get3A_521 = arith.constant 5 : i32
      %get3A_522 = arith.index_cast %get3A_521 : i32 to index
      %get3A_523 = arith.index_cast %arg1 : i32 to index
      %get3A_524 = arith.constant 0 : index
      %get3A_525 = tpu.vector_load %arg14[%get3A_522, %get3A_523, %get3A_524] {strides = array<i32>} : memref<16x8x16xf32, #tpu.memory_space<vmem>>, vector<1x1x16xf32>,
      %get3A_526 = vector.shape_cast %get3A_525 : vector<1x1x16xf32> to vector<16xf32>
      %get3A_527 = arith.constant 5 : i32
      %get3A_528 = arith.index_cast %get3A_527 : i32 to index
      %get3A_529 = arith.index_cast %arg1 : i32 to index
      %get3A_530 = arith.constant 0 : index
      %get3A_531 = tpu.vector_load %arg15[%get3A_528, %get3A_529, %get3A_530] {strides = array<i32>} : memref<16x8x16xi32, #tpu.memory_space<vmem>>, vector<1x1x16xi32>,
      %get3A_532 = vector.shape_cast %get3A_531 : vector<1x1x16xi32> to vector<16xi32>
      %gt3A_533 = arith.cmpf ogt, %get3A_526, %select_n3A_519 : vector<16xf32>
      %eq3A_534 = arith.cmpf oeq, %get3A_526, %select_n3A_519 : vector<16xf32>
      %lt3A_535 = arith.cmpi slt, %get3A_532, %select_n3A_520 : vector<16xi32>
      %and3A_536 = arith.andi %eq3A_534, %lt3A_535 : vector<16xi1>
      %or3A_537 = arith.ori %gt3A_533, %and3A_536 : vector<16xi1>
      %select_n3A_538 = arith.select %or3A_537, %get3A_526, %select_n3A_519 : vector<16xi1>, vector<16xf32>
      %select_n3A_539 = arith.select %or3A_537, %get3A_532, %select_n3A_520 : vector<16xi1>, vector<16xi32>
      %get3A_540 = arith.constant 6 : i32
      %get3A_541 = arith.index_cast %get3A_540 : i32 to index
      %get3A_542 = arith.index_cast %arg1 : i32 to index
      %get3A_543 = arith.constant 0 : index
      %get3A_544 = tpu.vector_load %arg14[%get3A_541, %get3A_542, %get3A_543] {strides = array<i32>} : memref<16x8x16xf32, #tpu.memory_space<vmem>>, vector<1x1x16xf32>,
      %get3A_545 = vector.shape_cast %get3A_544 : vector<1x1x16xf32> to vector<16xf32>
      %get3A_546 = arith.constant 6 : i32
      %get3A_547 = arith.index_cast %get3A_546 : i32 to index
      %get3A_548 = arith.index_cast %arg1 : i32 to index
      %get3A_549 = arith.constant 0 : index
      %get3A_550 = tpu.vector_load %arg15[%get3A_547, %get3A_548, %get3A_549] {strides = array<i32>} : memref<16x8x16xi32, #tpu.memory_space<vmem>>, vector<1x1x16xi32>,
      %get3A_551 = vector.shape_cast %get3A_550 : vector<1x1x16xi32> to vector<16xi32>
      %gt3A_552 = arith.cmpf ogt, %get3A_545, %select_n3A_538 : vector<16xf32>
      %eq3A_553 = arith.cmpf oeq, %get3A_545, %select_n3A_538 : vector<16xf32>
      %lt3A_554 = arith.cmpi slt, %get3A_551, %select_n3A_539 : vector<16xi32>
      %and3A_555 = arith.andi %eq3A_553, %lt3A_554 : vector<16xi1>
      %or3A_556 = arith.ori %gt3A_552, %and3A_555 : vector<16xi1>
      %select_n3A_557 = arith.select %or3A_556, %get3A_545, %select_n3A_538 : vector<16xi1>, vector<16xf32>
      %select_n3A_558 = arith.select %or3A_556, %get3A_551, %select_n3A_539 : vector<16xi1>, vector<16xi32>
      %get3A_559 = arith.constant 7 : i32
      %get3A_560 = arith.index_cast %get3A_559 : i32 to index
      %get3A_561 = arith.index_cast %arg1 : i32 to index
      %get3A_562 = arith.constant 0 : index
      %get3A_563 = tpu.vector_load %arg14[%get3A_560, %get3A_561, %get3A_562] {strides = array<i32>} : memref<16x8x16xf32, #tpu.memory_space<vmem>>, vector<1x1x16xf32>,
      %get3A_564 = vector.shape_cast %get3A_563 : vector<1x1x16xf32> to vector<16xf32>
      %get3A_565 = arith.constant 7 : i32
      %get3A_566 = arith.index_cast %get3A_565 : i32 to index
      %get3A_567 = arith.index_cast %arg1 : i32 to index
      %get3A_568 = arith.constant 0 : index
      %get3A_569 = tpu.vector_load %arg15[%get3A_566, %get3A_567, %get3A_568] {strides = array<i32>} : memref<16x8x16xi32, #tpu.memory_space<vmem>>, vector<1x1x16xi32>,
      %get3A_570 = vector.shape_cast %get3A_569 : vector<1x1x16xi32> to vector<16xi32>
      %gt3A_571 = arith.cmpf ogt, %get3A_564, %select_n3A_557 : vector<16xf32>
      %eq3A_572 = arith.cmpf oeq, %get3A_564, %select_n3A_557 : vector<16xf32>
      %lt3A_573 = arith.cmpi slt, %get3A_570, %select_n3A_558 : vector<16xi32>
      %and3A_574 = arith.andi %eq3A_572, %lt3A_573 : vector<16xi1>
      %or3A_575 = arith.ori %gt3A_571, %and3A_574 : vector<16xi1>
      %select_n3A_576 = arith.select %or3A_575, %get3A_564, %select_n3A_557 : vector<16xi1>, vector<16xf32>
      %select_n3A_577 = arith.select %or3A_575, %get3A_570, %select_n3A_558 : vector<16xi1>, vector<16xi32>
      %get3A_578 = arith.constant 8 : i32
      %get3A_579 = arith.index_cast %get3A_578 : i32 to index
      %get3A_580 = arith.index_cast %arg1 : i32 to index
      %get3A_581 = arith.constant 0 : index
      %get3A_582 = tpu.vector_load %arg14[%get3A_579, %get3A_580, %get3A_581] {strides = array<i32>} : memref<16x8x16xf32, #tpu.memory_space<vmem>>, vector<1x1x16xf32>,
      %get3A_583 = vector.shape_cast %get3A_582 : vector<1x1x16xf32> to vector<16xf32>
      %get3A_584 = arith.constant 8 : i32
      %get3A_585 = arith.index_cast %get3A_584 : i32 to index
      %get3A_586 = arith.index_cast %arg1 : i32 to index
      %get3A_587 = arith.constant 0 : index
      %get3A_588 = tpu.vector_load %arg15[%get3A_585, %get3A_586, %get3A_587] {strides = array<i32>} : memref<16x8x16xi32, #tpu.memory_space<vmem>>, vector<1x1x16xi32>,
      %get3A_589 = vector.shape_cast %get3A_588 : vector<1x1x16xi32> to vector<16xi32>
      %gt3A_590 = arith.cmpf ogt, %get3A_583, %select_n3A_576 : vector<16xf32>
      %eq3A_591 = arith.cmpf oeq, %get3A_583, %select_n3A_576 : vector<16xf32>
      %lt3A_592 = arith.cmpi slt, %get3A_589, %select_n3A_577 : vector<16xi32>
      %and3A_593 = arith.andi %eq3A_591, %lt3A_592 : vector<16xi1>
      %or3A_594 = arith.ori %gt3A_590, %and3A_593 : vector<16xi1>
      %select_n3A_595 = arith.select %or3A_594, %get3A_583, %select_n3A_576 : vector<16xi1>, vector<16xf32>
      %select_n3A_596 = arith.select %or3A_594, %get3A_589, %select_n3A_577 : vector<16xi1>, vector<16xi32>
      %get3A_597 = arith.constant 9 : i32
      %get3A_598 = arith.index_cast %get3A_597 : i32 to index
      %get3A_599 = arith.index_cast %arg1 : i32 to index
      %get3A_600 = arith.constant 0 : index
      %get3A_601 = tpu.vector_load %arg14[%get3A_598, %get3A_599, %get3A_600] {strides = array<i32>} : memref<16x8x16xf32, #tpu.memory_space<vmem>>, vector<1x1x16xf32>,
      %get3A_602 = vector.shape_cast %get3A_601 : vector<1x1x16xf32> to vector<16xf32>
      %get3A_603 = arith.constant 9 : i32
      %get3A_604 = arith.index_cast %get3A_603 : i32 to index
      %get3A_605 = arith.index_cast %arg1 : i32 to index
      %get3A_606 = arith.constant 0 : index
      %get3A_607 = tpu.vector_load %arg15[%get3A_604, %get3A_605, %get3A_606] {strides = array<i32>} : memref<16x8x16xi32, #tpu.memory_space<vmem>>, vector<1x1x16xi32>,
      %get3A_608 = vector.shape_cast %get3A_607 : vector<1x1x16xi32> to vector<16xi32>
      %gt3A_609 = arith.cmpf ogt, %get3A_602, %select_n3A_595 : vector<16xf32>
      %eq3A_610 = arith.cmpf oeq, %get3A_602, %select_n3A_595 : vector<16xf32>
      %lt3A_611 = arith.cmpi slt, %get3A_608, %select_n3A_596 : vector<16xi32>
      %and3A_612 = arith.andi %eq3A_610, %lt3A_611 : vector<16xi1>
      %or3A_613 = arith.ori %gt3A_609, %and3A_612 : vector<16xi1>
      %select_n3A_614 = arith.select %or3A_613, %get3A_602, %select_n3A_595 : vector<16xi1>, vector<16xf32>
      %select_n3A_615 = arith.select %or3A_613, %get3A_608, %select_n3A_596 : vector<16xi1>, vector<16xi32>
      %get3A_616 = arith.constant 10 : i32
      %get3A_617 = arith.index_cast %get3A_616 : i32 to index
      %get3A_618 = arith.index_cast %arg1 : i32 to index
      %get3A_619 = arith.constant 0 : index
      %get3A_620 = tpu.vector_load %arg14[%get3A_617, %get3A_618, %get3A_619] {strides = array<i32>} : memref<16x8x16xf32, #tpu.memory_space<vmem>>, vector<1x1x16xf32>,
      %get3A_621 = vector.shape_cast %get3A_620 : vector<1x1x16xf32> to vector<16xf32>
      %get3A_622 = arith.constant 10 : i32
      %get3A_623 = arith.index_cast %get3A_622 : i32 to index
      %get3A_624 = arith.index_cast %arg1 : i32 to index
      %get3A_625 = arith.constant 0 : index
      %get3A_626 = tpu.vector_load %arg15[%get3A_623, %get3A_624, %get3A_625] {strides = array<i32>} : memref<16x8x16xi32, #tpu.memory_space<vmem>>, vector<1x1x16xi32>,
      %get3A_627 = vector.shape_cast %get3A_626 : vector<1x1x16xi32> to vector<16xi32>
      %gt3A_628 = arith.cmpf ogt, %get3A_621, %select_n3A_614 : vector<16xf32>
      %eq3A_629 = arith.cmpf oeq, %get3A_621, %select_n3A_614 : vector<16xf32>
      %lt3A_630 = arith.cmpi slt, %get3A_627, %select_n3A_615 : vector<16xi32>
      %and3A_631 = arith.andi %eq3A_629, %lt3A_630 : vector<16xi1>
      %or3A_632 = arith.ori %gt3A_628, %and3A_631 : vector<16xi1>
      %select_n3A_633 = arith.select %or3A_632, %get3A_621, %select_n3A_614 : vector<16xi1>, vector<16xf32>
      %select_n3A_634 = arith.select %or3A_632, %get3A_627, %select_n3A_615 : vector<16xi1>, vector<16xi32>
      %get3A_635 = arith.constant 11 : i32
      %get3A_636 = arith.index_cast %get3A_635 : i32 to index
      %get3A_637 = arith.index_cast %arg1 : i32 to index
      %get3A_638 = arith.constant 0 : index
      %get3A_639 = tpu.vector_load %arg14[%get3A_636, %get3A_637, %get3A_638] {strides = array<i32>} : memref<16x8x16xf32, #tpu.memory_space<vmem>>, vector<1x1x16xf32>,
      %get3A_640 = vector.shape_cast %get3A_639 : vector<1x1x16xf32> to vector<16xf32>
      %get3A_641 = arith.constant 11 : i32
      %get3A_642 = arith.index_cast %get3A_641 : i32 to index
      %get3A_643 = arith.index_cast %arg1 : i32 to index
      %get3A_644 = arith.constant 0 : index
      %get3A_645 = tpu.vector_load %arg15[%get3A_642, %get3A_643, %get3A_644] {strides = array<i32>} : memref<16x8x16xi32, #tpu.memory_space<vmem>>, vector<1x1x16xi32>,
      %get3A_646 = vector.shape_cast %get3A_645 : vector<1x1x16xi32> to vector<16xi32>
      %gt3A_647 = arith.cmpf ogt, %get3A_640, %select_n3A_633 : vector<16xf32>
      %eq3A_648 = arith.cmpf oeq, %get3A_640, %select_n3A_633 : vector<16xf32>
      %lt3A_649 = arith.cmpi slt, %get3A_646, %select_n3A_634 : vector<16xi32>
      %and3A_650 = arith.andi %eq3A_648, %lt3A_649 : vector<16xi1>
      %or3A_651 = arith.ori %gt3A_647, %and3A_650 : vector<16xi1>
      %select_n3A_652 = arith.select %or3A_651, %get3A_640, %select_n3A_633 : vector<16xi1>, vector<16xf32>
      %select_n3A_653 = arith.select %or3A_651, %get3A_646, %select_n3A_634 : vector<16xi1>, vector<16xi32>
      %get3A_654 = arith.constant 12 : i32
      %get3A_655 = arith.index_cast %get3A_654 : i32 to index
      %get3A_656 = arith.index_cast %arg1 : i32 to index
      %get3A_657 = arith.constant 0 : index
      %get3A_658 = tpu.vector_load %arg14[%get3A_655, %get3A_656, %get3A_657] {strides = array<i32>} : memref<16x8x16xf32, #tpu.memory_space<vmem>>, vector<1x1x16xf32>,
      %get3A_659 = vector.shape_cast %get3A_658 : vector<1x1x16xf32> to vector<16xf32>
      %get3A_660 = arith.constant 12 : i32
      %get3A_661 = arith.index_cast %get3A_660 : i32 to index
      %get3A_662 = arith.index_cast %arg1 : i32 to index
      %get3A_663 = arith.constant 0 : index
      %get3A_664 = tpu.vector_load %arg15[%get3A_661, %get3A_662, %get3A_663] {strides = array<i32>} : memref<16x8x16xi32, #tpu.memory_space<vmem>>, vector<1x1x16xi32>,
      %get3A_665 = vector.shape_cast %get3A_664 : vector<1x1x16xi32> to vector<16xi32>
      %gt3A_666 = arith.cmpf ogt, %get3A_659, %select_n3A_652 : vector<16xf32>
      %eq3A_667 = arith.cmpf oeq, %get3A_659, %select_n3A_652 : vector<16xf32>
      %lt3A_668 = arith.cmpi slt, %get3A_665, %select_n3A_653 : vector<16xi32>
      %and3A_669 = arith.andi %eq3A_667, %lt3A_668 : vector<16xi1>
      %or3A_670 = arith.ori %gt3A_666, %and3A_669 : vector<16xi1>
      %select_n3A_671 = arith.select %or3A_670, %get3A_659, %select_n3A_652 : vector<16xi1>, vector<16xf32>
      %select_n3A_672 = arith.select %or3A_670, %get3A_665, %select_n3A_653 : vector<16xi1>, vector<16xi32>
      %get3A_673 = arith.constant 13 : i32
      %get3A_674 = arith.index_cast %get3A_673 : i32 to index
      %get3A_675 = arith.index_cast %arg1 : i32 to index
      %get3A_676 = arith.constant 0 : index
      %get3A_677 = tpu.vector_load %arg14[%get3A_674, %get3A_675, %get3A_676] {strides = array<i32>} : memref<16x8x16xf32, #tpu.memory_space<vmem>>, vector<1x1x16xf32>,
      %get3A_678 = vector.shape_cast %get3A_677 : vector<1x1x16xf32> to vector<16xf32>
      %get3A_679 = arith.constant 13 : i32
      %get3A_680 = arith.index_cast %get3A_679 : i32 to index
      %get3A_681 = arith.index_cast %arg1 : i32 to index
      %get3A_682 = arith.constant 0 : index
      %get3A_683 = tpu.vector_load %arg15[%get3A_680, %get3A_681, %get3A_682] {strides = array<i32>} : memref<16x8x16xi32, #tpu.memory_space<vmem>>, vector<1x1x16xi32>,
      %get3A_684 = vector.shape_cast %get3A_683 : vector<1x1x16xi32> to vector<16xi32>
      %gt3A_685 = arith.cmpf ogt, %get3A_678, %select_n3A_671 : vector<16xf32>
      %eq3A_686 = arith.cmpf oeq, %get3A_678, %select_n3A_671 : vector<16xf32>
      %lt3A_687 = arith.cmpi slt, %get3A_684, %select_n3A_672 : vector<16xi32>
      %and3A_688 = arith.andi %eq3A_686, %lt3A_687 : vector<16xi1>
      %or3A_689 = arith.ori %gt3A_685, %and3A_688 : vector<16xi1>
      %select_n3A_690 = arith.select %or3A_689, %get3A_678, %select_n3A_671 : vector<16xi1>, vector<16xf32>
      %select_n3A_691 = arith.select %or3A_689, %get3A_684, %select_n3A_672 : vector<16xi1>, vector<16xi32>
      %get3A_692 = arith.constant 14 : i32
      %get3A_693 = arith.index_cast %get3A_692 : i32 to index
      %get3A_694 = arith.index_cast %arg1 : i32 to index
      %get3A_695 = arith.constant 0 : index
      %get3A_696 = tpu.vector_load %arg14[%get3A_693, %get3A_694, %get3A_695] {strides = array<i32>} : memref<16x8x16xf32, #tpu.memory_space<vmem>>, vector<1x1x16xf32>,
      %get3A_697 = vector.shape_cast %get3A_696 : vector<1x1x16xf32> to vector<16xf32>
      %get3A_698 = arith.constant 14 : i32
      %get3A_699 = arith.index_cast %get3A_698 : i32 to index
      %get3A_700 = arith.index_cast %arg1 : i32 to index
      %get3A_701 = arith.constant 0 : index
      %get3A_702 = tpu.vector_load %arg15[%get3A_699, %get3A_700, %get3A_701] {strides = array<i32>} : memref<16x8x16xi32, #tpu.memory_space<vmem>>, vector<1x1x16xi32>,
      %get3A_703 = vector.shape_cast %get3A_702 : vector<1x1x16xi32> to vector<16xi32>
      %gt3A_704 = arith.cmpf ogt, %get3A_697, %select_n3A_690 : vector<16xf32>
      %eq3A_705 = arith.cmpf oeq, %get3A_697, %select_n3A_690 : vector<16xf32>
      %lt3A_706 = arith.cmpi slt, %get3A_703, %select_n3A_691 : vector<16xi32>
      %and3A_707 = arith.andi %eq3A_705, %lt3A_706 : vector<16xi1>
      %or3A_708 = arith.ori %gt3A_704, %and3A_707 : vector<16xi1>
      %select_n3A_709 = arith.select %or3A_708, %get3A_697, %select_n3A_690 : vector<16xi1>, vector<16xf32>
      %select_n3A_710 = arith.select %or3A_708, %get3A_703, %select_n3A_691 : vector<16xi1>, vector<16xi32>
      %get3A_711 = arith.constant 15 : i32
      %get3A_712 = arith.index_cast %get3A_711 : i32 to index
      %get3A_713 = arith.index_cast %arg1 : i32 to index
      %get3A_714 = arith.constant 0 : index
      %get3A_715 = tpu.vector_load %arg14[%get3A_712, %get3A_713, %get3A_714] {strides = array<i32>} : memref<16x8x16xf32, #tpu.memory_space<vmem>>, vector<1x1x16xf32>,
      %get3A_716 = vector.shape_cast %get3A_715 : vector<1x1x16xf32> to vector<16xf32>
      %get3A_717 = arith.constant 15 : i32
      %get3A_718 = arith.index_cast %get3A_717 : i32 to index
      %get3A_719 = arith.index_cast %arg1 : i32 to index
      %get3A_720 = arith.constant 0 : index
      %get3A_721 = tpu.vector_load %arg15[%get3A_718, %get3A_719, %get3A_720] {strides = array<i32>} : memref<16x8x16xi32, #tpu.memory_space<vmem>>, vector<1x1x16xi32>,
      %get3A_722 = vector.shape_cast %get3A_721 : vector<1x1x16xi32> to vector<16xi32>
      %gt3A_723 = arith.cmpf ogt, %get3A_716, %select_n3A_709 : vector<16xf32>
      %eq3A_724 = arith.cmpf oeq, %get3A_716, %select_n3A_709 : vector<16xf32>
      %lt3A_725 = arith.cmpi slt, %get3A_722, %select_n3A_710 : vector<16xi32>
      %and3A_726 = arith.andi %eq3A_724, %lt3A_725 : vector<16xi1>
      %or3A_727 = arith.ori %gt3A_723, %and3A_726 : vector<16xi1>
      %select_n3A_728 = arith.select %or3A_727, %get3A_716, %select_n3A_709 : vector<16xi1>, vector<16xf32>
      %select_n3A_729 = arith.select %or3A_727, %get3A_722, %select_n3A_710 : vector<16xi1>, vector<16xi32>
      %swap3A_730 = arith.constant 0 : index
      %swap3A_731 = tpu.vector_load %arg16[%swap3A_730] {strides = array<i32>} : memref<16xi32, #tpu.memory_space<vmem>>, vector<16xi32>,
      %swap3A_732 = vector.shape_cast %swap3A_731 : vector<16xi32> to vector<16xi32>
      %swap3A_733 = vector.shape_cast %select_n3A_729 : vector<16xi32> to vector<16xi32>
      tpu.vector_store %arg16[%swap3A_730], %swap3A_733 {strides = array<i32>} : memref<16xi32, #tpu.memory_space<vmem>>, vector<16xi32>,
      %swap3A_734 = arith.constant 0 : index
      %swap3A_735 = tpu.vector_load %arg18[%swap3A_734] {strides = array<i32>} : memref<16xf32, #tpu.memory_space<vmem>>, vector<16xf32>,
      %swap3A_736 = vector.shape_cast %swap3A_735 : vector<16xf32> to vector<16xf32>
      %swap3A_737 = vector.shape_cast %select_n3A_728 : vector<16xf32> to vector<16xf32>
      tpu.vector_store %arg18[%swap3A_734], %swap3A_737 {strides = array<i32>} : memref<16xf32, #tpu.memory_space<vmem>>, vector<16xf32>,
      %dma_start3A_738 = arith.constant 0 : i32
      %dma_start3A_739 = tpu.memref_slice %arg3[%dma_start3A_738] : memref<100000xi32, #tpu.memory_space<hbm>> -> memref<100000xi32, #tpu.memory_space<hbm>>
      tpu.enqueue_indirect_dma source(%dma_start3A_739 : memref<100000xi32, #tpu.memory_space<hbm>>) target(%arg17 : memref<16xi32, #tpu.memory_space<vmem>>) offsets(%arg16 : memref<16xi32, #tpu.memory_space<vmem>>) semaphore(%arg23 : memref<!tpu.dma_semaphore, #tpu.memory_space<semaphore_mem>>)
      %dma_wait3A_740 = arith.constant 0 : i32
      %dma_wait3A_741 = tpu.memref_slice %arg3[%dma_wait3A_740] : memref<100000xi32, #tpu.memory_space<hbm>> -> memref<100000xi32, #tpu.memory_space<hbm>>
      tpu.wait_indirect_dma semaphore(%arg23 : memref<!tpu.dma_semaphore, #tpu.memory_space<semaphore_mem>>) src(%dma_wait3A_741 : memref<100000xi32, #tpu.memory_space<hbm>>) dst(%arg17 : memref<16xi32, #tpu.memory_space<vmem>>)
      %mul3A_742 = arith.constant 8 : i32
      %mul3A_743 = arith.muli %arg0, %mul3A_742 : i32
      %add3A_744 = arith.addi %mul3A_743, %arg1 : i32
      "tpu.region"() ({
        %run_scoped3A = tpu.sem_alloc : memref<!tpu.dma_semaphore, #tpu.memory_space<semaphore_mem>>
        %dma_start3A_745 = arith.constant 0 : i32
        %dma_start3A_746 = tpu.memref_slice %arg4[%add3A_744, %dma_start3A_745] : memref<16x16xf32, #tpu.memory_space<hbm>> -> memref<1x16xf32, #tpu.memory_space<hbm>>
        %dma_start3A_747 = tpu.memref_squeeze %dma_start3A_746 : memref<1x16xf32, #tpu.memory_space<hbm>> -> memref<16xf32, #tpu.memory_space<hbm>>
        %dma_start3A_748 = arith.constant 0 : i32
        %dma_start3A_749 = tpu.memref_slice %arg4[%add3A_744, %dma_start3A_748] : memref<16x16xf32, #tpu.memory_space<hbm>> -> memref<1x16xf32, #tpu.memory_space<hbm>>
        %dma_start3A_750 = tpu.memref_squeeze %dma_start3A_749 : memref<1x16xf32, #tpu.memory_space<hbm>> -> memref<16xf32, #tpu.memory_space<hbm>>
        tpu.enqueue_dma source(%arg18 : memref<16xf32, #tpu.memory_space<vmem>>) target(%dma_start3A_750 : memref<16xf32, #tpu.memory_space<hbm>>) target_semaphore(%run_scoped3A : memref<!tpu.dma_semaphore, #tpu.memory_space<semaphore_mem>>)
        %dma_wait3A_751 = arith.constant 0 : i32
        %dma_wait3A_752 = tpu.memref_slice %arg4[%add3A_744, %dma_wait3A_751] : memref<16x16xf32, #tpu.memory_space<hbm>> -> memref<1x16xf32, #tpu.memory_space<hbm>>
        %dma_wait3A_753 = tpu.memref_squeeze %dma_wait3A_752 : memref<1x16xf32, #tpu.memory_space<hbm>> -> memref<16xf32, #tpu.memory_space<hbm>>
        %dma_wait3A_754 = arith.constant 0 : i32
        %dma_wait3A_755 = tpu.memref_slice %arg4[%add3A_744, %dma_wait3A_754] : memref<16x16xf32, #tpu.memory_space<hbm>> -> memref<1x16xf32, #tpu.memory_space<hbm>>
        %dma_wait3A_756 = tpu.memref_squeeze %dma_wait3A_755 : memref<1x16xf32, #tpu.memory_space<hbm>> -> memref<16xf32, #tpu.memory_space<hbm>>
        tpu.wait_dma2 semaphore(%run_scoped3A : memref<!tpu.dma_semaphore, #tpu.memory_space<semaphore_mem>>) src(%arg18 : memref<16xf32, #tpu.memory_space<vmem>>) dst(%dma_wait3A_756 : memref<16xf32, #tpu.memory_space<hbm>>)
        tpu.yield
      }) : () -> ()
      "tpu.region"() ({
        %run_scoped3A = tpu.sem_alloc : memref<!tpu.dma_semaphore, #tpu.memory_space<semaphore_mem>>
        %dma_start3A_745 = arith.constant 0 : i32
        %dma_start3A_746 = tpu.memref_slice %arg5[%add3A_744, %dma_start3A_745] : memref<16x16xi32, #tpu.memory_space<hbm>> -> memref<1x16xi32, #tpu.memory_space<hbm>>
        %dma_start3A_747 = tpu.memref_squeeze %dma_start3A_746 : memref<1x16xi32, #tpu.memory_space<hbm>> -> memref<16xi32, #tpu.memory_space<hbm>>
        %dma_start3A_748 = arith.constant 0 : i32
        %dma_start3A_749 = tpu.memref_slice %arg5[%add3A_744, %dma_start3A_748] : memref<16x16xi32, #tpu.memory_space<hbm>> -> memref<1x16xi32, #tpu.memory_space<hbm>>
        %dma_start3A_750 = tpu.memref_squeeze %dma_start3A_749 : memref<1x16xi32, #tpu.memory_space<hbm>> -> memref<16xi32, #tpu.memory_space<hbm>>
        tpu.enqueue_dma source(%arg17 : memref<16xi32, #tpu.memory_space<vmem>>) target(%dma_start3A_750 : memref<16xi32, #tpu.memory_space<hbm>>) target_semaphore(%run_scoped3A : memref<!tpu.dma_semaphore, #tpu.memory_space<semaphore_mem>>)
        %dma_wait3A_751 = arith.constant 0 : i32
        %dma_wait3A_752 = tpu.memref_slice %arg5[%add3A_744, %dma_wait3A_751] : memref<16x16xi32, #tpu.memory_space<hbm>> -> memref<1x16xi32, #tpu.memory_space<hbm>>
        %dma_wait3A_753 = tpu.memref_squeeze %dma_wait3A_752 : memref<1x16xi32, #tpu.memory_space<hbm>> -> memref<16xi32, #tpu.memory_space<hbm>>
        %dma_wait3A_754 = arith.constant 0 : i32
        %dma_wait3A_755 = tpu.memref_slice %arg5[%add3A_744, %dma_wait3A_754] : memref<16x16xi32, #tpu.memory_space<hbm>> -> memref<1x16xi32, #tpu.memory_space<hbm>>
        %dma_wait3A_756 = tpu.memref_squeeze %dma_wait3A_755 : memref<1x16xi32, #tpu.memory_space<hbm>> -> memref<16xi32, #tpu.memory_space<hbm>>
        tpu.wait_dma2 semaphore(%run_scoped3A : memref<!tpu.dma_semaphore, #tpu.memory_space<semaphore_mem>>) src(%arg17 : memref<16xi32, #tpu.memory_space<vmem>>) dst(%dma_wait3A_756 : memref<16xi32, #tpu.memory_space<hbm>>)
        tpu.yield
      }) : () -> ()
    } else {
    }
    return
  }
}

</mosaic_0001>

<sc_bundles>
// kernel: kernel.3.cloned.1.call-start
scs
__scs_entry_jumppad:
0x0: {  	(pc) =	sbr.rel $0x88, $3  }
0x1: {  	(tag) =	ssettag $0x0;
	lr =	simm.s32 $0x1  }
0x2: {  	[smem:$0x3F9F] =	sst lr;
	_ =	strace $0xD0000000  }
0x3: {  	_ = 	snop  }
0x4: {  	_ = 	snop  }
0x5: {  	_ = 	snop  }
0x6: {  	_ = 	snop  }
0x7: {  	_ = 	snop  }
__scs_overlays_trampoline_lowered:
0x8: {  	[smem:$0x3FAE] =	sst s0  }
0x9: {  	[smem:$0x3FAF] =	sst s1  }
0xa: {  	[smem:$0x3FB0] =	sst s2  }
0xb: {  	[smem:$0x3FB1] =	sst s3  }
0xc: {  	[smem:$0x3FB2] =	sst s4  }
0xd: {  	[smem:$0x3FB3] =	sst s5  }
0xe: {  	[smem:$0x3FB4] =	sst s6  }
0xf: {  	[smem:$0x3FB5] =	sst s7  }
0x10: {  	[smem:$0x3FB6] =	sst s8  }
0x11: {  	[smem:$0x3FB7] =	sst s9;
	s0 =	simm.s32 @!p0 $0x0  }
0x12: {  	s1 =	sld [smem:$0x3F9D];
	s0 =	simm.s32 @p0 $0x1  }
0x13: {  	[smem:$0x3FB8] =	sst s0;
	s0 =	simm.s32 @!p1 $0x0  }
0x14: {  	s2 =	sld [smem:$0x3F9C];
	s0 =	simm.s32 @p1 $0x1  }
0x15: {  	[smem:$0x3FB9] =	sst s0;
	s0 =	simm.s32 @!p2 $0x0  }
0x16: {  	s3 =	sld [smem:$0x3FDB];
	s0 =	simm.s32 @p2 $0x1  }
0x17: {  	s4 =	simm.s32 $0x1BF5;
	[smem:$0x3FBB] =	sst s0  }
0x18: {  	s0 =	sld [smem:$0x3F9E];
	_ =	swait.ge [sflag:s4], $0x0  }
0x19: {  	s7 =	sld [smem:$0x3F9F]  }
0x1a: {  	s8 =	sadd.s32 $0xFFFFE003, lr  }
0x1b: {  	s9 =	sadd.s32 $0xFFFFFEF7, lr;
	s5 =	simm.s32 $0xFFFFFFFF;
	p2 =	slt.u32 s8, $0xFFFFF086  }
0x1c: {  	p1 =	slt.u32 s9, $0xF7A;
	s5 =	simm.s32 @!p2 $0x0  }
0x1d: {  	s5 =	simm.s32 @p1 $0x1;
	p0 =	seq.s32 s7, s2  }
0x1e: {  	s7 =	smul.u32 @!p0 $0xF7A, s2;
	p2 =	seq.s32 @!p0 s5, $0x0  }
0x1f: {  	s9 =	smul.u32 $0xF7A, s1;
	s8 =	simm.s32 @!p0 $0x1BF5;
	p2 =	por !p2, p0  }
0x20: {  	[sflag:s8] =	ssyncset.s32 @!p0 $0xFFFFF086;
	s6 =	sadd.s32 @!p0 s3, s7;
	s7 =	simm.s32 @!p0 $0x108  }
0x21: {  	s3 =	sadd.s32 s3, s9;
	s6 =	sadd.s32 @!p0 $0x88, s6;
	s7 =	simm.s32 @p2 $0x1082  }
0x22: {  	[simem:s7], [sflag:s8] =	dma.local @!p0 [hbm:s6], $0xF7A  }
0x23: {  	s9 =	sor.u32 $0xD0000000, s2;
	s6 =	simm.s32 $0x108;
	_ =	swait.ge @!p0 [sflag:s8], $0x0  }
0x24: {  	s3 =	sadd.s32 $0x88, s3;
	s6 =	simm.s32 @!p1 $0x1082;
	[sflag:s4] =	ssyncset.s32 $0xFFFFF086  }
0x25: {  	[simem:s6], [sflag:s4] =	dma.local [hbm:s3], $0xF7A  }
0x26: {  	[smem:$0x3F9F] =	sst s1;
	(tag) =	ssettag s2;
	_ =	strace s9  }
0x27: {  	s1 =	sld [smem:$0x3FAF]  }
0x28: {  	s2 =	sld [smem:$0x3FB0]  }
0x29: {  	s4 =	sld [smem:$0x3FB2]  }
0x2a: {  	p0 =	seq.s32 s5, $0x0;
	s5 =	sld [smem:$0x3FB3]  }
0x2b: {  	s6 =	sld [smem:$0x3FB4]  }
0x2c: {  	s7 =	sld [smem:$0x3FB5]  }
0x2d: {  	s3 =	simm.s32 $0x108;
	s8 =	sld [smem:$0x3FB6]  }
0x2e: {  	s3 =	simm.s32 @!p0 $0x1082;
	s9 =	sld [smem:$0x3FB7]  }
0x2f: {  	lr =	sadd.s32 s0, s3;
	s0 =	sld [smem:$0x3FAE]  }
0x30: {  	s3 =	sld [smem:$0x3FB1]  }
0x31: {  	[smem:$0x3FBA] =	sst s10  }
0x32: {  	s10 =	sld [smem:$0x3FB8];
	_ =	sdelay $0x3  }
0x33: {  	p0 =	seq.s32 s10, $0x1;
	s10 =	sld [smem:$0x3FBA];
	_ =	sdelay $0x3  }
0x34: {  	[smem:$0x3FBA] =	sst s10  }
0x35: {  	s10 =	sld [smem:$0x3FB9];
	_ =	sdelay $0x3  }
0x36: {  	p1 =	seq.s32 s10, $0x1;
	s10 =	sld [smem:$0x3FBA];
	_ =	sdelay $0x3  }
0x37: {  	[smem:$0x3FBA] =	sst s10  }
0x38: {  	s10 =	sld [smem:$0x3FBB]  }
0x39: {  	_ = 	snop;
	(pc) =	sbr.ind lr, $3  }
0x3a: {  	_ = 	snop  }
0x3b: {  	_ = 	snop  }
0x3c: {  	p2 =	seq.s32 s10, $0x1;
	s10 =	sld [smem:$0x3FBA]  }
0x3d: {  	_ =	shalt  }
0x3e: {  	_ =	shalt  }
0x3f: {  	_ =	shalt  }
0x40: {  	_ =	shalt  }
0x41: {  	_ =	shalt  }
0x42: {  	_ =	shalt  }
0x43: {  	_ =	shalt  }
0x44: {  	_ =	shalt  }
0x45: {  	_ =	shalt  }
0x46: {  	_ =	shalt  }
0x47: {  	_ =	shalt  }
0x48: {  	_ =	shalt  }
0x49: {  	_ =	shalt  }
0x4a: {  	_ =	shalt  }
0x4b: {  	_ =	shalt  }
0x4c: {  	_ =	shalt  }
0x4d: {  	_ =	shalt  }
0x4e: {  	_ =	shalt  }
0x4f: {  	_ =	shalt  }
0x50: {  	_ =	shalt  }
0x51: {  	_ =	shalt  }
0x52: {  	_ =	shalt  }
0x53: {  	_ =	shalt  }
0x54: {  	_ =	shalt  }
0x55: {  	_ =	shalt  }
0x56: {  	_ =	shalt  }
0x57: {  	_ =	shalt  }
0x58: {  	_ =	shalt  }
0x59: {  	_ =	shalt  }
0x5a: {  	_ =	shalt  }
0x5b: {  	_ =	shalt  }
0x5c: {  	_ =	shalt  }
0x5d: {  	_ =	shalt  }
0x5e: {  	_ =	shalt  }
0x5f: {  	_ =	shalt  }
0x60: {  	_ =	shalt  }
0x61: {  	_ =	shalt  }
0x62: {  	_ =	shalt  }
0x63: {  	_ =	shalt  }
0x64: {  	_ =	shalt  }
0x65: {  	_ =	shalt  }
0x66: {  	_ =	shalt  }
0x67: {  	_ =	shalt  }
0x68: {  	_ =	shalt  }
0x69: {  	_ =	shalt  }
0x6a: {  	_ =	shalt  }
0x6b: {  	_ =	shalt  }
0x6c: {  	_ =	shalt  }
0x6d: {  	_ =	shalt  }
0x6e: {  	_ =	shalt  }
0x6f: {  	_ =	shalt  }
0x70: {  	_ =	shalt  }
0x71: {  	_ =	shalt  }
0x72: {  	_ =	shalt  }
0x73: {  	_ =	shalt  }
0x74: {  	_ =	shalt  }
0x75: {  	_ =	shalt  }
0x76: {  	_ =	shalt  }
0x77: {  	_ =	shalt  }
0x78: {  	_ =	shalt  }
0x79: {  	_ =	shalt  }
0x7a: {  	_ =	shalt  }
0x7b: {  	_ =	shalt  }
0x7c: {  	_ =	shalt  }
0x7d: {  	_ =	shalt  }
0x7e: {  	_ =	shalt  }
0x7f: {  	_ =	shalt  }
0x80: {  	_ =	shalt  }
0x81: {  	_ =	shalt  }
0x82: {  	_ =	shalt  }
0x83: {  	_ =	shalt  }
0x84: {  	_ =	shalt  }
0x85: {  	_ =	shalt  }
0x86: {  	_ =	shalt  }
0x87: {  	_ =	shalt  }
.Lfunc_end0:
.L_simem_size_0:
called_computation_lowered:
.L_overlay_start_0:
0x88: {  	s2 =	sld [smem:$0x3FD9]  }
0x89: {  	s3 =	sld [smem:$0x3FFE];
	_ =	sdelay $0x1  }
0x8a: {  	s1 =	srdreg.scid  }
0x8b: {  	s0 =	sand.u32 $0x1, s1  }
0x8c: {  	s17 =	sshll.u32 s0, $0xA;
	s2 =	sadd.s32 s3, s2  }
0x8d: {  	s2 =	sadd.s32 s2, s17  }
0x8e: {  	[smem:$0x3FC6] =	sst s2  }
0x8f: {  	_ = 	snop  }
0x90: {  	s2 =	sld [smem:$0x3FC9]  }
0x91: {  	s18 =	sld [smem:$0x3FC8];
	(tm) =	ssettm $0x1  }
0x92: {  	s4 =	sld [smem:$0x3FFB];
	_ =	sdelay $0x3  }
0x93: {  	_ =	strace s4  }
0x94: {  	s4 =	sld [smem:$0x3FFC];
	_ =	sdelay $0x3  }
0x95: {  	_ =	strace s4  }
0x96: {  	s4 =	sld [smem:$0x3FFD];
	_ =	sdelay $0x3  }
0x97: {  	_ =	strace s4  }
0x98: {  	_ =	strace $0x8FFFFFFF  }
0x99: {  	s19 =	sld [smem:$0x3FDB];
	_ =	sdelay $0x1  }
0x9a: {  	s5 =	simm.s32 $_scs_section_size  }
0x9b: {  	s6 =	simm.s32 $_size__tile_overlayer_lowered;
	s7 =	simm.s32 $_tile_overlayer_lowered  }
0x9c: {  	s22 =	simm.s32 $0x1BFF;
	s21 =	sshll.u32 s7, $0x1;
	s4 =	sadd.s32 s5, s19  }
0x9d: {  	s8 =	simm.s32 $0x0;
	s20 =	sshll.u32 s6, $0x1;
	s6 =	sadd.s32 s21, s4  }
0x9e: {  	[timem:s8], [sflag:s22] =	dma.local [hbm:s6], s20  }
0x9f: {  	_ =	swait.ge [sflag:s22], s20  }
0xa0: {  	s5 =	ssub.s32 $0x0, s20;
	[sflag:s22] =	ssyncset.done $0x0  }
0xa1: {  	[sflag:s22] =	ssyncadd.s32 s5;
	_ =	sdelay $0x1  }
0xa2: {  	s23 =	simm.s32 $0x1B8B  }
0xa3: {  	_ =	swait.ge [sflag:s23], $0x1  }
0xa4: {  	[sflag:s23] =	ssyncset.done $0x0  }
0xa5: {  	s25 =	simm.s32 $0x1B8E;
	s24 =	sld [smem:$0x3FFE];
	[sflag:s23] =	ssyncadd.s32 $0xFFFFFFFF  }
0xa6: {  	s26 =	simm.s32 $execute0_lowered;
	[smem:$0x3FD2] =	sst s25  }
0xa7: {  	s6 =	sshll.u32 s26, $0x1;
	_ =	strace $0x80000046;
	[dreg:$0x1] =	wrdreg $0xFFFFFFFF  }
0xa8: {  	s28 =	simm.s32 $_size_execute0_lowered;
	s4 =	sadd.s32 s4, s6;
	[dreg:$0x0] =	wrdreg $0x0  }
0xa9: {  	s6 =	sshll.u32 s28, $0x1;
	[dreg:$0x2] =	wrdreg s4  }
0xaa: {  	[dreg:$0x3] =	wrdreg s6  }
0xab: {  	[dreg:$0x4] =	wrdreg $0xC0  }
0xac: {  	_ =	task [dreg:s8], $0x5FFFF  }
0xad: {  	[dreg:$0x1] =	wrdreg $0xFFFFFFFF  }
0xae: {  	[dreg:$0x0] =	wrdreg $0x60  }
0xaf: {  	[dreg:$0x2] =	wrdreg s2  }
0xb0: {  	[dreg:$0x3] =	wrdreg s18  }
0xb1: {  	[dreg:$0x4] =	wrdreg s24  }
0xb2: {  	[dreg:$0x5] =	wrdreg $0x9  }
0xb3: {  	_ =	task.clear_ibuf [dreg:s8], $0x6FFFF;
	_ =	strace $0x90000046  }
0xb4: {  	s29 =	simm.s32 $0x9;
	_ =	strace $0x80000048  }
0xb5: {  	_ =	swait.ge [sflag:s29], $0x1  }
0xb6: {  	[sflag:s29] =	ssyncadd.s32 $0xFFFFFFFF  }
0xb7: {  	_ =	strace $0x90000048  }
0xb8: {  	_ =	sfence  }
0xb9: {  	s30 =	sld [smem:$0x0];
	_ =	sdelay $0x2  }
0xba: {  	s31 =	sshll.u32 s1, $0xD;
	s1 =	sshrl.u32 s1, $0x2  }
0xbb: {  	s3 =	sand.u32 $0x4000, s31;
	s1 =	sadd.s32 s1, s30  }
0xbc: {  	s0 =	sor.u32 s3, s0;
	s1 =	sshll.u32 s1, $0x11  }
0xbd: {  	s0 =	sor.u32 s1, s0  }
0xbe: {  	s0 =	sadd.s32 $0x8F2B, s0  }
0xbf: {  	[sflag:s0] =	ssyncadd.remote.s32 $0x1  }
0xc0: {  	_ =	sfence.sel $0xFFFF  }
0xc1: {  	[dreg:$0x0] =	wrdreg $0xFFFFFFFF;
	(pc) =	sbr.abs _section_cstart, $3  }
0xc2: {  	[dreg:$0x1] =	wrdreg $0xFFFFFFFF  }
0xc3: {  	_ =	task.clear_ibuf [dreg:s8], $0x2FFFF;
	_ =	strace $0x9FFFFFFF  }
0xc4: {  	(tm) =	ssettm $0x7FFFFFFF  }
0xc5: {  	_ =	shalt  }
tec
execute0_lowered:
.L_overlay_start_1:
0x0: {  	(tag) =	ssettag $0x1  }
0x1: {  	s0 =	rddreg [dreg:$0x0];
	s1 =	srdreg.scid  }
0x2: {  	s2 =	rddreg [dreg:$0x2];
	s10 =	stileid.u32  }
0x3: {  	s3 =	simm.s32 $0x0;
	s1 =	sand.u32 $0x1, s1;
	s11 =	sshll.u32 s10, $0x7  }
0x4: {  	[smem:$0x7FF] =	sst s3;
	s8 =	sadd.s32 $0x800, s2;
	s25 =	sadd.s32 $0x1800, s2  }
0x5: {  	s22 =	smul.u32 $0xC38, s10;
	p0 =	sgt.u32 s10, $0x7;
	s4 =	sshll.u32 s1, $0x4  }
0x6: {  	s5 =	sshll.u32 s1, $0xA;
	_ =	strace $0x80000047;
	s7 =	ssub.s32 $0x2, s1  }
0x7: {  	s20 =	smul.u32 $0xC380, s1;
	s1 =	sshll.u32 s1, $0xB;
	[dreg:$0x4] =	wrdreg s11  }
0x8: {  	s4 =	sor.u32 s10, s4;
	s5 =	sadd.s32 s11, s5;
	s23 =	sadd.s32 s8, s1  }
0x9: {  	s10 =	sor.u32 $0x400, s11;
	s6 =	smul.u32 $0xC38, s4;
	[dreg:$0x13] =	wrdreg s23  }
0xa: {  	s4 =	sshll.u32 s4, $0x7;
	[dreg:$0x1d] =	wrdreg s10;
	s23 =	sor.u32 $0x3400, s11  }
0xb: {  	s5 =	sshrl.u32 s5, $0x3;
	s21 =	sadd.s32 s8, s4;
	[smem:$0x7FB] =	sst s23  }
0xc: {  	s5 =	sadd.s32 s5, s2;
	s4 =	sadd.s32 s25, s4;
	[dreg:$0x11] =	wrdreg s21  }
0xd: {  	s6 =	smin.u32 s6, $0x17A68;
	[dreg:$0x12] =	wrdreg s4;
	s4 =	sadd.s32 $0x2A00, s5  }
0xe: {  	s21 =	sor.u32 $0x2C00, s11;
	s6 =	sshll.u32 s6, $0x4;
	[dreg:$0x17] =	wrdreg s4  }
0xf: {  	[smem:$0x7F9] =	sst s21;
	s12 =	sadd.s32 s0, s6;
	s0 =	sadd.s32 s25, s1  }
0x10: {  	[dreg:$0x14] =	wrdreg s0  }
0x11: {  	s25 =	sadd.s32 s22, s20;
	s20 =	sor.u32 $0x2800, s11;
	[dreg:$0x5] =	wrdreg s12  }
0x12: {  	s22 =	sor.u32 $0x3000, s11;
	[smem:$0x7F8] =	sst s20  }
0x13: {  	s6 =	sadd.s32 $0xB80, s12;
	[smem:$0x7FA] =	sst s22  }
0x14: {  	s9 =	sshrl.u32 s7, $0x1;
	s26 =	sadd.s32 $0x1700, s12;
	[dreg:$0x6] =	wrdreg s6  }
0x15: {  	s2 =	ssub.s32 s7, s9;
	s7 =	sadd.s32 $0x2280, s12;
	[dreg:$0x7] =	wrdreg s26  }
0x16: {  	s9 =	sadd.s32 $0x2E00, s12;
	[dreg:$0x8] =	wrdreg s7  }
0x17: {  	s13 =	sadd.s32 $0x3980, s12;
	[dreg:$0x9] =	wrdreg s9  }
0x18: {  	s14 =	sadd.s32 $0x4500, s12;
	[dreg:$0xa] =	wrdreg s13  }
0x19: {  	s15 =	sadd.s32 $0x5080, s12;
	[dreg:$0xb] =	wrdreg s14  }
0x1a: {  	s16 =	sadd.s32 $0x5C00, s12;
	[dreg:$0xc] =	wrdreg s15  }
0x1b: {  	s17 =	sadd.s32 $0x6780, s12;
	[dreg:$0xd] =	wrdreg s16  }
0x1c: {  	s18 =	sadd.s32 $0x7300, s12;
	[dreg:$0xe] =	wrdreg s17  }
0x1d: {  	s19 =	sadd.s32 $0x7E80, s12;
	[dreg:$0xf] =	wrdreg s18  }
0x1e: {  	s24 =	sadd.s32 $0x8A00, s12;
	[dreg:$0x10] =	wrdreg s19  }
0x1f: {  	s8 =	sadd.s32 $0xAC80, s12;
	[dreg:$0x15] =	wrdreg s24  }
0x20: {  	s26 =	sadd.s32 $0x2800, s5;
	[dreg:$0x1b] =	wrdreg s8  }
0x21: {  	s5 =	smax.u32 s2, $0x1;
	[dreg:$0x16] =	wrdreg s26  }
0x22: {  	s10 =	simm.s32 $0x0;
	s6 =	sadd.s32 $0x9580, s12;
	[dreg:$0x18] =	wrdreg s5  }
0x23: {  	s23 =	simm.s32 $0x11400;
	s7 =	sadd.s32 $0xA100, s12;
	[dreg:$0x19] =	wrdreg s6  }
0x24: {  	s25 =	smin.u32 s25, $0x17A68;
	s9 =	sadd.s32 $0xB800, s12;
	[dreg:$0x1a] =	wrdreg s7  }
0x25: {  	s20 =	simm.s32 $0xB800;
	s12 =	sor.u32 $0x800, s11;
	[dreg:$0x1c] =	wrdreg s9  }
0x26: {  	s22 =	simm.s32 $0x1;
	s13 =	sor.u32 $0xC00, s11;
	[dreg:$0x1e] =	wrdreg s12  }
0x27: {  	s14 =	sor.u32 $0x1000, s11;
	s15 =	sor.u32 $0x1400, s11;
	[dreg:$0x1f] =	wrdreg s13  }
0x28: {  	s16 =	sor.u32 $0x1800, s11;
	s17 =	sor.u32 $0x1C00, s11;
	[smem:$0x7F2] =	sst s14  }
0x29: {  	s18 =	sor.u32 $0x2000, s11;
	s19 =	sor.u32 $0x2400, s11;
	[smem:$0x7F3] =	sst s15  }
0x2a: {  	s24 =	sor.u32 $0x3800, s11;
	s21 =	sadd.s32 $0x508, s25;
	[smem:$0x7F4] =	sst s16  }
0x2b: {  	s28 =	sadd.s32 $0x730, s25;
	s29 =	sadd.s32 $0x7E8, s25;
	[smem:$0x7F5] =	sst s17  }
0x2c: {  	s30 =	sadd.s32 $0x8A0, s25;
	s31 =	sadd.s32 $0x958, s25;
	[smem:$0x7F6] =	sst s18  }
0x2d: {  	s0 =	sadd.s32 $0xA10, s25;
	s1 =	sadd.s32 $0xAC8, s25;
	[smem:$0x7F7] =	sst s19  }
0x2e: {  	s2 =	sadd.s32 $0xB80, s25;
	s8 =	simm.s32 $0x4;
	[smem:$0x7FC] =	sst s24  }
.Ltmp0:
0x2f: {  	s26 =	sor.u32 $0x3C00, s11;
	s13 =	sadd.s32 $0xB8, s25;
	(pc) =	sbr.rel .LBB2_1-.Ltmp0, $4  }
0x30: {  	s14 =	sadd.s32 $0x170, s25;
	s15 =	sadd.s32 $0x228, s25;
	s16 =	sadd.s32 $0x2E0, s25  }
0x31: {  	s17 =	sadd.s32 $0x398, s25;
	s18 =	sadd.s32 $0x450, s25;
	s24 =	sadd.s32 $0x5C0, s25  }
0x32: {  	s19 =	simm.s32 $0x5C00;
	s6 =	simm.s32 $0x2;
	s7 =	simm.s32 $0x3  }
0x33: {  	s9 =	simm.s32 $0x6;
	[smem:$0x7FD] =	sst s26;
	s26 =	sadd.s32 $0x678, s25  }
.LBB2_37:
0x34: {  	s10 =	sadd.s32 $0x1, s10;
	s4 =	rddreg [dreg:$0x18]  }
0x35: {  	p1 =	sne.s32 s10, s4  }
.Ltmp1:
0x36: {  	_ = 	snop;
	(pc) =	sbr.rel @!p1 .LBB2_38-.Ltmp1, $1  }
0x37: {  	_ =	sdelay $0x3  }
.LBB2_1:
0x38: {  	s4 =	rddreg [dreg:$0x5]  }
0x39: {  	[tilespmem:s3], [sflag:$0x1] =	stream.linear.gather [hbm4b:s4+s3], $0x5C00, $0x38;
	[tilespmem:$0x1F980] =	vst v63  }
0x3a: {  	s12 =	rddreg [dreg:$0x6]  }
0x3b: {  	[tilespmem:s19], [sflag:$0x2] =	stream.linear.gather [hbm4b:s12+s3], $0x5C00, $0x38;
	[tilespmem:$0x1F980] =	vst v63  }
0x3c: {  	s5 =	rddreg [dreg:$0x7]  }
0x3d: {  	[tilespmem:s20], [sflag:$0x3] =	stream.linear.gather [hbm4b:s5+s3], $0x5C00, $0x38;
	[tilespmem:$0x1F980] =	vst v63  }
0x3e: {  	_ =	swait.ge [sflag:s22], $0x5C00  }
0x3f: {  	[sflag:s22] =	ssyncset.done $0x0  }
0x40: {  	s12 =	simm.s32 $0x40;
	s11 =	rddreg [dreg:$0x8];
	[sflag:s22] =	ssyncadd.s32 $0xFFFFA400  }
0x41: {  	[tilespmem:s23], [sflag:$0x4] =	stream.linear.gather [hbm4b:s11+s3], $0x5C00, $0x38;
	[tilespmem:$0x1F980] =	vst v63  }
0x42: {  	v6 =	vld [tilespmem:s12+$0x30]  }
0x43: {  	v0 =	vld [tilespmem:s12+$0xFFFFFFC0]  }
0x44: {  	v1 =	vld [tilespmem:s12+$0xFFFFFFD0]  }
0x45: {  	v8 =	vimm.f32 $-Inf;
	v9 =	vimm.s32 $0x0  }
0x46: {  	v12 =	vimm.s32 $0x0;
	v15 =	vimm.f32 $-Inf;
	v11 =	vimm.s32 $0x0;
	v5 =	vld [tilespmem:s12+$0xFFFFFFE0]  }
0x47: {  	v16 =	vimm.f32 $-Inf;
	v14 =	vimm.f32 $-Inf;
	v17 =	vimm.f32 $-Inf;
	v18 =	vld [tilespmem:s12+$0xFFFFFFF0]  }
0x48: {  	v13 =	vimm.s32 $0x0;
	v10 =	vimm.s32 $0x0;
	v19 =	vld [tilespmem:s12+$0x0];
	vm0 =	vgt.f32 v6, v8  }
0x49: {  	s11 =	sadd.s32 $0x0, s25;
	v20 =	vld [tilespmem:s12+$0x10];
	vm1 =	vgt.f32 v0, v8;
	v2 =	vmax.f32 v8, v0;
	v4 =	vmax.f32 v8, v1  }
0x4a: {  	s4 =	simm.s32 $0xC0;
	v21 =	vld [tilespmem:s12+$0x20];
	v3 =	vsel vm0, s11, v9;
	v0 =	vsel vm1, s11, v9;
	vm0 =	vgt.f32 v1, v8  }
0x4b: {  	s5 =	simm.s32 $0x2;
	s12 =	simm.s32 $0x1;
	v7 =	vld [tilespmem:s4+$0x30];
	v1 =	vsel vm0, s11, v9;
	vm0 =	vgt.f32 v5, v8;
	v5 =	vmax.f32 v8, v5  }
.LBB2_2:
0x4c: {  	p1 =	sne.s32 s5, $0xB7;
	v22 =	vld [tilespmem:s4+$0xFFFFFFC0];
	v9 =	vsel vm0, s11, v9;
	vm0 =	vgt.f32 v18, v8;
	v8 =	vmax.f32 v8, v18  }
0x4d: {  	v23 =	vld [tilespmem:s4+$0xFFFFFFD0];
	v12 =	vsel vm0, s11, v12;
	vm0 =	vgt.f32 v19, v15;
	v15 =	vmax.f32 v15, v19  }
0x4e: {  	v24 =	vld [tilespmem:s4+$0xFFFFFFE0];
	v11 =	vsel vm0, s11, v11;
	vm0 =	vgt.f32 v20, v16;
	v16 =	vmax.f32 v16, v20  }
.Ltmp2:
0x4f: {  	v17 =	vmax.f32 v17, v6;
	v18 =	vld [tilespmem:s4+$0xFFFFFFF0];
	vm1 =	vgt.f32 v21, v14;
	v14 =	vmax.f32 v14, v21;
	(pc) =	sbr.rel @p1 .LBB2_2-.Ltmp2, $4  }
0x50: {  	v13 =	vsel vm0, s11, v13;
	v19 =	vld [tilespmem:s4+$0x0];
	vm2 =	vgt.f32 v7, v17;
	v10 =	vsel vm1, s11, v10;
	s11 =	sadd.s32 s12, s25;
	v6 =	vmovc v7;
	s12 =	smov.u32 s5  }
0x51: {  	vm0 =	vgt.f32 v22, v2;
	v2 =	vmax.f32 v2, v22;
	v20 =	vld [tilespmem:s4+$0x10];
	v3 =	vsel vm2, s11, v3  }
0x52: {  	v0 =	vsel vm0, s11, v0;
	vm0 =	vgt.f32 v23, v4;
	v4 =	vmax.f32 v4, v23;
	v21 =	vld [tilespmem:s4+$0x20];
	s4 =	sadd.s32 $0x80, s4  }
0x53: {  	s5 =	sadd.s32 $0x1, s5;
	v7 =	vld [tilespmem:s4+$0x30];
	v1 =	vsel vm0, s11, v1;
	vm0 =	vgt.f32 v24, v5;
	v5 =	vmax.f32 v5, v24  }
0x54: {  	v22 =	vld [tilespmem:s4+$0xFFFFFFC0]  }
0x55: {  	v23 =	vld [tilespmem:s4+$0xFFFFFFD0]  }
0x56: {  	v24 =	vld [tilespmem:s4+$0xFFFFFFE0]  }
0x57: {  	v25 =	vld [tilespmem:s4+$0xFFFFFFF0]  }
0x58: {  	v26 =	vld [tilespmem:s4+$0x0]  }
0x59: {  	v9 =	vsel vm0, s11, v9;
	vm0 =	vgt.f32 v18, v8;
	v18 =	vmax.f32 v8, v18;
	v27 =	vld [tilespmem:s4+$0x10]  }
0x5a: {  	v6 =	vmax.f32 v17, v6;
	vm1 =	vgt.f32 v19, v15;
	v15 =	vmax.f32 v15, v19;
	v19 =	vld [tilespmem:s4+$0x20];
	_ =	swait.ge [sflag:s6], $0x5C00  }
0x5b: {  	s5 =	simm.s32 $0x0;
	v12 =	vsel vm0, s11, v12;
	vm2 =	vgt.f32 v20, v16;
	v16 =	vmax.f32 v16, v20;
	[sflag:s6] =	ssyncset.done $0x0  }
0x5c: {  	s4 =	sadd.s32 s12, s25;
	v11 =	vsel vm1, s11, v11;
	s12 =	rddreg [dreg:$0x9];
	vm0 =	vgt.f32 v21, v14;
	v14 =	vmax.f32 v14, v21;
	[sflag:s6] =	ssyncadd.s32 $0xFFFFA400  }
0x5d: {  	v17 =	vsel vm2, s11, v13;
	vm1 =	vgt.f32 v7, v6;
	[tilespmem:s5], [sflag:$0x1] =	stream.linear.gather [hbm4b:s12+s5], $0x5C00, $0x38;
	vm2 =	vgt.f32 v22, v2;
	[tilespmem:$0x1F980] =	vst v63  }
0x5e: {  	s12 =	simm.s32 $0x5C40;
	v20 =	vmax.f32 v2, v22;
	v2 =	vsel vm0, s11, v10;
	v21 =	vsel vm1, s4, v3  }
0x5f: {  	vm0 =	vgt.f32 v23, v4;
	v4 =	vmax.f32 v4, v23;
	v10 =	vld [tilespmem:s12+$0xFFFFFFC0];
	v22 =	vsel vm2, s4, v0  }
0x60: {  	v62 =	vld [tilespmem:s12+$0xFFFFFFD0];
	v23 =	vsel vm0, s4, v1;
	vm0 =	vgt.f32 v24, v5;
	v24 =	vmax.f32 v5, v24  }
0x61: {  	v0 =	vld [tilespmem:s12+$0x30];
	vm1 =	vgt.f32 v19, v14;
	v13 =	vmax.f32 v14, v19;
	v14 =	vmax.f32 v6, v7  }
0x62: {  	v63 =	vld [tilespmem:s12+$0xFFFFFFE0];
	v8 =	vsel vm0, s4, v9;
	vm0 =	vgt.f32 v25, v18;
	v9 =	vmax.f32 v18, v25  }
0x63: {  	v2 =	vsel vm1, s4, v2;
	v3 =	vsel vm0, s4, v12;
	vm0 =	vgt.f32 v26, v15  }
0x64: {  	v18 =	vld [tilespmem:s12+$0xFFFFFFF0];
	v12 =	vmax.f32 v15, v26;
	v1 =	vsel vm0, s4, v11;
	vm0 =	vgt.f32 v27, v16  }
0x65: {  	v19 =	vld [tilespmem:s12+$0x0];
	v15 =	vmax.f32 v16, v27;
	v5 =	vsel vm0, s4, v17;
	vm1 =	vgt.f32 v10, v20  }
0x66: {  	s11 =	sadd.s32 $0x0, s13;
	v10 =	vmax.f32 v20, v10;
	v20 =	vld [tilespmem:s12+$0x10];
	v7 =	vmax.f32 v4, v62;
	vm0 =	vgt.f32 v0, v14  }
0x67: {  	s4 =	simm.s32 $0x5CC0;
	v17 =	vmax.f32 v24, v63;
	v11 =	vsel vm0, s11, v21;
	vm0 =	vgt.f32 v62, v4;
	v21 =	vld [tilespmem:s12+$0x20]  }
0x68: {  	s5 =	simm.s32 $0x2;
	v6 =	vsel vm1, s11, v22;
	s12 =	simm.s32 $0x1;
	v4 =	vld [tilespmem:s4+$0x30];
	v16 =	vsel vm0, s11, v23;
	vm0 =	vgt.f32 v63, v24  }
.LBB2_4:
0x69: {  	p1 =	sne.s32 s5, $0xB7;
	v22 =	vld [tilespmem:s4+$0xFFFFFFC0];
	v8 =	vsel vm0, s11, v8;
	vm0 =	vgt.f32 v18, v9;
	v9 =	vmax.f32 v9, v18  }
0x6a: {  	v23 =	vld [tilespmem:s4+$0xFFFFFFD0];
	v3 =	vsel vm0, s11, v3;
	vm0 =	vgt.f32 v19, v12;
	v12 =	vmax.f32 v12, v19  }
0x6b: {  	v24 =	vld [tilespmem:s4+$0xFFFFFFE0];
	v1 =	vsel vm0, s11, v1;
	vm0 =	vgt.f32 v20, v15;
	v15 =	vmax.f32 v15, v20  }
.Ltmp3:
0x6c: {  	v14 =	vmax.f32 v14, v0;
	v18 =	vld [tilespmem:s4+$0xFFFFFFF0];
	vm1 =	vgt.f32 v21, v13;
	v13 =	vmax.f32 v13, v21;
	(pc) =	sbr.rel @p1 .LBB2_4-.Ltmp3, $4  }
0x6d: {  	v5 =	vsel vm0, s11, v5;
	v19 =	vld [tilespmem:s4+$0x0];
	vm2 =	vgt.f32 v4, v14;
	v2 =	vsel vm1, s11, v2;
	s11 =	sadd.s32 s12, s13;
	v0 =	vmovc v4;
	s12 =	smov.u32 s5  }
0x6e: {  	vm0 =	vgt.f32 v22, v10;
	v10 =	vmax.f32 v10, v22;
	v20 =	vld [tilespmem:s4+$0x10];
	v11 =	vsel vm2, s11, v11  }
0x6f: {  	v6 =	vsel vm0, s11, v6;
	vm0 =	vgt.f32 v23, v7;
	v7 =	vmax.f32 v7, v23;
	v21 =	vld [tilespmem:s4+$0x20];
	s4 =	sadd.s32 $0x80, s4  }
0x70: {  	s5 =	sadd.s32 $0x1, s5;
	v4 =	vld [tilespmem:s4+$0x30];
	v16 =	vsel vm0, s11, v16;
	vm0 =	vgt.f32 v24, v17;
	v17 =	vmax.f32 v17, v24  }
0x71: {  	v22 =	vld [tilespmem:s4+$0xFFFFFFC0]  }
0x72: {  	v23 =	vld [tilespmem:s4+$0xFFFFFFD0]  }
0x73: {  	v24 =	vld [tilespmem:s4+$0xFFFFFFE0]  }
0x74: {  	v25 =	vld [tilespmem:s4+$0xFFFFFFF0]  }
0x75: {  	v26 =	vld [tilespmem:s4+$0x0];
	v8 =	vsel vm0, s11, v8;
	vm0 =	vgt.f32 v18, v9;
	v9 =	vmax.f32 v9, v18  }
0x76: {  	v18 =	vld [tilespmem:s4+$0x10];
	v14 =	vmax.f32 v14, v0;
	vm1 =	vgt.f32 v19, v12;
	v12 =	vmax.f32 v12, v19  }
0x77: {  	v19 =	vld [tilespmem:s4+$0x20];
	v3 =	vsel vm0, s11, v3;
	_ =	swait.ge [sflag:s7], $0x5C00;
	vm2 =	vgt.f32 v20, v15;
	v15 =	vmax.f32 v15, v20  }
0x78: {  	s5 =	simm.s32 $0x0;
	v1 =	vsel vm1, s11, v1;
	[sflag:s7] =	ssyncset.done $0x0;
	vm0 =	vgt.f32 v21, v13;
	v13 =	vmax.f32 v13, v21  }
0x79: {  	s4 =	sadd.s32 s12, s13;
	s12 =	rddreg [dreg:$0xa];
	v5 =	vsel vm2, s11, v5;
	[sflag:s7] =	ssyncadd.s32 $0xFFFFA400;
	vm1 =	vgt.f32 v4, v14;
	v2 =	vsel vm0, s11, v2  }
0x7a: {  	[tilespmem:s19], [sflag:$0x2] =	stream.linear.gather [hbm4b:s12+s5], $0x5C00, $0x38;
	v14 =	vmax.f32 v14, v4;
	vm2 =	vgt.f32 v22, v10;
	v10 =	vmax.f32 v10, v22;
	[tilespmem:$0x1F980] =	vst v63  }
0x7b: {  	s12 =	simm.s32 $0xB840;
	v11 =	vsel vm1, s4, v11;
	vm0 =	vgt.f32 v23, v7;
	v7 =	vmax.f32 v7, v23  }
0x7c: {  	v0 =	vld [tilespmem:s12+$0x30];
	v6 =	vsel vm2, s4, v6;
	v16 =	vsel vm0, s4, v16;
	vm0 =	vgt.f32 v24, v17  }
0x7d: {  	v20 =	vld [tilespmem:s12+$0xFFFFFFC0];
	v17 =	vmax.f32 v17, v24;
	vm1 =	vgt.f32 v19, v13;
	v13 =	vmax.f32 v13, v19  }
0x7e: {  	v21 =	vld [tilespmem:s12+$0xFFFFFFD0];
	v8 =	vsel vm0, s4, v8;
	vm0 =	vgt.f32 v25, v9;
	v9 =	vmax.f32 v9, v25  }
0x7f: {  	v22 =	vld [tilespmem:s12+$0xFFFFFFE0];
	v2 =	vsel vm1, s4, v2;
	v3 =	vsel vm0, s4, v3;
	vm0 =	vgt.f32 v26, v12  }
0x80: {  	v1 =	vsel vm0, s4, v1;
	vm0 =	vgt.f32 v18, v15;
	v15 =	vmax.f32 v15, v18;
	v18 =	vld [tilespmem:s12+$0xFFFFFFF0]  }
0x81: {  	s11 =	sadd.s32 $0x0, s14;
	v19 =	vld [tilespmem:s12+$0x0];
	v12 =	vmax.f32 v12, v26;
	v5 =	vsel vm0, s4, v5;
	vm0 =	vgt.f32 v0, v14  }
0x82: {  	vm1 =	vgt.f32 v20, v10;
	v10 =	vmax.f32 v10, v20;
	v20 =	vld [tilespmem:s12+$0x10];
	v11 =	vsel vm0, s11, v11  }
0x83: {  	s4 =	simm.s32 $0xB8C0;
	v6 =	vsel vm1, s11, v6;
	vm0 =	vgt.f32 v21, v7;
	v7 =	vmax.f32 v7, v21;
	v21 =	vld [tilespmem:s12+$0x20]  }
0x84: {  	s5 =	simm.s32 $0x2;
	s12 =	simm.s32 $0x1;
	v4 =	vld [tilespmem:s4+$0x30];
	v16 =	vsel vm0, s11, v16;
	vm0 =	vgt.f32 v22, v17;
	v17 =	vmax.f32 v17, v22  }
.LBB2_6:
0x85: {  	p1 =	sne.s32 s5, $0xB7;
	v22 =	vld [tilespmem:s4+$0xFFFFFFC0];
	v8 =	vsel vm0, s11, v8;
	vm0 =	vgt.f32 v18, v9;
	v9 =	vmax.f32 v9, v18  }
0x86: {  	v23 =	vld [tilespmem:s4+$0xFFFFFFD0];
	v3 =	vsel vm0, s11, v3;
	vm0 =	vgt.f32 v19, v12;
	v12 =	vmax.f32 v12, v19  }
0x87: {  	v24 =	vld [tilespmem:s4+$0xFFFFFFE0];
	v1 =	vsel vm0, s11, v1;
	vm0 =	vgt.f32 v20, v15;
	v15 =	vmax.f32 v15, v20  }
.Ltmp4:
0x88: {  	v14 =	vmax.f32 v14, v0;
	v18 =	vld [tilespmem:s4+$0xFFFFFFF0];
	vm1 =	vgt.f32 v21, v13;
	v13 =	vmax.f32 v13, v21;
	(pc) =	sbr.rel @p1 .LBB2_6-.Ltmp4, $4  }
0x89: {  	v5 =	vsel vm0, s11, v5;
	v19 =	vld [tilespmem:s4+$0x0];
	vm2 =	vgt.f32 v4, v14;
	v2 =	vsel vm1, s11, v2;
	s11 =	sadd.s32 s12, s14;
	v0 =	vmovc v4;
	s12 =	smov.u32 s5  }
0x8a: {  	vm0 =	vgt.f32 v22, v10;
	v10 =	vmax.f32 v10, v22;
	v20 =	vld [tilespmem:s4+$0x10];
	v11 =	vsel vm2, s11, v11  }
0x8b: {  	v6 =	vsel vm0, s11, v6;
	vm0 =	vgt.f32 v23, v7;
	v7 =	vmax.f32 v7, v23;
	v21 =	vld [tilespmem:s4+$0x20];
	s4 =	sadd.s32 $0x80, s4  }
0x8c: {  	s5 =	sadd.s32 $0x1, s5;
	v4 =	vld [tilespmem:s4+$0x30];
	v16 =	vsel vm0, s11, v16;
	vm0 =	vgt.f32 v24, v17;
	v17 =	vmax.f32 v17, v24  }
0x8d: {  	v22 =	vld [tilespmem:s4+$0xFFFFFFC0]  }
0x8e: {  	v23 =	vld [tilespmem:s4+$0xFFFFFFD0]  }
0x8f: {  	v24 =	vld [tilespmem:s4+$0xFFFFFFE0]  }
0x90: {  	v25 =	vld [tilespmem:s4+$0xFFFFFFF0]  }
0x91: {  	v26 =	vld [tilespmem:s4+$0x0];
	v8 =	vsel vm0, s11, v8;
	vm0 =	vgt.f32 v18, v9;
	v9 =	vmax.f32 v9, v18  }
0x92: {  	v18 =	vld [tilespmem:s4+$0x10];
	v14 =	vmax.f32 v14, v0;
	vm1 =	vgt.f32 v19, v12;
	v12 =	vmax.f32 v12, v19  }
0x93: {  	v19 =	vld [tilespmem:s4+$0x20];
	v3 =	vsel vm0, s11, v3;
	_ =	swait.ge [sflag:s8], $0x5C00;
	vm2 =	vgt.f32 v20, v15;
	v15 =	vmax.f32 v15, v20  }
0x94: {  	s5 =	simm.s32 $0x0;
	v1 =	vsel vm1, s11, v1;
	[sflag:s8] =	ssyncset.done $0x0;
	vm0 =	vgt.f32 v21, v13;
	v13 =	vmax.f32 v13, v21  }
0x95: {  	s4 =	sadd.s32 s12, s14;
	s12 =	rddreg [dreg:$0xb];
	v5 =	vsel vm2, s11, v5;
	[sflag:s8] =	ssyncadd.s32 $0xFFFFA400;
	vm1 =	vgt.f32 v4, v14;
	v2 =	vsel vm0, s11, v2  }
0x96: {  	[tilespmem:s20], [sflag:$0x3] =	stream.linear.gather [hbm4b:s12+s5], $0x5C00, $0x38;
	v14 =	vmax.f32 v14, v4;
	vm2 =	vgt.f32 v22, v10;
	v10 =	vmax.f32 v10, v22;
	[tilespmem:$0x1F980] =	vst v63  }
0x97: {  	s12 =	simm.s32 $0x11440;
	v11 =	vsel vm1, s4, v11;
	vm0 =	vgt.f32 v23, v7;
	v7 =	vmax.f32 v7, v23  }
0x98: {  	v0 =	vld [tilespmem:s12+$0x30];
	v6 =	vsel vm2, s4, v6;
	v16 =	vsel vm0, s4, v16;
	vm0 =	vgt.f32 v24, v17  }
0x99: {  	v20 =	vld [tilespmem:s12+$0xFFFFFFC0];
	v17 =	vmax.f32 v17, v24;
	vm1 =	vgt.f32 v19, v13;
	v13 =	vmax.f32 v13, v19  }
0x9a: {  	v21 =	vld [tilespmem:s12+$0xFFFFFFD0];
	v8 =	vsel vm0, s4, v8;
	vm0 =	vgt.f32 v25, v9;
	v9 =	vmax.f32 v9, v25  }
0x9b: {  	v22 =	vld [tilespmem:s12+$0xFFFFFFE0];
	v2 =	vsel vm1, s4, v2;
	v3 =	vsel vm0, s4, v3;
	vm0 =	vgt.f32 v26, v12  }
0x9c: {  	v1 =	vsel vm0, s4, v1;
	vm0 =	vgt.f32 v18, v15;
	v15 =	vmax.f32 v15, v18;
	v18 =	vld [tilespmem:s12+$0xFFFFFFF0]  }
0x9d: {  	s11 =	sadd.s32 $0x0, s15;
	v19 =	vld [tilespmem:s12+$0x0];
	v12 =	vmax.f32 v12, v26;
	v5 =	vsel vm0, s4, v5;
	vm0 =	vgt.f32 v0, v14  }
0x9e: {  	vm1 =	vgt.f32 v20, v10;
	v10 =	vmax.f32 v10, v20;
	v20 =	vld [tilespmem:s12+$0x10];
	v11 =	vsel vm0, s11, v11  }
0x9f: {  	s4 =	simm.s32 $0x114C0;
	v6 =	vsel vm1, s11, v6;
	vm0 =	vgt.f32 v21, v7;
	v7 =	vmax.f32 v7, v21;
	v21 =	vld [tilespmem:s12+$0x20]  }
0xa0: {  	s5 =	simm.s32 $0x2;
	s12 =	simm.s32 $0x1;
	v4 =	vld [tilespmem:s4+$0x30];
	v16 =	vsel vm0, s11, v16;
	vm0 =	vgt.f32 v22, v17;
	v17 =	vmax.f32 v17, v22  }
.LBB2_8:
0xa1: {  	p1 =	sne.s32 s5, $0xB7;
	v22 =	vld [tilespmem:s4+$0xFFFFFFC0];
	v8 =	vsel vm0, s11, v8;
	vm0 =	vgt.f32 v18, v9;
	v9 =	vmax.f32 v9, v18  }
0xa2: {  	v23 =	vld [tilespmem:s4+$0xFFFFFFD0];
	v3 =	vsel vm0, s11, v3;
	vm0 =	vgt.f32 v19, v12;
	v12 =	vmax.f32 v12, v19  }
0xa3: {  	v24 =	vld [tilespmem:s4+$0xFFFFFFE0];
	v1 =	vsel vm0, s11, v1;
	vm0 =	vgt.f32 v20, v15;
	v15 =	vmax.f32 v15, v20  }
.Ltmp5:
0xa4: {  	v14 =	vmax.f32 v14, v0;
	v18 =	vld [tilespmem:s4+$0xFFFFFFF0];
	vm1 =	vgt.f32 v21, v13;
	v13 =	vmax.f32 v13, v21;
	(pc) =	sbr.rel @p1 .LBB2_8-.Ltmp5, $4  }
0xa5: {  	v5 =	vsel vm0, s11, v5;
	v19 =	vld [tilespmem:s4+$0x0];
	vm2 =	vgt.f32 v4, v14;
	v2 =	vsel vm1, s11, v2;
	s11 =	sadd.s32 s12, s15;
	v0 =	vmovc v4;
	s12 =	smov.u32 s5  }
0xa6: {  	vm0 =	vgt.f32 v22, v10;
	v10 =	vmax.f32 v10, v22;
	v20 =	vld [tilespmem:s4+$0x10];
	v11 =	vsel vm2, s11, v11  }
0xa7: {  	v6 =	vsel vm0, s11, v6;
	vm0 =	vgt.f32 v23, v7;
	v7 =	vmax.f32 v7, v23;
	v21 =	vld [tilespmem:s4+$0x20];
	s4 =	sadd.s32 $0x80, s4  }
0xa8: {  	s5 =	sadd.s32 $0x1, s5;
	v4 =	vld [tilespmem:s4+$0x30];
	v16 =	vsel vm0, s11, v16;
	vm0 =	vgt.f32 v24, v17;
	v17 =	vmax.f32 v17, v24  }
0xa9: {  	v22 =	vld [tilespmem:s4+$0xFFFFFFC0]  }
0xaa: {  	v23 =	vld [tilespmem:s4+$0xFFFFFFD0]  }
0xab: {  	v24 =	vld [tilespmem:s4+$0xFFFFFFE0]  }
0xac: {  	v25 =	vld [tilespmem:s4+$0xFFFFFFF0]  }
0xad: {  	v26 =	vld [tilespmem:s4+$0x0];
	v8 =	vsel vm0, s11, v8;
	vm0 =	vgt.f32 v18, v9;
	v9 =	vmax.f32 v9, v18  }
0xae: {  	v18 =	vld [tilespmem:s4+$0x10];
	v14 =	vmax.f32 v14, v0;
	vm1 =	vgt.f32 v19, v12;
	v12 =	vmax.f32 v12, v19  }
0xaf: {  	v19 =	vld [tilespmem:s4+$0x20];
	v3 =	vsel vm0, s11, v3;
	_ =	swait.ge [sflag:s22], $0x5C00;
	vm2 =	vgt.f32 v20, v15;
	v15 =	vmax.f32 v15, v20  }
0xb0: {  	s5 =	simm.s32 $0x0;
	v1 =	vsel vm1, s11, v1;
	[sflag:s22] =	ssyncset.done $0x0;
	vm0 =	vgt.f32 v21, v13;
	v13 =	vmax.f32 v13, v21  }
0xb1: {  	s4 =	sadd.s32 s12, s15;
	s12 =	rddreg [dreg:$0xc];
	v5 =	vsel vm2, s11, v5;
	[sflag:s22] =	ssyncadd.s32 $0xFFFFA400;
	vm1 =	vgt.f32 v4, v14;
	v2 =	vsel vm0, s11, v2  }
0xb2: {  	[tilespmem:s23], [sflag:$0x4] =	stream.linear.gather [hbm4b:s12+s5], $0x5C00, $0x38;
	v14 =	vmax.f32 v14, v4;
	vm2 =	vgt.f32 v22, v10;
	v10 =	vmax.f32 v10, v22;
	[tilespmem:$0x1F980] =	vst v63  }
0xb3: {  	s12 =	simm.s32 $0x40;
	v11 =	vsel vm1, s4, v11;
	vm0 =	vgt.f32 v23, v7;
	v7 =	vmax.f32 v7, v23  }
0xb4: {  	v0 =	vld [tilespmem:s12+$0x30];
	v6 =	vsel vm2, s4, v6;
	v16 =	vsel vm0, s4, v16;
	vm0 =	vgt.f32 v24, v17  }
0xb5: {  	v20 =	vld [tilespmem:s12+$0xFFFFFFC0];
	v17 =	vmax.f32 v17, v24;
	vm1 =	vgt.f32 v19, v13;
	v13 =	vmax.f32 v13, v19  }
0xb6: {  	v21 =	vld [tilespmem:s12+$0xFFFFFFD0];
	v8 =	vsel vm0, s4, v8;
	vm0 =	vgt.f32 v25, v9;
	v9 =	vmax.f32 v9, v25  }
0xb7: {  	v22 =	vld [tilespmem:s12+$0xFFFFFFE0];
	v2 =	vsel vm1, s4, v2;
	v3 =	vsel vm0, s4, v3;
	vm0 =	vgt.f32 v26, v12  }
0xb8: {  	v1 =	vsel vm0, s4, v1;
	vm0 =	vgt.f32 v18, v15;
	v15 =	vmax.f32 v15, v18;
	v18 =	vld [tilespmem:s12+$0xFFFFFFF0]  }
0xb9: {  	s11 =	sadd.s32 $0x0, s16;
	v19 =	vld [tilespmem:s12+$0x0];
	v12 =	vmax.f32 v12, v26;
	v5 =	vsel vm0, s4, v5;
	vm0 =	vgt.f32 v0, v14  }
0xba: {  	vm1 =	vgt.f32 v20, v10;
	v10 =	vmax.f32 v10, v20;
	v20 =	vld [tilespmem:s12+$0x10];
	v11 =	vsel vm0, s11, v11  }
0xbb: {  	s4 =	simm.s32 $0xC0;
	v6 =	vsel vm1, s11, v6;
	vm0 =	vgt.f32 v21, v7;
	v7 =	vmax.f32 v7, v21;
	v21 =	vld [tilespmem:s12+$0x20]  }
0xbc: {  	s5 =	simm.s32 $0x2;
	s12 =	simm.s32 $0x1;
	v4 =	vld [tilespmem:s4+$0x30];
	v16 =	vsel vm0, s11, v16;
	vm0 =	vgt.f32 v22, v17;
	v17 =	vmax.f32 v17, v22  }
.LBB2_10:
0xbd: {  	p1 =	sne.s32 s5, $0xB7;
	v22 =	vld [tilespmem:s4+$0xFFFFFFC0];
	v8 =	vsel vm0, s11, v8;
	vm0 =	vgt.f32 v18, v9;
	v9 =	vmax.f32 v9, v18  }
0xbe: {  	v23 =	vld [tilespmem:s4+$0xFFFFFFD0];
	v3 =	vsel vm0, s11, v3;
	vm0 =	vgt.f32 v19, v12;
	v12 =	vmax.f32 v12, v19  }
0xbf: {  	v24 =	vld [tilespmem:s4+$0xFFFFFFE0];
	v1 =	vsel vm0, s11, v1;
	vm0 =	vgt.f32 v20, v15;
	v15 =	vmax.f32 v15, v20  }
.Ltmp6:
0xc0: {  	v14 =	vmax.f32 v14, v0;
	v18 =	vld [tilespmem:s4+$0xFFFFFFF0];
	vm1 =	vgt.f32 v21, v13;
	v13 =	vmax.f32 v13, v21;
	(pc) =	sbr.rel @p1 .LBB2_10-.Ltmp6, $4  }
0xc1: {  	v5 =	vsel vm0, s11, v5;
	v19 =	vld [tilespmem:s4+$0x0];
	vm2 =	vgt.f32 v4, v14;
	v2 =	vsel vm1, s11, v2;
	s11 =	sadd.s32 s12, s16;
	v0 =	vmovc v4;
	s12 =	smov.u32 s5  }
0xc2: {  	vm0 =	vgt.f32 v22, v10;
	v10 =	vmax.f32 v10, v22;
	v20 =	vld [tilespmem:s4+$0x10];
	v11 =	vsel vm2, s11, v11  }
0xc3: {  	v6 =	vsel vm0, s11, v6;
	vm0 =	vgt.f32 v23, v7;
	v7 =	vmax.f32 v7, v23;
	v21 =	vld [tilespmem:s4+$0x20];
	s4 =	sadd.s32 $0x80, s4  }
0xc4: {  	s5 =	sadd.s32 $0x1, s5;
	v4 =	vld [tilespmem:s4+$0x30];
	v16 =	vsel vm0, s11, v16;
	vm0 =	vgt.f32 v24, v17;
	v17 =	vmax.f32 v17, v24  }
0xc5: {  	v22 =	vld [tilespmem:s4+$0xFFFFFFC0]  }
0xc6: {  	v23 =	vld [tilespmem:s4+$0xFFFFFFD0]  }
0xc7: {  	v24 =	vld [tilespmem:s4+$0xFFFFFFE0]  }
0xc8: {  	v25 =	vld [tilespmem:s4+$0xFFFFFFF0]  }
0xc9: {  	v26 =	vld [tilespmem:s4+$0x0];
	v8 =	vsel vm0, s11, v8;
	vm0 =	vgt.f32 v18, v9;
	v9 =	vmax.f32 v9, v18  }
0xca: {  	v18 =	vld [tilespmem:s4+$0x10];
	v14 =	vmax.f32 v14, v0;
	vm1 =	vgt.f32 v19, v12;
	v12 =	vmax.f32 v12, v19  }
0xcb: {  	v19 =	vld [tilespmem:s4+$0x20];
	v3 =	vsel vm0, s11, v3;
	_ =	swait.ge [sflag:s6], $0x5C00;
	vm2 =	vgt.f32 v20, v15;
	v15 =	vmax.f32 v15, v20  }
0xcc: {  	s5 =	simm.s32 $0x0;
	v1 =	vsel vm1, s11, v1;
	[sflag:s6] =	ssyncset.done $0x0;
	vm0 =	vgt.f32 v21, v13;
	v13 =	vmax.f32 v13, v21  }
0xcd: {  	s4 =	sadd.s32 s12, s16;
	s12 =	rddreg [dreg:$0xd];
	v5 =	vsel vm2, s11, v5;
	[sflag:s6] =	ssyncadd.s32 $0xFFFFA400;
	vm1 =	vgt.f32 v4, v14;
	v2 =	vsel vm0, s11, v2  }
0xce: {  	[tilespmem:s5], [sflag:$0x1] =	stream.linear.gather [hbm4b:s12+s5], $0x5C00, $0x38;
	v14 =	vmax.f32 v14, v4;
	vm2 =	vgt.f32 v22, v10;
	v10 =	vmax.f32 v10, v22;
	[tilespmem:$0x1F980] =	vst v63  }
0xcf: {  	s12 =	simm.s32 $0x5C40;
	v11 =	vsel vm1, s4, v11;
	vm0 =	vgt.f32 v23, v7;
	v7 =	vmax.f32 v7, v23  }
0xd0: {  	v0 =	vld [tilespmem:s12+$0x30];
	v6 =	vsel vm2, s4, v6;
	v16 =	vsel vm0, s4, v16;
	vm0 =	vgt.f32 v24, v17  }
0xd1: {  	v20 =	vld [tilespmem:s12+$0xFFFFFFC0];
	v17 =	vmax.f32 v17, v24;
	vm1 =	vgt.f32 v19, v13;
	v13 =	vmax.f32 v13, v19  }
0xd2: {  	v21 =	vld [tilespmem:s12+$0xFFFFFFD0];
	v8 =	vsel vm0, s4, v8;
	vm0 =	vgt.f32 v25, v9;
	v9 =	vmax.f32 v9, v25  }
0xd3: {  	v22 =	vld [tilespmem:s12+$0xFFFFFFE0];
	v2 =	vsel vm1, s4, v2;
	v3 =	vsel vm0, s4, v3;
	vm0 =	vgt.f32 v26, v12  }
0xd4: {  	v1 =	vsel vm0, s4, v1;
	vm0 =	vgt.f32 v18, v15;
	v15 =	vmax.f32 v15, v18;
	v18 =	vld [tilespmem:s12+$0xFFFFFFF0]  }
0xd5: {  	s11 =	sadd.s32 $0x0, s17;
	v19 =	vld [tilespmem:s12+$0x0];
	v12 =	vmax.f32 v12, v26;
	v5 =	vsel vm0, s4, v5;
	vm0 =	vgt.f32 v0, v14  }
0xd6: {  	vm1 =	vgt.f32 v20, v10;
	v10 =	vmax.f32 v10, v20;
	v20 =	vld [tilespmem:s12+$0x10];
	v11 =	vsel vm0, s11, v11  }
0xd7: {  	s4 =	simm.s32 $0x5CC0;
	v6 =	vsel vm1, s11, v6;
	vm0 =	vgt.f32 v21, v7;
	v7 =	vmax.f32 v7, v21;
	v21 =	vld [tilespmem:s12+$0x20]  }
0xd8: {  	s5 =	simm.s32 $0x2;
	s12 =	simm.s32 $0x1;
	v4 =	vld [tilespmem:s4+$0x30];
	v16 =	vsel vm0, s11, v16;
	vm0 =	vgt.f32 v22, v17;
	v17 =	vmax.f32 v17, v22  }
.LBB2_12:
0xd9: {  	p1 =	sne.s32 s5, $0xB7;
	v22 =	vld [tilespmem:s4+$0xFFFFFFC0];
	v8 =	vsel vm0, s11, v8;
	vm0 =	vgt.f32 v18, v9;
	v9 =	vmax.f32 v9, v18  }
0xda: {  	v23 =	vld [tilespmem:s4+$0xFFFFFFD0];
	v3 =	vsel vm0, s11, v3;
	vm0 =	vgt.f32 v19, v12;
	v12 =	vmax.f32 v12, v19  }
0xdb: {  	v24 =	vld [tilespmem:s4+$0xFFFFFFE0];
	v1 =	vsel vm0, s11, v1;
	vm0 =	vgt.f32 v20, v15;
	v15 =	vmax.f32 v15, v20  }
.Ltmp7:
0xdc: {  	v14 =	vmax.f32 v14, v0;
	v18 =	vld [tilespmem:s4+$0xFFFFFFF0];
	vm1 =	vgt.f32 v21, v13;
	v13 =	vmax.f32 v13, v21;
	(pc) =	sbr.rel @p1 .LBB2_12-.Ltmp7, $4  }
0xdd: {  	v5 =	vsel vm0, s11, v5;
	v19 =	vld [tilespmem:s4+$0x0];
	vm2 =	vgt.f32 v4, v14;
	v2 =	vsel vm1, s11, v2;
	s11 =	sadd.s32 s12, s17;
	v0 =	vmovc v4;
	s12 =	smov.u32 s5  }
0xde: {  	vm0 =	vgt.f32 v22, v10;
	v10 =	vmax.f32 v10, v22;
	v20 =	vld [tilespmem:s4+$0x10];
	v11 =	vsel vm2, s11, v11  }
0xdf: {  	v6 =	vsel vm0, s11, v6;
	vm0 =	vgt.f32 v23, v7;
	v7 =	vmax.f32 v7, v23;
	v21 =	vld [tilespmem:s4+$0x20];
	s4 =	sadd.s32 $0x80, s4  }
0xe0: {  	s5 =	sadd.s32 $0x1, s5;
	v4 =	vld [tilespmem:s4+$0x30];
	v16 =	vsel vm0, s11, v16;
	vm0 =	vgt.f32 v24, v17;
	v17 =	vmax.f32 v17, v24  }
0xe1: {  	v22 =	vld [tilespmem:s4+$0xFFFFFFC0]  }
0xe2: {  	v23 =	vld [tilespmem:s4+$0xFFFFFFD0]  }
0xe3: {  	v24 =	vld [tilespmem:s4+$0xFFFFFFE0]  }
0xe4: {  	v25 =	vld [tilespmem:s4+$0xFFFFFFF0]  }
0xe5: {  	v26 =	vld [tilespmem:s4+$0x0];
	v8 =	vsel vm0, s11, v8;
	vm0 =	vgt.f32 v18, v9;
	v9 =	vmax.f32 v9, v18  }
0xe6: {  	v18 =	vld [tilespmem:s4+$0x10];
	v14 =	vmax.f32 v14, v0;
	vm1 =	vgt.f32 v19, v12;
	v12 =	vmax.f32 v12, v19  }
0xe7: {  	v19 =	vld [tilespmem:s4+$0x20];
	v3 =	vsel vm0, s11, v3;
	_ =	swait.ge [sflag:s7], $0x5C00;
	vm2 =	vgt.f32 v20, v15;
	v15 =	vmax.f32 v15, v20  }
0xe8: {  	s5 =	simm.s32 $0x0;
	v1 =	vsel vm1, s11, v1;
	[sflag:s7] =	ssyncset.done $0x0;
	vm0 =	vgt.f32 v21, v13;
	v13 =	vmax.f32 v13, v21  }
0xe9: {  	s4 =	sadd.s32 s12, s17;
	s12 =	rddreg [dreg:$0xe];
	v5 =	vsel vm2, s11, v5;
	[sflag:s7] =	ssyncadd.s32 $0xFFFFA400;
	vm1 =	vgt.f32 v4, v14;
	v2 =	vsel vm0, s11, v2  }
0xea: {  	[tilespmem:s19], [sflag:$0x2] =	stream.linear.gather [hbm4b:s12+s5], $0x5C00, $0x38;
	v14 =	vmax.f32 v14, v4;
	vm2 =	vgt.f32 v22, v10;
	v10 =	vmax.f32 v10, v22;
	[tilespmem:$0x1F980] =	vst v63  }
0xeb: {  	s12 =	simm.s32 $0xB840;
	v11 =	vsel vm1, s4, v11;
	vm0 =	vgt.f32 v23, v7;
	v7 =	vmax.f32 v7, v23  }
0xec: {  	v0 =	vld [tilespmem:s12+$0x30];
	v6 =	vsel vm2, s4, v6;
	v16 =	vsel vm0, s4, v16;
	vm0 =	vgt.f32 v24, v17  }
0xed: {  	v20 =	vld [tilespmem:s12+$0xFFFFFFC0];
	v17 =	vmax.f32 v17, v24;
	vm1 =	vgt.f32 v19, v13;
	v13 =	vmax.f32 v13, v19  }
0xee: {  	v21 =	vld [tilespmem:s12+$0xFFFFFFD0];
	v8 =	vsel vm0, s4, v8;
	vm0 =	vgt.f32 v25, v9;
	v9 =	vmax.f32 v9, v25  }
0xef: {  	v22 =	vld [tilespmem:s12+$0xFFFFFFE0];
	v2 =	vsel vm1, s4, v2;
	v3 =	vsel vm0, s4, v3;
	vm0 =	vgt.f32 v26, v12  }
0xf0: {  	v1 =	vsel vm0, s4, v1;
	vm0 =	vgt.f32 v18, v15;
	v15 =	vmax.f32 v15, v18;
	v18 =	vld [tilespmem:s12+$0xFFFFFFF0]  }
0xf1: {  	s11 =	sadd.s32 $0x0, s18;
	v19 =	vld [tilespmem:s12+$0x0];
	v12 =	vmax.f32 v12, v26;
	v5 =	vsel vm0, s4, v5;
	vm0 =	vgt.f32 v0, v14  }
0xf2: {  	vm1 =	vgt.f32 v20, v10;
	v10 =	vmax.f32 v10, v20;
	v20 =	vld [tilespmem:s12+$0x10];
	v11 =	vsel vm0, s11, v11  }
0xf3: {  	s4 =	simm.s32 $0xB8C0;
	v6 =	vsel vm1, s11, v6;
	vm0 =	vgt.f32 v21, v7;
	v7 =	vmax.f32 v7, v21;
	v21 =	vld [tilespmem:s12+$0x20]  }
0xf4: {  	s5 =	simm.s32 $0x2;
	s12 =	simm.s32 $0x1;
	v4 =	vld [tilespmem:s4+$0x30];
	v16 =	vsel vm0, s11, v16;
	vm0 =	vgt.f32 v22, v17;
	v17 =	vmax.f32 v17, v22  }
.LBB2_14:
0xf5: {  	p1 =	sne.s32 s5, $0xB7;
	v22 =	vld [tilespmem:s4+$0xFFFFFFC0];
	v8 =	vsel vm0, s11, v8;
	vm0 =	vgt.f32 v18, v9;
	v9 =	vmax.f32 v9, v18  }
0xf6: {  	v23 =	vld [tilespmem:s4+$0xFFFFFFD0];
	v3 =	vsel vm0, s11, v3;
	vm0 =	vgt.f32 v19, v12;
	v12 =	vmax.f32 v12, v19  }
0xf7: {  	v24 =	vld [tilespmem:s4+$0xFFFFFFE0];
	v1 =	vsel vm0, s11, v1;
	vm0 =	vgt.f32 v20, v15;
	v15 =	vmax.f32 v15, v20  }
.Ltmp8:
0xf8: {  	v14 =	vmax.f32 v14, v0;
	v18 =	vld [tilespmem:s4+$0xFFFFFFF0];
	vm1 =	vgt.f32 v21, v13;
	v13 =	vmax.f32 v13, v21;
	(pc) =	sbr.rel @p1 .LBB2_14-.Ltmp8, $4  }
0xf9: {  	v5 =	vsel vm0, s11, v5;
	v19 =	vld [tilespmem:s4+$0x0];
	vm2 =	vgt.f32 v4, v14;
	v2 =	vsel vm1, s11, v2;
	s11 =	sadd.s32 s12, s18;
	v0 =	vmovc v4;
	s12 =	smov.u32 s5  }
0xfa: {  	vm0 =	vgt.f32 v22, v10;
	v10 =	vmax.f32 v10, v22;
	v20 =	vld [tilespmem:s4+$0x10];
	v11 =	vsel vm2, s11, v11  }
0xfb: {  	v6 =	vsel vm0, s11, v6;
	vm0 =	vgt.f32 v23, v7;
	v7 =	vmax.f32 v7, v23;
	v21 =	vld [tilespmem:s4+$0x20];
	s4 =	sadd.s32 $0x80, s4  }
0xfc: {  	s5 =	sadd.s32 $0x1, s5;
	v4 =	vld [tilespmem:s4+$0x30];
	v16 =	vsel vm0, s11, v16;
	vm0 =	vgt.f32 v24, v17;
	v17 =	vmax.f32 v17, v24  }
0xfd: {  	v22 =	vld [tilespmem:s4+$0xFFFFFFC0]  }
0xfe: {  	v23 =	vld [tilespmem:s4+$0xFFFFFFD0]  }
0xff: {  	v24 =	vld [tilespmem:s4+$0xFFFFFFE0]  }
0x100: {  	v25 =	vld [tilespmem:s4+$0xFFFFFFF0]  }
0x101: {  	v26 =	vld [tilespmem:s4+$0x0];
	v8 =	vsel vm0, s11, v8;
	vm0 =	vgt.f32 v18, v9;
	v9 =	vmax.f32 v9, v18  }
0x102: {  	v18 =	vld [tilespmem:s4+$0x10];
	v14 =	vmax.f32 v14, v0;
	vm1 =	vgt.f32 v19, v12;
	v12 =	vmax.f32 v12, v19  }
0x103: {  	v19 =	vld [tilespmem:s4+$0x20];
	v3 =	vsel vm0, s11, v3;
	_ =	swait.ge [sflag:s8], $0x5C00;
	vm2 =	vgt.f32 v20, v15;
	v15 =	vmax.f32 v15, v20  }
0x104: {  	s5 =	simm.s32 $0x0;
	v1 =	vsel vm1, s11, v1;
	[sflag:s8] =	ssyncset.done $0x0;
	vm0 =	vgt.f32 v21, v13;
	v13 =	vmax.f32 v13, v21  }
0x105: {  	s4 =	sadd.s32 s12, s18;
	s12 =	rddreg [dreg:$0xf];
	v5 =	vsel vm2, s11, v5;
	[sflag:s8] =	ssyncadd.s32 $0xFFFFA400;
	vm1 =	vgt.f32 v4, v14;
	v2 =	vsel vm0, s11, v2  }
0x106: {  	[tilespmem:s20], [sflag:$0x3] =	stream.linear.gather [hbm4b:s12+s5], $0x5C00, $0x38;
	v14 =	vmax.f32 v14, v4;
	vm2 =	vgt.f32 v22, v10;
	v10 =	vmax.f32 v10, v22;
	[tilespmem:$0x1F980] =	vst v63  }
0x107: {  	s12 =	simm.s32 $0x11440;
	v11 =	vsel vm1, s4, v11;
	vm0 =	vgt.f32 v23, v7;
	v7 =	vmax.f32 v7, v23  }
0x108: {  	v0 =	vld [tilespmem:s12+$0x30];
	v6 =	vsel vm2, s4, v6;
	v16 =	vsel vm0, s4, v16;
	vm0 =	vgt.f32 v24, v17  }
0x109: {  	v20 =	vld [tilespmem:s12+$0xFFFFFFC0];
	v17 =	vmax.f32 v17, v24;
	vm1 =	vgt.f32 v19, v13;
	v13 =	vmax.f32 v13, v19  }
0x10a: {  	v21 =	vld [tilespmem:s12+$0xFFFFFFD0];
	v8 =	vsel vm0, s4, v8;
	vm0 =	vgt.f32 v25, v9;
	v9 =	vmax.f32 v9, v25  }
0x10b: {  	v22 =	vld [tilespmem:s12+$0xFFFFFFE0];
	v2 =	vsel vm1, s4, v2;
	v3 =	vsel vm0, s4, v3;
	vm0 =	vgt.f32 v26, v12  }
0x10c: {  	v1 =	vsel vm0, s4, v1;
	vm0 =	vgt.f32 v18, v15;
	v15 =	vmax.f32 v15, v18;
	v18 =	vld [tilespmem:s12+$0xFFFFFFF0]  }
0x10d: {  	s11 =	sadd.s32 $0x0, s21;
	v19 =	vld [tilespmem:s12+$0x0];
	v12 =	vmax.f32 v12, v26;
	v5 =	vsel vm0, s4, v5;
	vm0 =	vgt.f32 v0, v14  }
0x10e: {  	vm1 =	vgt.f32 v20, v10;
	v10 =	vmax.f32 v10, v20;
	v20 =	vld [tilespmem:s12+$0x10];
	v11 =	vsel vm0, s11, v11  }
0x10f: {  	s4 =	simm.s32 $0x114C0;
	v6 =	vsel vm1, s11, v6;
	vm0 =	vgt.f32 v21, v7;
	v7 =	vmax.f32 v7, v21;
	v21 =	vld [tilespmem:s12+$0x20]  }
0x110: {  	s5 =	simm.s32 $0x2;
	s12 =	simm.s32 $0x1;
	v4 =	vld [tilespmem:s4+$0x30];
	v16 =	vsel vm0, s11, v16;
	vm0 =	vgt.f32 v22, v17;
	v17 =	vmax.f32 v17, v22  }
.LBB2_16:
0x111: {  	p1 =	sne.s32 s5, $0xB7;
	v22 =	vld [tilespmem:s4+$0xFFFFFFC0];
	v8 =	vsel vm0, s11, v8;
	vm0 =	vgt.f32 v18, v9;
	v9 =	vmax.f32 v9, v18  }
0x112: {  	v23 =	vld [tilespmem:s4+$0xFFFFFFD0];
	v3 =	vsel vm0, s11, v3;
	vm0 =	vgt.f32 v19, v12;
	v12 =	vmax.f32 v12, v19  }
0x113: {  	v24 =	vld [tilespmem:s4+$0xFFFFFFE0];
	v1 =	vsel vm0, s11, v1;
	vm0 =	vgt.f32 v20, v15;
	v15 =	vmax.f32 v15, v20  }
.Ltmp9:
0x114: {  	v14 =	vmax.f32 v14, v0;
	v18 =	vld [tilespmem:s4+$0xFFFFFFF0];
	vm1 =	vgt.f32 v21, v13;
	v13 =	vmax.f32 v13, v21;
	(pc) =	sbr.rel @p1 .LBB2_16-.Ltmp9, $4  }
0x115: {  	v5 =	vsel vm0, s11, v5;
	v19 =	vld [tilespmem:s4+$0x0];
	vm2 =	vgt.f32 v4, v14;
	v2 =	vsel vm1, s11, v2;
	s11 =	sadd.s32 s12, s21;
	v0 =	vmovc v4;
	s12 =	smov.u32 s5  }
0x116: {  	vm0 =	vgt.f32 v22, v10;
	v10 =	vmax.f32 v10, v22;
	v20 =	vld [tilespmem:s4+$0x10];
	v11 =	vsel vm2, s11, v11  }
0x117: {  	v6 =	vsel vm0, s11, v6;
	vm0 =	vgt.f32 v23, v7;
	v7 =	vmax.f32 v7, v23;
	v21 =	vld [tilespmem:s4+$0x20];
	s4 =	sadd.s32 $0x80, s4  }
0x118: {  	s5 =	sadd.s32 $0x1, s5;
	v4 =	vld [tilespmem:s4+$0x30];
	v16 =	vsel vm0, s11, v16;
	vm0 =	vgt.f32 v24, v17;
	v17 =	vmax.f32 v17, v24  }
0x119: {  	v22 =	vld [tilespmem:s4+$0xFFFFFFC0]  }
0x11a: {  	v23 =	vld [tilespmem:s4+$0xFFFFFFD0]  }
0x11b: {  	v24 =	vld [tilespmem:s4+$0xFFFFFFE0]  }
0x11c: {  	v25 =	vld [tilespmem:s4+$0xFFFFFFF0]  }
0x11d: {  	v26 =	vld [tilespmem:s4+$0x0];
	v8 =	vsel vm0, s11, v8;
	vm0 =	vgt.f32 v18, v9;
	v9 =	vmax.f32 v9, v18  }
0x11e: {  	v18 =	vld [tilespmem:s4+$0x10];
	v14 =	vmax.f32 v14, v0;
	vm1 =	vgt.f32 v19, v12;
	v12 =	vmax.f32 v12, v19  }
0x11f: {  	v19 =	vld [tilespmem:s4+$0x20];
	v3 =	vsel vm0, s11, v3;
	_ =	swait.ge [sflag:s22], $0x5C00;
	vm2 =	vgt.f32 v20, v15;
	v15 =	vmax.f32 v15, v20  }
0x120: {  	s5 =	simm.s32 $0x0;
	v1 =	vsel vm1, s11, v1;
	[sflag:s22] =	ssyncset.done $0x0;
	vm0 =	vgt.f32 v21, v13;
	v13 =	vmax.f32 v13, v21  }
0x121: {  	s4 =	sadd.s32 s12, s21;
	s12 =	rddreg [dreg:$0x10];
	v5 =	vsel vm2, s11, v5;
	[sflag:s22] =	ssyncadd.s32 $0xFFFFA400;
	vm1 =	vgt.f32 v4, v14;
	v2 =	vsel vm0, s11, v2  }
0x122: {  	[tilespmem:s23], [sflag:$0x4] =	stream.linear.gather [hbm4b:s12+s5], $0x5C00, $0x38;
	v14 =	vmax.f32 v14, v4;
	vm2 =	vgt.f32 v22, v10;
	v10 =	vmax.f32 v10, v22;
	[tilespmem:$0x1F980] =	vst v63  }
0x123: {  	s12 =	simm.s32 $0x40;
	v11 =	vsel vm1, s4, v11;
	vm0 =	vgt.f32 v23, v7;
	v7 =	vmax.f32 v7, v23  }
0x124: {  	v0 =	vld [tilespmem:s12+$0x30];
	v6 =	vsel vm2, s4, v6;
	v16 =	vsel vm0, s4, v16;
	vm0 =	vgt.f32 v24, v17  }
0x125: {  	v20 =	vld [tilespmem:s12+$0xFFFFFFC0];
	v17 =	vmax.f32 v17, v24;
	vm1 =	vgt.f32 v19, v13;
	v13 =	vmax.f32 v13, v19  }
0x126: {  	v21 =	vld [tilespmem:s12+$0xFFFFFFD0];
	v8 =	vsel vm0, s4, v8;
	vm0 =	vgt.f32 v25, v9;
	v9 =	vmax.f32 v9, v25  }
0x127: {  	v22 =	vld [tilespmem:s12+$0xFFFFFFE0];
	v2 =	vsel vm1, s4, v2;
	v3 =	vsel vm0, s4, v3;
	vm0 =	vgt.f32 v26, v12  }
0x128: {  	v1 =	vsel vm0, s4, v1;
	vm0 =	vgt.f32 v18, v15;
	v15 =	vmax.f32 v15, v18;
	v18 =	vld [tilespmem:s12+$0xFFFFFFF0]  }
0x129: {  	s11 =	sadd.s32 $0x0, s24;
	v19 =	vld [tilespmem:s12+$0x0];
	v12 =	vmax.f32 v12, v26;
	v5 =	vsel vm0, s4, v5;
	vm0 =	vgt.f32 v0, v14  }
0x12a: {  	vm1 =	vgt.f32 v20, v10;
	v10 =	vmax.f32 v10, v20;
	v20 =	vld [tilespmem:s12+$0x10];
	v11 =	vsel vm0, s11, v11  }
0x12b: {  	s4 =	simm.s32 $0xC0;
	v6 =	vsel vm1, s11, v6;
	vm0 =	vgt.f32 v21, v7;
	v7 =	vmax.f32 v7, v21;
	v21 =	vld [tilespmem:s12+$0x20]  }
0x12c: {  	s5 =	simm.s32 $0x2;
	s12 =	simm.s32 $0x1;
	v4 =	vld [tilespmem:s4+$0x30];
	v16 =	vsel vm0, s11, v16;
	vm0 =	vgt.f32 v22, v17;
	v17 =	vmax.f32 v17, v22  }
.LBB2_18:
0x12d: {  	p1 =	sne.s32 s5, $0xB7;
	v22 =	vld [tilespmem:s4+$0xFFFFFFC0];
	v8 =	vsel vm0, s11, v8;
	vm0 =	vgt.f32 v18, v9;
	v9 =	vmax.f32 v9, v18  }
0x12e: {  	v23 =	vld [tilespmem:s4+$0xFFFFFFD0];
	v3 =	vsel vm0, s11, v3;
	vm0 =	vgt.f32 v19, v12;
	v12 =	vmax.f32 v12, v19  }
0x12f: {  	v24 =	vld [tilespmem:s4+$0xFFFFFFE0];
	v1 =	vsel vm0, s11, v1;
	vm0 =	vgt.f32 v20, v15;
	v15 =	vmax.f32 v15, v20  }
.Ltmp10:
0x130: {  	v14 =	vmax.f32 v14, v0;
	v18 =	vld [tilespmem:s4+$0xFFFFFFF0];
	vm1 =	vgt.f32 v21, v13;
	v13 =	vmax.f32 v13, v21;
	(pc) =	sbr.rel @p1 .LBB2_18-.Ltmp10, $4  }
0x131: {  	v5 =	vsel vm0, s11, v5;
	v19 =	vld [tilespmem:s4+$0x0];
	vm2 =	vgt.f32 v4, v14;
	v2 =	vsel vm1, s11, v2;
	s11 =	sadd.s32 s12, s24;
	v0 =	vmovc v4;
	s12 =	smov.u32 s5  }
0x132: {  	vm0 =	vgt.f32 v22, v10;
	v10 =	vmax.f32 v10, v22;
	v20 =	vld [tilespmem:s4+$0x10];
	v11 =	vsel vm2, s11, v11  }
0x133: {  	v6 =	vsel vm0, s11, v6;
	vm0 =	vgt.f32 v23, v7;
	v7 =	vmax.f32 v7, v23;
	v21 =	vld [tilespmem:s4+$0x20];
	s4 =	sadd.s32 $0x80, s4  }
0x134: {  	s5 =	sadd.s32 $0x1, s5;
	v4 =	vld [tilespmem:s4+$0x30];
	v16 =	vsel vm0, s11, v16;
	vm0 =	vgt.f32 v24, v17;
	v17 =	vmax.f32 v17, v24  }
0x135: {  	v22 =	vld [tilespmem:s4+$0xFFFFFFC0]  }
0x136: {  	v23 =	vld [tilespmem:s4+$0xFFFFFFD0]  }
0x137: {  	v24 =	vld [tilespmem:s4+$0xFFFFFFE0]  }
0x138: {  	v25 =	vld [tilespmem:s4+$0xFFFFFFF0]  }
0x139: {  	v26 =	vld [tilespmem:s4+$0x0];
	v8 =	vsel vm0, s11, v8;
	vm0 =	vgt.f32 v18, v9;
	v9 =	vmax.f32 v9, v18  }
0x13a: {  	v18 =	vld [tilespmem:s4+$0x10];
	v14 =	vmax.f32 v14, v0;
	vm1 =	vgt.f32 v19, v12;
	v12 =	vmax.f32 v12, v19  }
0x13b: {  	v19 =	vld [tilespmem:s4+$0x20];
	v3 =	vsel vm0, s11, v3;
	_ =	swait.ge [sflag:s6], $0x5C00;
	vm2 =	vgt.f32 v20, v15;
	v15 =	vmax.f32 v15, v20  }
0x13c: {  	s5 =	simm.s32 $0x0;
	v1 =	vsel vm1, s11, v1;
	[sflag:s6] =	ssyncset.done $0x0;
	vm0 =	vgt.f32 v21, v13;
	v13 =	vmax.f32 v13, v21  }
0x13d: {  	s4 =	sadd.s32 s12, s24;
	s12 =	rddreg [dreg:$0x15];
	v5 =	vsel vm2, s11, v5;
	[sflag:s6] =	ssyncadd.s32 $0xFFFFA400;
	vm1 =	vgt.f32 v4, v14;
	v2 =	vsel vm0, s11, v2  }
0x13e: {  	[tilespmem:s5], [sflag:$0x1] =	stream.linear.gather [hbm4b:s12+s5], $0x5C00, $0x38;
	v14 =	vmax.f32 v14, v4;
	vm2 =	vgt.f32 v22, v10;
	v10 =	vmax.f32 v10, v22;
	[tilespmem:$0x1F980] =	vst v63  }
0x13f: {  	s12 =	simm.s32 $0x5C40;
	v11 =	vsel vm1, s4, v11;
	vm0 =	vgt.f32 v23, v7;
	v7 =	vmax.f32 v7, v23  }
0x140: {  	v0 =	vld [tilespmem:s12+$0x30];
	v6 =	vsel vm2, s4, v6;
	v16 =	vsel vm0, s4, v16;
	vm0 =	vgt.f32 v24, v17  }
0x141: {  	v20 =	vld [tilespmem:s12+$0xFFFFFFC0];
	v17 =	vmax.f32 v17, v24;
	vm1 =	vgt.f32 v19, v13;
	v13 =	vmax.f32 v13, v19  }
0x142: {  	v21 =	vld [tilespmem:s12+$0xFFFFFFD0];
	v8 =	vsel vm0, s4, v8;
	vm0 =	vgt.f32 v25, v9;
	v9 =	vmax.f32 v9, v25  }
0x143: {  	v22 =	vld [tilespmem:s12+$0xFFFFFFE0];
	v2 =	vsel vm1, s4, v2;
	v3 =	vsel vm0, s4, v3;
	vm0 =	vgt.f32 v26, v12  }
0x144: {  	v1 =	vsel vm0, s4, v1;
	vm0 =	vgt.f32 v18, v15;
	v15 =	vmax.f32 v15, v18;
	v18 =	vld [tilespmem:s12+$0xFFFFFFF0]  }
0x145: {  	s11 =	sadd.s32 $0x0, s26;
	v19 =	vld [tilespmem:s12+$0x0];
	v12 =	vmax.f32 v12, v26;
	v5 =	vsel vm0, s4, v5;
	vm0 =	vgt.f32 v0, v14  }
0x146: {  	vm1 =	vgt.f32 v20, v10;
	v10 =	vmax.f32 v10, v20;
	v20 =	vld [tilespmem:s12+$0x10];
	v11 =	vsel vm0, s11, v11  }
0x147: {  	s4 =	simm.s32 $0x5CC0;
	v6 =	vsel vm1, s11, v6;
	vm0 =	vgt.f32 v21, v7;
	v7 =	vmax.f32 v7, v21;
	v21 =	vld [tilespmem:s12+$0x20]  }
0x148: {  	s5 =	simm.s32 $0x2;
	s12 =	simm.s32 $0x1;
	v4 =	vld [tilespmem:s4+$0x30];
	v16 =	vsel vm0, s11, v16;
	vm0 =	vgt.f32 v22, v17;
	v17 =	vmax.f32 v17, v22  }
.LBB2_20:
0x149: {  	p1 =	sne.s32 s5, $0xB7;
	v22 =	vld [tilespmem:s4+$0xFFFFFFC0];
	v8 =	vsel vm0, s11, v8;
	vm0 =	vgt.f32 v18, v9;
	v9 =	vmax.f32 v9, v18  }
0x14a: {  	v23 =	vld [tilespmem:s4+$0xFFFFFFD0];
	v3 =	vsel vm0, s11, v3;
	vm0 =	vgt.f32 v19, v12;
	v12 =	vmax.f32 v12, v19  }
0x14b: {  	v24 =	vld [tilespmem:s4+$0xFFFFFFE0];
	v1 =	vsel vm0, s11, v1;
	vm0 =	vgt.f32 v20, v15;
	v15 =	vmax.f32 v15, v20  }
.Ltmp11:
0x14c: {  	v14 =	vmax.f32 v14, v0;
	v18 =	vld [tilespmem:s4+$0xFFFFFFF0];
	vm1 =	vgt.f32 v21, v13;
	v13 =	vmax.f32 v13, v21;
	(pc) =	sbr.rel @p1 .LBB2_20-.Ltmp11, $4  }
0x14d: {  	v5 =	vsel vm0, s11, v5;
	v19 =	vld [tilespmem:s4+$0x0];
	vm2 =	vgt.f32 v4, v14;
	v2 =	vsel vm1, s11, v2;
	s11 =	sadd.s32 s12, s26;
	v0 =	vmovc v4;
	s12 =	smov.u32 s5  }
0x14e: {  	vm0 =	vgt.f32 v22, v10;
	v10 =	vmax.f32 v10, v22;
	v20 =	vld [tilespmem:s4+$0x10];
	v11 =	vsel vm2, s11, v11  }
0x14f: {  	v6 =	vsel vm0, s11, v6;
	vm0 =	vgt.f32 v23, v7;
	v7 =	vmax.f32 v7, v23;
	v21 =	vld [tilespmem:s4+$0x20];
	s4 =	sadd.s32 $0x80, s4  }
0x150: {  	s5 =	sadd.s32 $0x1, s5;
	v4 =	vld [tilespmem:s4+$0x30];
	v16 =	vsel vm0, s11, v16;
	vm0 =	vgt.f32 v24, v17;
	v17 =	vmax.f32 v17, v24  }
0x151: {  	v22 =	vld [tilespmem:s4+$0xFFFFFFC0]  }
0x152: {  	v23 =	vld [tilespmem:s4+$0xFFFFFFD0]  }
0x153: {  	v24 =	vld [tilespmem:s4+$0xFFFFFFE0]  }
0x154: {  	v25 =	vld [tilespmem:s4+$0xFFFFFFF0]  }
0x155: {  	v26 =	vld [tilespmem:s4+$0x0];
	v8 =	vsel vm0, s11, v8;
	vm0 =	vgt.f32 v18, v9;
	v9 =	vmax.f32 v9, v18  }
0x156: {  	v18 =	vld [tilespmem:s4+$0x10];
	v14 =	vmax.f32 v14, v0;
	vm1 =	vgt.f32 v19, v12;
	v12 =	vmax.f32 v12, v19  }
0x157: {  	v19 =	vld [tilespmem:s4+$0x20];
	v3 =	vsel vm0, s11, v3;
	_ =	swait.ge [sflag:s7], $0x5C00;
	vm2 =	vgt.f32 v20, v15;
	v15 =	vmax.f32 v15, v20  }
0x158: {  	s5 =	simm.s32 $0x0;
	v1 =	vsel vm1, s11, v1;
	[sflag:s7] =	ssyncset.done $0x0;
	vm0 =	vgt.f32 v21, v13;
	v13 =	vmax.f32 v13, v21  }
0x159: {  	s4 =	sadd.s32 s12, s26;
	s12 =	rddreg [dreg:$0x19];
	v5 =	vsel vm2, s11, v5;
	[sflag:s7] =	ssyncadd.s32 $0xFFFFA400;
	vm1 =	vgt.f32 v4, v14;
	v2 =	vsel vm0, s11, v2  }
0x15a: {  	[tilespmem:s19], [sflag:$0x2] =	stream.linear.gather [hbm4b:s12+s5], $0x5C00, $0x38;
	v14 =	vmax.f32 v14, v4;
	vm2 =	vgt.f32 v22, v10;
	v10 =	vmax.f32 v10, v22;
	[tilespmem:$0x1F980] =	vst v63  }
0x15b: {  	s12 =	simm.s32 $0xB840;
	v11 =	vsel vm1, s4, v11;
	vm0 =	vgt.f32 v23, v7;
	v7 =	vmax.f32 v7, v23  }
0x15c: {  	v0 =	vld [tilespmem:s12+$0x30];
	v6 =	vsel vm2, s4, v6;
	v16 =	vsel vm0, s4, v16;
	vm0 =	vgt.f32 v24, v17  }
0x15d: {  	v20 =	vld [tilespmem:s12+$0xFFFFFFC0];
	v17 =	vmax.f32 v17, v24;
	vm1 =	vgt.f32 v19, v13;
	v13 =	vmax.f32 v13, v19  }
0x15e: {  	v21 =	vld [tilespmem:s12+$0xFFFFFFD0];
	v8 =	vsel vm0, s4, v8;
	vm0 =	vgt.f32 v25, v9;
	v9 =	vmax.f32 v9, v25  }
0x15f: {  	v22 =	vld [tilespmem:s12+$0xFFFFFFE0];
	v2 =	vsel vm1, s4, v2;
	v3 =	vsel vm0, s4, v3;
	vm0 =	vgt.f32 v26, v12  }
0x160: {  	v1 =	vsel vm0, s4, v1;
	vm0 =	vgt.f32 v18, v15;
	v15 =	vmax.f32 v15, v18;
	v18 =	vld [tilespmem:s12+$0xFFFFFFF0]  }
0x161: {  	s11 =	sadd.s32 $0x0, s28;
	v19 =	vld [tilespmem:s12+$0x0];
	v12 =	vmax.f32 v12, v26;
	v5 =	vsel vm0, s4, v5;
	vm0 =	vgt.f32 v0, v14  }
0x162: {  	vm1 =	vgt.f32 v20, v10;
	v10 =	vmax.f32 v10, v20;
	v20 =	vld [tilespmem:s12+$0x10];
	v11 =	vsel vm0, s11, v11  }
0x163: {  	s4 =	simm.s32 $0xB8C0;
	v6 =	vsel vm1, s11, v6;
	vm0 =	vgt.f32 v21, v7;
	v7 =	vmax.f32 v7, v21;
	v21 =	vld [tilespmem:s12+$0x20]  }
0x164: {  	s5 =	simm.s32 $0x2;
	s12 =	simm.s32 $0x1;
	v4 =	vld [tilespmem:s4+$0x30];
	v16 =	vsel vm0, s11, v16;
	vm0 =	vgt.f32 v22, v17;
	v17 =	vmax.f32 v17, v22  }
.LBB2_22:
0x165: {  	p1 =	sne.s32 s5, $0xB7;
	v22 =	vld [tilespmem:s4+$0xFFFFFFC0];
	v8 =	vsel vm0, s11, v8;
	vm0 =	vgt.f32 v18, v9;
	v9 =	vmax.f32 v9, v18  }
0x166: {  	v23 =	vld [tilespmem:s4+$0xFFFFFFD0];
	v3 =	vsel vm0, s11, v3;
	vm0 =	vgt.f32 v19, v12;
	v12 =	vmax.f32 v12, v19  }
0x167: {  	v24 =	vld [tilespmem:s4+$0xFFFFFFE0];
	v1 =	vsel vm0, s11, v1;
	vm0 =	vgt.f32 v20, v15;
	v15 =	vmax.f32 v15, v20  }
.Ltmp12:
0x168: {  	v14 =	vmax.f32 v14, v0;
	v18 =	vld [tilespmem:s4+$0xFFFFFFF0];
	vm1 =	vgt.f32 v21, v13;
	v13 =	vmax.f32 v13, v21;
	(pc) =	sbr.rel @p1 .LBB2_22-.Ltmp12, $4  }
0x169: {  	v5 =	vsel vm0, s11, v5;
	v19 =	vld [tilespmem:s4+$0x0];
	vm2 =	vgt.f32 v4, v14;
	v2 =	vsel vm1, s11, v2;
	s11 =	sadd.s32 s12, s28;
	v0 =	vmovc v4;
	s12 =	smov.u32 s5  }
0x16a: {  	vm0 =	vgt.f32 v22, v10;
	v10 =	vmax.f32 v10, v22;
	v20 =	vld [tilespmem:s4+$0x10];
	v11 =	vsel vm2, s11, v11  }
0x16b: {  	v6 =	vsel vm0, s11, v6;
	vm0 =	vgt.f32 v23, v7;
	v7 =	vmax.f32 v7, v23;
	v21 =	vld [tilespmem:s4+$0x20];
	s4 =	sadd.s32 $0x80, s4  }
0x16c: {  	s5 =	sadd.s32 $0x1, s5;
	v4 =	vld [tilespmem:s4+$0x30];
	v16 =	vsel vm0, s11, v16;
	vm0 =	vgt.f32 v24, v17;
	v17 =	vmax.f32 v17, v24  }
0x16d: {  	v22 =	vld [tilespmem:s4+$0xFFFFFFC0]  }
0x16e: {  	v23 =	vld [tilespmem:s4+$0xFFFFFFD0]  }
0x16f: {  	v24 =	vld [tilespmem:s4+$0xFFFFFFE0]  }
0x170: {  	v25 =	vld [tilespmem:s4+$0xFFFFFFF0]  }
0x171: {  	v26 =	vld [tilespmem:s4+$0x0];
	v8 =	vsel vm0, s11, v8;
	vm0 =	vgt.f32 v18, v9;
	v9 =	vmax.f32 v9, v18  }
0x172: {  	v18 =	vld [tilespmem:s4+$0x10];
	v14 =	vmax.f32 v14, v0;
	vm1 =	vgt.f32 v19, v12;
	v12 =	vmax.f32 v12, v19  }
0x173: {  	v19 =	vld [tilespmem:s4+$0x20];
	v3 =	vsel vm0, s11, v3;
	_ =	swait.ge [sflag:s8], $0x5C00;
	vm2 =	vgt.f32 v20, v15;
	v15 =	vmax.f32 v15, v20  }
0x174: {  	s5 =	simm.s32 $0x0;
	v1 =	vsel vm1, s11, v1;
	[sflag:s8] =	ssyncset.done $0x0;
	vm0 =	vgt.f32 v21, v13;
	v13 =	vmax.f32 v13, v21  }
0x175: {  	s4 =	sadd.s32 s12, s28;
	s12 =	rddreg [dreg:$0x1a];
	v5 =	vsel vm2, s11, v5;
	[sflag:s8] =	ssyncadd.s32 $0xFFFFA400;
	vm1 =	vgt.f32 v4, v14;
	v2 =	vsel vm0, s11, v2  }
0x176: {  	[tilespmem:s20], [sflag:$0x3] =	stream.linear.gather [hbm4b:s12+s5], $0x5C00, $0x38;
	v14 =	vmax.f32 v14, v4;
	vm2 =	vgt.f32 v22, v10;
	v10 =	vmax.f32 v10, v22;
	[tilespmem:$0x1F980] =	vst v63  }
0x177: {  	s12 =	simm.s32 $0x11440;
	v11 =	vsel vm1, s4, v11;
	vm0 =	vgt.f32 v23, v7;
	v7 =	vmax.f32 v7, v23  }
0x178: {  	v0 =	vld [tilespmem:s12+$0x30];
	v6 =	vsel vm2, s4, v6;
	v16 =	vsel vm0, s4, v16;
	vm0 =	vgt.f32 v24, v17  }
0x179: {  	v20 =	vld [tilespmem:s12+$0xFFFFFFC0];
	v17 =	vmax.f32 v17, v24;
	vm1 =	vgt.f32 v19, v13;
	v13 =	vmax.f32 v13, v19  }
0x17a: {  	v21 =	vld [tilespmem:s12+$0xFFFFFFD0];
	v8 =	vsel vm0, s4, v8;
	vm0 =	vgt.f32 v25, v9;
	v9 =	vmax.f32 v9, v25  }
0x17b: {  	v22 =	vld [tilespmem:s12+$0xFFFFFFE0];
	v2 =	vsel vm1, s4, v2;
	v3 =	vsel vm0, s4, v3;
	vm0 =	vgt.f32 v26, v12  }
0x17c: {  	v1 =	vsel vm0, s4, v1;
	vm0 =	vgt.f32 v18, v15;
	v15 =	vmax.f32 v15, v18;
	v18 =	vld [tilespmem:s12+$0xFFFFFFF0]  }
0x17d: {  	s11 =	sadd.s32 $0x0, s29;
	v19 =	vld [tilespmem:s12+$0x0];
	v12 =	vmax.f32 v12, v26;
	v5 =	vsel vm0, s4, v5;
	vm0 =	vgt.f32 v0, v14  }
0x17e: {  	vm1 =	vgt.f32 v20, v10;
	v10 =	vmax.f32 v10, v20;
	v20 =	vld [tilespmem:s12+$0x10];
	v11 =	vsel vm0, s11, v11  }
0x17f: {  	s4 =	simm.s32 $0x114C0;
	v6 =	vsel vm1, s11, v6;
	vm0 =	vgt.f32 v21, v7;
	v7 =	vmax.f32 v7, v21;
	v21 =	vld [tilespmem:s12+$0x20]  }
0x180: {  	s5 =	simm.s32 $0x2;
	s12 =	simm.s32 $0x1;
	v4 =	vld [tilespmem:s4+$0x30];
	v16 =	vsel vm0, s11, v16;
	vm0 =	vgt.f32 v22, v17;
	v17 =	vmax.f32 v17, v22  }
.LBB2_24:
0x181: {  	p1 =	sne.s32 s5, $0xB7;
	v22 =	vld [tilespmem:s4+$0xFFFFFFC0];
	v8 =	vsel vm0, s11, v8;
	vm0 =	vgt.f32 v18, v9;
	v9 =	vmax.f32 v9, v18  }
0x182: {  	v23 =	vld [tilespmem:s4+$0xFFFFFFD0];
	v3 =	vsel vm0, s11, v3;
	vm0 =	vgt.f32 v19, v12;
	v12 =	vmax.f32 v12, v19  }
0x183: {  	v24 =	vld [tilespmem:s4+$0xFFFFFFE0];
	v1 =	vsel vm0, s11, v1;
	vm0 =	vgt.f32 v20, v15;
	v15 =	vmax.f32 v15, v20  }
.Ltmp13:
0x184: {  	v14 =	vmax.f32 v14, v0;
	v18 =	vld [tilespmem:s4+$0xFFFFFFF0];
	vm1 =	vgt.f32 v21, v13;
	v13 =	vmax.f32 v13, v21;
	(pc) =	sbr.rel @p1 .LBB2_24-.Ltmp13, $4  }
0x185: {  	v5 =	vsel vm0, s11, v5;
	v19 =	vld [tilespmem:s4+$0x0];
	vm2 =	vgt.f32 v4, v14;
	v2 =	vsel vm1, s11, v2;
	s11 =	sadd.s32 s12, s29;
	v0 =	vmovc v4;
	s12 =	smov.u32 s5  }
0x186: {  	vm0 =	vgt.f32 v22, v10;
	v10 =	vmax.f32 v10, v22;
	v20 =	vld [tilespmem:s4+$0x10];
	v11 =	vsel vm2, s11, v11  }
0x187: {  	v6 =	vsel vm0, s11, v6;
	vm0 =	vgt.f32 v23, v7;
	v7 =	vmax.f32 v7, v23;
	v21 =	vld [tilespmem:s4+$0x20];
	s4 =	sadd.s32 $0x80, s4  }
0x188: {  	s5 =	sadd.s32 $0x1, s5;
	v4 =	vld [tilespmem:s4+$0x30];
	v16 =	vsel vm0, s11, v16;
	vm0 =	vgt.f32 v24, v17;
	v17 =	vmax.f32 v17, v24  }
0x189: {  	v22 =	vld [tilespmem:s4+$0xFFFFFFC0]  }
0x18a: {  	v23 =	vld [tilespmem:s4+$0xFFFFFFD0]  }
0x18b: {  	v24 =	vld [tilespmem:s4+$0xFFFFFFE0]  }
0x18c: {  	v25 =	vld [tilespmem:s4+$0xFFFFFFF0]  }
0x18d: {  	v26 =	vld [tilespmem:s4+$0x0];
	v8 =	vsel vm0, s11, v8;
	vm0 =	vgt.f32 v18, v9;
	v9 =	vmax.f32 v9, v18  }
0x18e: {  	v18 =	vld [tilespmem:s4+$0x10];
	v14 =	vmax.f32 v14, v0;
	vm1 =	vgt.f32 v19, v12;
	v12 =	vmax.f32 v12, v19  }
0x18f: {  	v19 =	vld [tilespmem:s4+$0x20];
	v3 =	vsel vm0, s11, v3;
	_ =	swait.ge [sflag:s22], $0x5C00;
	vm2 =	vgt.f32 v20, v15;
	v15 =	vmax.f32 v15, v20  }
0x190: {  	s5 =	simm.s32 $0x0;
	v1 =	vsel vm1, s11, v1;
	[sflag:s22] =	ssyncset.done $0x0;
	vm0 =	vgt.f32 v21, v13;
	v13 =	vmax.f32 v13, v21  }
0x191: {  	s4 =	sadd.s32 s12, s29;
	s12 =	rddreg [dreg:$0x1b];
	v5 =	vsel vm2, s11, v5;
	[sflag:s22] =	ssyncadd.s32 $0xFFFFA400;
	vm1 =	vgt.f32 v4, v14;
	v2 =	vsel vm0, s11, v2  }
0x192: {  	[tilespmem:s23], [sflag:$0x4] =	stream.linear.gather [hbm4b:s12+s5], $0x5C00, $0x38;
	v14 =	vmax.f32 v14, v4;
	vm2 =	vgt.f32 v22, v10;
	v10 =	vmax.f32 v10, v22;
	[tilespmem:$0x1F980] =	vst v63  }
0x193: {  	s12 =	simm.s32 $0x40;
	v11 =	vsel vm1, s4, v11;
	vm0 =	vgt.f32 v23, v7;
	v7 =	vmax.f32 v7, v23  }
0x194: {  	v0 =	vld [tilespmem:s12+$0x30];
	v6 =	vsel vm2, s4, v6;
	v16 =	vsel vm0, s4, v16;
	vm0 =	vgt.f32 v24, v17  }
0x195: {  	v20 =	vld [tilespmem:s12+$0xFFFFFFC0];
	v17 =	vmax.f32 v17, v24;
	vm1 =	vgt.f32 v19, v13;
	v13 =	vmax.f32 v13, v19  }
0x196: {  	v21 =	vld [tilespmem:s12+$0xFFFFFFD0];
	v8 =	vsel vm0, s4, v8;
	vm0 =	vgt.f32 v25, v9;
	v9 =	vmax.f32 v9, v25  }
0x197: {  	v22 =	vld [tilespmem:s12+$0xFFFFFFE0];
	v2 =	vsel vm1, s4, v2;
	v3 =	vsel vm0, s4, v3;
	vm0 =	vgt.f32 v26, v12  }
0x198: {  	v1 =	vsel vm0, s4, v1;
	vm0 =	vgt.f32 v18, v15;
	v15 =	vmax.f32 v15, v18;
	v18 =	vld [tilespmem:s12+$0xFFFFFFF0]  }
0x199: {  	s11 =	sadd.s32 $0x0, s30;
	v19 =	vld [tilespmem:s12+$0x0];
	v12 =	vmax.f32 v12, v26;
	v5 =	vsel vm0, s4, v5;
	vm0 =	vgt.f32 v0, v14  }
0x19a: {  	vm1 =	vgt.f32 v20, v10;
	v10 =	vmax.f32 v10, v20;
	v20 =	vld [tilespmem:s12+$0x10];
	v11 =	vsel vm0, s11, v11  }
0x19b: {  	s4 =	simm.s32 $0xC0;
	v6 =	vsel vm1, s11, v6;
	vm0 =	vgt.f32 v21, v7;
	v7 =	vmax.f32 v7, v21;
	v21 =	vld [tilespmem:s12+$0x20]  }
0x19c: {  	s5 =	simm.s32 $0x2;
	s12 =	simm.s32 $0x1;
	v4 =	vld [tilespmem:s4+$0x30];
	v16 =	vsel vm0, s11, v16;
	vm0 =	vgt.f32 v22, v17;
	v17 =	vmax.f32 v17, v22  }
.LBB2_26:
0x19d: {  	p1 =	sne.s32 s5, $0xB7;
	v22 =	vld [tilespmem:s4+$0xFFFFFFC0];
	v8 =	vsel vm0, s11, v8;
	vm0 =	vgt.f32 v18, v9;
	v9 =	vmax.f32 v9, v18  }
0x19e: {  	v23 =	vld [tilespmem:s4+$0xFFFFFFD0];
	v3 =	vsel vm0, s11, v3;
	vm0 =	vgt.f32 v19, v12;
	v12 =	vmax.f32 v12, v19  }
0x19f: {  	v24 =	vld [tilespmem:s4+$0xFFFFFFE0];
	v1 =	vsel vm0, s11, v1;
	vm0 =	vgt.f32 v20, v15;
	v15 =	vmax.f32 v15, v20  }
.Ltmp14:
0x1a0: {  	v14 =	vmax.f32 v14, v0;
	v18 =	vld [tilespmem:s4+$0xFFFFFFF0];
	vm1 =	vgt.f32 v21, v13;
	v13 =	vmax.f32 v13, v21;
	(pc) =	sbr.rel @p1 .LBB2_26-.Ltmp14, $4  }
0x1a1: {  	v5 =	vsel vm0, s11, v5;
	v19 =	vld [tilespmem:s4+$0x0];
	vm2 =	vgt.f32 v4, v14;
	v2 =	vsel vm1, s11, v2;
	s11 =	sadd.s32 s12, s30;
	v0 =	vmovc v4;
	s12 =	smov.u32 s5  }
0x1a2: {  	vm0 =	vgt.f32 v22, v10;
	v10 =	vmax.f32 v10, v22;
	v20 =	vld [tilespmem:s4+$0x10];
	v11 =	vsel vm2, s11, v11  }
0x1a3: {  	v6 =	vsel vm0, s11, v6;
	vm0 =	vgt.f32 v23, v7;
	v7 =	vmax.f32 v7, v23;
	v21 =	vld [tilespmem:s4+$0x20];
	s4 =	sadd.s32 $0x80, s4  }
0x1a4: {  	s5 =	sadd.s32 $0x1, s5;
	v4 =	vld [tilespmem:s4+$0x30];
	v16 =	vsel vm0, s11, v16;
	vm0 =	vgt.f32 v24, v17;
	v17 =	vmax.f32 v17, v24  }
0x1a5: {  	v22 =	vld [tilespmem:s4+$0xFFFFFFC0]  }
0x1a6: {  	v23 =	vld [tilespmem:s4+$0xFFFFFFD0]  }
0x1a7: {  	v24 =	vld [tilespmem:s4+$0xFFFFFFE0]  }
0x1a8: {  	v25 =	vld [tilespmem:s4+$0xFFFFFFF0]  }
0x1a9: {  	v26 =	vld [tilespmem:s4+$0x0];
	v8 =	vsel vm0, s11, v8;
	vm0 =	vgt.f32 v18, v9;
	v9 =	vmax.f32 v9, v18  }
0x1aa: {  	v18 =	vld [tilespmem:s4+$0x10];
	v14 =	vmax.f32 v14, v0;
	vm1 =	vgt.f32 v19, v12;
	v12 =	vmax.f32 v12, v19  }
0x1ab: {  	v19 =	vld [tilespmem:s4+$0x20];
	v3 =	vsel vm0, s11, v3;
	_ =	swait.ge [sflag:s6], $0x5C00;
	vm2 =	vgt.f32 v20, v15;
	v15 =	vmax.f32 v15, v20  }
0x1ac: {  	s5 =	simm.s32 $0x0;
	v1 =	vsel vm1, s11, v1;
	[sflag:s6] =	ssyncset.done $0x0;
	vm0 =	vgt.f32 v21, v13;
	v13 =	vmax.f32 v13, v21  }
0x1ad: {  	s4 =	sadd.s32 s12, s30;
	s12 =	rddreg [dreg:$0x1c];
	v20 =	vsel vm2, s11, v5;
	[sflag:s6] =	ssyncadd.s32 $0xFFFFA400;
	vm1 =	vgt.f32 v4, v14;
	v2 =	vsel vm0, s11, v2  }
0x1ae: {  	[tilespmem:s5], [sflag:$0x1] =	stream.linear.gather [hbm4b:s12+s5], $0x5C00, $0x38;
	vm2 =	vgt.f32 v22, v10;
	v10 =	vmax.f32 v10, v22;
	v11 =	vsel vm1, s4, v11;
	[tilespmem:$0x1F980] =	vst v63  }
0x1af: {  	s12 =	simm.s32 $0x5C40;
	vm0 =	vgt.f32 v23, v7;
	v22 =	vmax.f32 v7, v23;
	v21 =	vsel vm2, s4, v6  }
0x1b0: {  	v0 =	vld [tilespmem:s12+$0x30];
	v16 =	vsel vm0, s4, v16;
	vm0 =	vgt.f32 v24, v17;
	v17 =	vmax.f32 v17, v24  }
0x1b1: {  	v23 =	vld [tilespmem:s12+$0xFFFFFFC0];
	v6 =	vmax.f32 v9, v25;
	v5 =	vsel vm0, s4, v8;
	vm0 =	vgt.f32 v25, v9  }
0x1b2: {  	vm1 =	vgt.f32 v19, v13;
	v13 =	vmax.f32 v13, v19;
	v7 =	vsel vm0, s4, v3;
	v3 =	vld [tilespmem:s12+$0xFFFFFFD0]  }
0x1b3: {  	v63 =	vld [tilespmem:s12+$0xFFFFFFE0];
	v8 =	vmax.f32 v12, v26;
	v9 =	vmax.f32 v14, v4;
	vm0 =	vgt.f32 v26, v12  }
0x1b4: {  	v12 =	vmax.f32 v15, v18;
	v1 =	vsel vm0, s4, v1;
	vm0 =	vgt.f32 v18, v15;
	v18 =	vld [tilespmem:s12+$0xFFFFFFF0]  }
0x1b5: {  	s11 =	sadd.s32 $0x0, s31;
	v19 =	vld [tilespmem:s12+$0x0];
	v2 =	vsel vm1, s4, v2;
	v4 =	vsel vm0, s4, v20;
	vm0 =	vgt.f32 v0, v9  }
0x1b6: {  	vm1 =	vgt.f32 v23, v10;
	v14 =	vmax.f32 v10, v23;
	v20 =	vld [tilespmem:s12+$0x10];
	v15 =	vsel vm0, s11, v11  }
0x1b7: {  	v10 =	vsel vm1, s11, v21;
	v21 =	vld [tilespmem:s12+$0x20];
	s12 =	simm.s32 $0x5CC0;
	vm0 =	vgt.f32 v3, v22;
	v11 =	vmax.f32 v22, v3  }
0x1b8: {  	s5 =	simm.s32 $0x2;
	s4 =	simm.s32 $0x1;
	v3 =	vld [tilespmem:s12+$0x30];
	v16 =	vsel vm0, s11, v16;
	vm0 =	vgt.f32 v63, v17;
	v17 =	vmax.f32 v17, v63  }
.LBB2_28:
0x1b9: {  	p1 =	sne.s32 s5, $0xB7;
	v22 =	vld [tilespmem:s12+$0xFFFFFFC0];
	v5 =	vsel vm0, s11, v5;
	vm0 =	vgt.f32 v18, v6;
	v6 =	vmax.f32 v6, v18  }
0x1ba: {  	v23 =	vld [tilespmem:s12+$0xFFFFFFD0];
	v7 =	vsel vm0, s11, v7;
	vm0 =	vgt.f32 v19, v8;
	v8 =	vmax.f32 v8, v19  }
0x1bb: {  	v24 =	vld [tilespmem:s12+$0xFFFFFFE0];
	v1 =	vsel vm0, s11, v1;
	vm0 =	vgt.f32 v20, v12;
	v12 =	vmax.f32 v12, v20  }
.Ltmp15:
0x1bc: {  	v9 =	vmax.f32 v9, v0;
	v18 =	vld [tilespmem:s12+$0xFFFFFFF0];
	vm1 =	vgt.f32 v21, v13;
	v13 =	vmax.f32 v13, v21;
	(pc) =	sbr.rel @p1 .LBB2_28-.Ltmp15, $4  }
0x1bd: {  	v4 =	vsel vm0, s11, v4;
	v19 =	vld [tilespmem:s12+$0x0];
	vm2 =	vgt.f32 v3, v9;
	v2 =	vsel vm1, s11, v2;
	s11 =	sadd.s32 s4, s31;
	v0 =	vmovc v3;
	s4 =	smov.u32 s5  }
0x1be: {  	vm0 =	vgt.f32 v22, v14;
	v14 =	vmax.f32 v14, v22;
	v20 =	vld [tilespmem:s12+$0x10];
	v15 =	vsel vm2, s11, v15  }
0x1bf: {  	v10 =	vsel vm0, s11, v10;
	vm0 =	vgt.f32 v23, v11;
	v11 =	vmax.f32 v11, v23;
	v21 =	vld [tilespmem:s12+$0x20];
	s12 =	sadd.s32 $0x80, s12  }
0x1c0: {  	s5 =	sadd.s32 $0x1, s5;
	v3 =	vld [tilespmem:s12+$0x30];
	v16 =	vsel vm0, s11, v16;
	vm0 =	vgt.f32 v24, v17;
	v17 =	vmax.f32 v17, v24  }
0x1c1: {  	v22 =	vld [tilespmem:s12+$0xFFFFFFC0]  }
0x1c2: {  	v23 =	vld [tilespmem:s12+$0xFFFFFFD0]  }
0x1c3: {  	v24 =	vld [tilespmem:s12+$0xFFFFFFE0];
	v5 =	vsel vm0, s11, v5;
	vm0 =	vgt.f32 v18, v6;
	v6 =	vmax.f32 v6, v18  }
0x1c4: {  	v18 =	vld [tilespmem:s12+$0xFFFFFFF0];
	v9 =	vmax.f32 v9, v0;
	v7 =	vsel vm0, s11, v7;
	vm0 =	vgt.f32 v19, v8  }
0x1c5: {  	v8 =	vmax.f32 v8, v19;
	v19 =	vld [tilespmem:s12+$0x0];
	vm1 =	vgt.f32 v20, v12;
	v12 =	vmax.f32 v12, v20  }
0x1c6: {  	v20 =	vld [tilespmem:s12+$0x10];
	v1 =	vsel vm0, s11, v1;
	vm2 =	vgt.f32 v21, v13;
	v13 =	vmax.f32 v13, v21  }
0x1c7: {  	v21 =	vld [tilespmem:s12+$0x20];
	v4 =	vsel vm1, s11, v4;
	_ =	swait.ge [sflag:s7], $0x5C00;
	vm0 =	vgt.f32 v3, v9;
	v2 =	vsel vm2, s11, v2  }
0x1c8: {  	s4 =	sadd.s32 s4, s31;
	[sflag:s7] =	ssyncset.done $0x0;
	v9 =	vmax.f32 v9, v3;
	vm1 =	vgt.f32 v22, v14;
	v14 =	vmax.f32 v14, v22  }
0x1c9: {  	s5 =	simm.s32 $0xB840;
	v15 =	vsel vm0, s4, v15;
	vm0 =	vgt.f32 v23, v11;
	v11 =	vmax.f32 v11, v23;
	[sflag:s7] =	ssyncadd.s32 $0xFFFFA400  }
0x1ca: {  	v10 =	vsel vm1, s4, v10;
	v16 =	vsel vm0, s4, v16;
	vm0 =	vgt.f32 v24, v17;
	v0 =	vld [tilespmem:s5+$0x30]  }
0x1cb: {  	v17 =	vmax.f32 v17, v24;
	v22 =	vld [tilespmem:s5+$0xFFFFFFC0];
	v5 =	vsel vm0, s4, v5;
	vm0 =	vgt.f32 v18, v6  }
0x1cc: {  	v23 =	vld [tilespmem:s5+$0xFFFFFFD0];
	v6 =	vmax.f32 v6, v18;
	v7 =	vsel vm0, s4, v7;
	vm0 =	vgt.f32 v19, v8  }
0x1cd: {  	v63 =	vld [tilespmem:s5+$0xFFFFFFE0];
	v8 =	vmax.f32 v8, v19;
	vm1 =	vgt.f32 v21, v13;
	v13 =	vmax.f32 v13, v21  }
0x1ce: {  	v18 =	vld [tilespmem:s5+$0xFFFFFFF0];
	v1 =	vsel vm0, s4, v1;
	vm0 =	vgt.f32 v20, v12;
	v12 =	vmax.f32 v12, v20  }
0x1cf: {  	s11 =	sadd.s32 $0x0, s0;
	v19 =	vld [tilespmem:s5+$0x0];
	v2 =	vsel vm1, s4, v2;
	v4 =	vsel vm0, s4, v4;
	vm0 =	vgt.f32 v0, v9  }
0x1d0: {  	v20 =	vld [tilespmem:s5+$0x10];
	vm1 =	vgt.f32 v22, v14;
	v14 =	vmax.f32 v14, v22;
	v15 =	vsel vm0, s11, v15  }
0x1d1: {  	s12 =	simm.s32 $0xB8C0;
	v21 =	vld [tilespmem:s5+$0x20];
	v10 =	vsel vm1, s11, v10;
	vm0 =	vgt.f32 v23, v11;
	v11 =	vmax.f32 v11, v23  }
0x1d2: {  	v3 =	vld [tilespmem:s12+$0x30];
	s5 =	simm.s32 $0x2;
	s4 =	simm.s32 $0x1;
	v16 =	vsel vm0, s11, v16;
	vm0 =	vgt.f32 v63, v17;
	v17 =	vmax.f32 v17, v63  }
.LBB2_30:
0x1d3: {  	p1 =	sne.s32 s5, $0xB7;
	v22 =	vld [tilespmem:s12+$0xFFFFFFC0];
	v5 =	vsel vm0, s11, v5;
	vm0 =	vgt.f32 v18, v6;
	v6 =	vmax.f32 v6, v18  }
0x1d4: {  	v23 =	vld [tilespmem:s12+$0xFFFFFFD0];
	v7 =	vsel vm0, s11, v7;
	vm0 =	vgt.f32 v19, v8;
	v8 =	vmax.f32 v8, v19  }
0x1d5: {  	v24 =	vld [tilespmem:s12+$0xFFFFFFE0];
	v1 =	vsel vm0, s11, v1;
	vm0 =	vgt.f32 v20, v12;
	v12 =	vmax.f32 v12, v20  }
.Ltmp16:
0x1d6: {  	v9 =	vmax.f32 v9, v0;
	v18 =	vld [tilespmem:s12+$0xFFFFFFF0];
	vm1 =	vgt.f32 v21, v13;
	v13 =	vmax.f32 v13, v21;
	(pc) =	sbr.rel @p1 .LBB2_30-.Ltmp16, $4  }
0x1d7: {  	v4 =	vsel vm0, s11, v4;
	v19 =	vld [tilespmem:s12+$0x0];
	vm2 =	vgt.f32 v3, v9;
	v2 =	vsel vm1, s11, v2;
	s11 =	sadd.s32 s4, s0;
	v0 =	vmovc v3;
	s4 =	smov.u32 s5  }
0x1d8: {  	vm0 =	vgt.f32 v22, v14;
	v14 =	vmax.f32 v14, v22;
	v20 =	vld [tilespmem:s12+$0x10];
	v15 =	vsel vm2, s11, v15  }
0x1d9: {  	v10 =	vsel vm0, s11, v10;
	vm0 =	vgt.f32 v23, v11;
	v11 =	vmax.f32 v11, v23;
	v21 =	vld [tilespmem:s12+$0x20];
	s12 =	sadd.s32 $0x80, s12  }
0x1da: {  	s5 =	sadd.s32 $0x1, s5;
	v3 =	vld [tilespmem:s12+$0x30];
	v16 =	vsel vm0, s11, v16;
	vm0 =	vgt.f32 v24, v17;
	v17 =	vmax.f32 v17, v24  }
0x1db: {  	v22 =	vld [tilespmem:s12+$0xFFFFFFC0]  }
0x1dc: {  	v23 =	vld [tilespmem:s12+$0xFFFFFFD0]  }
0x1dd: {  	v24 =	vld [tilespmem:s12+$0xFFFFFFE0];
	v5 =	vsel vm0, s11, v5;
	vm0 =	vgt.f32 v18, v6;
	v6 =	vmax.f32 v6, v18  }
0x1de: {  	v18 =	vld [tilespmem:s12+$0xFFFFFFF0];
	v9 =	vmax.f32 v9, v0;
	v7 =	vsel vm0, s11, v7;
	vm0 =	vgt.f32 v19, v8  }
0x1df: {  	v8 =	vmax.f32 v8, v19;
	v19 =	vld [tilespmem:s12+$0x0];
	vm1 =	vgt.f32 v20, v12;
	v12 =	vmax.f32 v12, v20  }
0x1e0: {  	v20 =	vld [tilespmem:s12+$0x10];
	v1 =	vsel vm0, s11, v1;
	vm2 =	vgt.f32 v21, v13;
	v13 =	vmax.f32 v13, v21  }
0x1e1: {  	v21 =	vld [tilespmem:s12+$0x20];
	v4 =	vsel vm1, s11, v4;
	_ =	swait.ge [sflag:s8], $0x5C00;
	vm0 =	vgt.f32 v3, v9;
	v2 =	vsel vm2, s11, v2  }
0x1e2: {  	s4 =	sadd.s32 s4, s0;
	[sflag:s8] =	ssyncset.done $0x0;
	v9 =	vmax.f32 v9, v3;
	vm1 =	vgt.f32 v22, v14;
	v14 =	vmax.f32 v14, v22  }
0x1e3: {  	s5 =	simm.s32 $0x11440;
	v15 =	vsel vm0, s4, v15;
	vm0 =	vgt.f32 v23, v11;
	v11 =	vmax.f32 v11, v23;
	[sflag:s8] =	ssyncadd.s32 $0xFFFFA400  }
0x1e4: {  	v10 =	vsel vm1, s4, v10;
	v16 =	vsel vm0, s4, v16;
	vm0 =	vgt.f32 v24, v17;
	v0 =	vld [tilespmem:s5+$0x30]  }
0x1e5: {  	v17 =	vmax.f32 v17, v24;
	v22 =	vld [tilespmem:s5+$0xFFFFFFC0];
	v5 =	vsel vm0, s4, v5;
	vm0 =	vgt.f32 v18, v6  }
0x1e6: {  	v23 =	vld [tilespmem:s5+$0xFFFFFFD0];
	v6 =	vmax.f32 v6, v18;
	v7 =	vsel vm0, s4, v7;
	vm0 =	vgt.f32 v19, v8  }
0x1e7: {  	v63 =	vld [tilespmem:s5+$0xFFFFFFE0];
	v8 =	vmax.f32 v8, v19;
	vm1 =	vgt.f32 v21, v13;
	v13 =	vmax.f32 v13, v21  }
0x1e8: {  	v18 =	vld [tilespmem:s5+$0xFFFFFFF0];
	v1 =	vsel vm0, s4, v1;
	vm0 =	vgt.f32 v20, v12;
	v12 =	vmax.f32 v12, v20  }
0x1e9: {  	s11 =	sadd.s32 $0x0, s1;
	v19 =	vld [tilespmem:s5+$0x0];
	v2 =	vsel vm1, s4, v2;
	v3 =	vsel vm0, s4, v4;
	vm0 =	vgt.f32 v0, v9  }
0x1ea: {  	v20 =	vld [tilespmem:s5+$0x10];
	vm1 =	vgt.f32 v22, v14;
	v14 =	vmax.f32 v14, v22;
	v15 =	vsel vm0, s11, v15  }
0x1eb: {  	s12 =	simm.s32 $0x114C0;
	v21 =	vld [tilespmem:s5+$0x20];
	v10 =	vsel vm1, s11, v10;
	vm0 =	vgt.f32 v23, v11;
	v11 =	vmax.f32 v11, v23  }
0x1ec: {  	s5 =	simm.s32 $0x2;
	s4 =	simm.s32 $0x1;
	v4 =	vld [tilespmem:s12+$0x30];
	v16 =	vsel vm0, s11, v16;
	vm0 =	vgt.f32 v63, v17;
	v17 =	vmax.f32 v17, v63  }
.LBB2_32:
0x1ed: {  	p1 =	sne.s32 s5, $0xB7;
	v22 =	vld [tilespmem:s12+$0xFFFFFFC0];
	v5 =	vsel vm0, s11, v5;
	vm0 =	vgt.f32 v18, v6;
	v6 =	vmax.f32 v6, v18  }
0x1ee: {  	v23 =	vld [tilespmem:s12+$0xFFFFFFD0];
	v7 =	vsel vm0, s11, v7;
	vm0 =	vgt.f32 v19, v8;
	v8 =	vmax.f32 v8, v19  }
0x1ef: {  	v24 =	vld [tilespmem:s12+$0xFFFFFFE0];
	v1 =	vsel vm0, s11, v1;
	vm0 =	vgt.f32 v20, v12;
	v12 =	vmax.f32 v12, v20  }
.Ltmp17:
0x1f0: {  	v9 =	vmax.f32 v9, v0;
	v18 =	vld [tilespmem:s12+$0xFFFFFFF0];
	vm1 =	vgt.f32 v21, v13;
	v13 =	vmax.f32 v13, v21;
	(pc) =	sbr.rel @p1 .LBB2_32-.Ltmp17, $4  }
0x1f1: {  	v3 =	vsel vm0, s11, v3;
	v19 =	vld [tilespmem:s12+$0x0];
	vm2 =	vgt.f32 v4, v9;
	v2 =	vsel vm1, s11, v2;
	s11 =	sadd.s32 s4, s1;
	v0 =	vmovc v4;
	s4 =	smov.u32 s5  }
0x1f2: {  	vm0 =	vgt.f32 v22, v14;
	v14 =	vmax.f32 v14, v22;
	v20 =	vld [tilespmem:s12+$0x10];
	v15 =	vsel vm2, s11, v15  }
0x1f3: {  	v10 =	vsel vm0, s11, v10;
	vm0 =	vgt.f32 v23, v11;
	v11 =	vmax.f32 v11, v23;
	v21 =	vld [tilespmem:s12+$0x20];
	s12 =	sadd.s32 $0x80, s12  }
0x1f4: {  	s5 =	sadd.s32 $0x1, s5;
	v4 =	vld [tilespmem:s12+$0x30];
	v16 =	vsel vm0, s11, v16;
	vm0 =	vgt.f32 v24, v17;
	v17 =	vmax.f32 v17, v24  }
0x1f5: {  	v22 =	vld [tilespmem:s12+$0xFFFFFFC0]  }
0x1f6: {  	v23 =	vld [tilespmem:s12+$0xFFFFFFD0]  }
0x1f7: {  	v24 =	vld [tilespmem:s12+$0xFFFFFFE0]  }
0x1f8: {  	v5 =	vsel vm0, s11, v5;
	vm0 =	vgt.f32 v18, v6;
	v6 =	vmax.f32 v6, v18;
	v18 =	vld [tilespmem:s12+$0xFFFFFFF0]  }
0x1f9: {  	v25 =	vld [tilespmem:s12+$0x20];
	v7 =	vsel vm0, s11, v7;
	vm0 =	vgt.f32 v19, v8;
	v8 =	vmax.f32 v8, v19  }
0x1fa: {  	v19 =	vld [tilespmem:s12+$0x0];
	vm1 =	vgt.f32 v20, v12;
	v12 =	vmax.f32 v12, v20;
	v1 =	vsel vm0, s11, v1  }
0x1fb: {  	v20 =	vld [tilespmem:s12+$0x10];
	_ =	swait.ge [sflag:s22], $0x5C00;
	vm2 =	vgt.f32 v21, v13;
	v13 =	vmax.f32 v13, v21;
	v21 =	vmax.f32 v9, v0  }
0x1fc: {  	s4 =	sadd.s32 s4, s1;
	v26 =	vsel vm1, s11, v3;
	[sflag:s22] =	ssyncset.done $0x0;
	vm0 =	vgt.f32 v4, v21;
	v2 =	vsel vm2, s11, v2  }
0x1fd: {  	s5 =	simm.s32 $0x40;
	[sflag:s22] =	ssyncadd.s32 $0xFFFFA400;
	vm1 =	vgt.f32 v22, v14;
	v14 =	vmax.f32 v14, v22;
	v22 =	vsel vm0, s4, v15  }
0x1fe: {  	vm0 =	vgt.f32 v23, v11;
	v23 =	vmax.f32 v11, v23;
	v0 =	vld [tilespmem:s5+$0x30];
	v3 =	vmax.f32 v13, v25  }
0x1ff: {  	v15 =	vld [tilespmem:s5+$0xFFFFFFC0];
	v27 =	vsel vm1, s4, v10;
	v28 =	vsel vm0, s4, v16;
	vm0 =	vgt.f32 v24, v17  }
0x200: {  	v29 =	vld [tilespmem:s5+$0xFFFFFFE0];
	v24 =	vmax.f32 v17, v24;
	v11 =	vsel vm0, s4, v5;
	vm0 =	vgt.f32 v18, v6  }
0x201: {  	v9 =	vsel vm0, s4, v7;
	vm0 =	vgt.f32 v19, v8;
	v8 =	vmax.f32 v8, v19;
	v19 =	vld [tilespmem:s5+$0xFFFFFFD0]  }
0x202: {  	v10 =	vmax.f32 v6, v18;
	vm1 =	vgt.f32 v25, v13;
	v5 =	vmax.f32 v12, v20  }
0x203: {  	v16 =	vld [tilespmem:s5+$0xFFFFFFF0];
	v6 =	vsel vm0, s4, v1;
	vm0 =	vgt.f32 v20, v12;
	v1 =	vmax.f32 v21, v4  }
0x204: {  	v13 =	vld [tilespmem:s5+$0x0];
	v4 =	vsel vm1, s4, v2;
	v7 =	vsel vm0, s4, v26;
	vm0 =	vgt.f32 v0, v1  }
0x205: {  	s11 =	sadd.s32 $0x0, s2;
	vm1 =	vgt.f32 v15, v14;
	v17 =	vmax.f32 v14, v15;
	v15 =	vld [tilespmem:s5+$0x10];
	v21 =	vmax.f32 v24, v29  }
0x206: {  	v14 =	vld [tilespmem:s5+$0x20];
	s4 =	simm.s32 $0xC0;
	v2 =	vsel vm0, s11, v22;
	v18 =	vsel vm1, s11, v27;
	vm0 =	vgt.f32 v19, v23  }
0x207: {  	s12 =	simm.s32 $0x1;
	s5 =	simm.s32 $0x2;
	v12 =	vld [tilespmem:s4+$0x30];
	v19 =	vmax.f32 v23, v19;
	v20 =	vsel vm0, s11, v28;
	vm0 =	vgt.f32 v29, v24  }
.LBB2_34:
0x208: {  	p1 =	sne.s32 s5, $0xB7;
	v22 =	vld [tilespmem:s4+$0xFFFFFFC0];
	v11 =	vsel vm0, s11, v11;
	vm0 =	vgt.f32 v16, v10;
	v10 =	vmax.f32 v10, v16  }
0x209: {  	v23 =	vld [tilespmem:s4+$0xFFFFFFD0];
	v9 =	vsel vm0, s11, v9;
	vm0 =	vgt.f32 v13, v8;
	v8 =	vmax.f32 v8, v13  }
0x20a: {  	v24 =	vld [tilespmem:s4+$0xFFFFFFE0];
	v6 =	vsel vm0, s11, v6;
	vm0 =	vgt.f32 v15, v5;
	v5 =	vmax.f32 v5, v15  }
.Ltmp18:
0x20b: {  	v1 =	vmax.f32 v1, v0;
	v16 =	vld [tilespmem:s4+$0xFFFFFFF0];
	vm1 =	vgt.f32 v14, v3;
	v3 =	vmax.f32 v3, v14;
	(pc) =	sbr.rel @p1 .LBB2_34-.Ltmp18, $4  }
0x20c: {  	v7 =	vsel vm0, s11, v7;
	v13 =	vld [tilespmem:s4+$0x0];
	vm2 =	vgt.f32 v12, v1;
	v4 =	vsel vm1, s11, v4;
	s11 =	sadd.s32 s12, s2;
	v0 =	vmovc v12;
	s12 =	smov.u32 s5  }
0x20d: {  	vm0 =	vgt.f32 v22, v17;
	v17 =	vmax.f32 v17, v22;
	v15 =	vld [tilespmem:s4+$0x10];
	v2 =	vsel vm2, s11, v2  }
0x20e: {  	v18 =	vsel vm0, s11, v18;
	vm0 =	vgt.f32 v23, v19;
	v19 =	vmax.f32 v19, v23;
	v14 =	vld [tilespmem:s4+$0x20];
	s4 =	sadd.s32 $0x80, s4  }
0x20f: {  	s5 =	sadd.s32 $0x1, s5;
	v12 =	vld [tilespmem:s4+$0x30];
	v20 =	vsel vm0, s11, v20;
	vm0 =	vgt.f32 v24, v21;
	v21 =	vmax.f32 v21, v24  }
0x210: {  	v22 =	vld [tilespmem:s4+$0xFFFFFFC0]  }
0x211: {  	v23 =	vld [tilespmem:s4+$0xFFFFFFD0]  }
0x212: {  	v24 =	vld [tilespmem:s4+$0xFFFFFFE0]  }
0x213: {  	v25 =	vld [tilespmem:s4+$0xFFFFFFF0]  }
0x214: {  	v26 =	vld [tilespmem:s4+$0x0];
	v0 =	vmax.f32 v1, v0  }
0x215: {  	v27 =	vld [tilespmem:s4+$0x10];
	vm15 =	vgt.f32 v12, v0;
	v0 =	vmax.f32 v0, v12  }
0x216: {  	v52 =	vld [tilespmem:s4+$0x20];
	v51 =	vmax.f32 v17, v22;
	[tilespmem:$0x17380] =	vst v0  }
0x217: {  	v54 =	vmax.f32 v19, v23;
	[tilespmem:$0x17000] =	vst v51  }
0x218: {  	v57 =	vmax.f32 v10, v16;
	v56 =	vmax.f32 v21, v24;
	[tilespmem:$0x17080] =	vst v54  }
0x219: {  	vm7 =	vgt.f32 v16, v10;
	v58 =	vmax.f32 v8, v13;
	v10 =	vmax.f32 v57, v25;
	[tilespmem:$0x17100] =	vst v56  }
0x21a: {  	vm9 =	vgt.f32 v13, v8;
	v59 =	vmax.f32 v5, v15;
	v8 =	vmax.f32 v58, v26;
	[tilespmem:$0x17180] =	vst v10  }
0x21b: {  	vm11 =	vgt.f32 v15, v5;
	v60 =	vmax.f32 v3, v14;
	v5 =	vmax.f32 v59, v27;
	[tilespmem:$0x17200] =	vst v8  }
0x21c: {  	s5 =	sadd.s32 s12, s2;
	vm13 =	vgt.f32 v14, v3;
	v3 =	vmax.f32 v60, v52;
	[tilespmem:$0x17280] =	vst v5  }
0x21d: {  	vm1 =	vgt.f32 v22, v17;
	v63 =	vsel vm15, s5, v2;
	[tilespmem:$0x17300] =	vst v3  }
0x21e: {  	vm5 =	vgt.f32 v23, v19;
	v53 =	vsel vm1, s5, v18;
	[tilespmem:$0x17780] =	vst v63  }
0x21f: {  	v11 =	vsel vm0, s11, v11;
	vm6 =	vgt.f32 v24, v21;
	v55 =	vsel vm5, s5, v20;
	[tilespmem:$0x17400] =	vst v53  }
0x220: {  	v9 =	vsel vm7, s11, v9;
	vm8 =	vgt.f32 v25, v57;
	v11 =	vsel vm6, s5, v11;
	[tilespmem:$0x17480] =	vst v55  }
0x221: {  	v6 =	vsel vm9, s11, v6;
	vm10 =	vgt.f32 v26, v58;
	v9 =	vsel vm8, s5, v9;
	[tilespmem:$0x17500] =	vst v11  }
0x222: {  	v7 =	vsel vm11, s11, v7;
	vm12 =	vgt.f32 v27, v59;
	v6 =	vsel vm10, s5, v6;
	[tilespmem:$0x17580] =	vst v9  }
0x223: {  	v4 =	vsel vm13, s11, v4;
	vm14 =	vgt.f32 v52, v60;
	v61 =	vsel vm12, s5, v7;
	[tilespmem:$0x17600] =	vst v6  }
0x224: {  	v62 =	vsel vm14, s5, v4;
	[tilespmem:$0x17680] =	vst v61  }
0x225: {  	s12 =	simm.s32 $0x17000;
	s11 =	rddreg [dreg:$0x11];
	[tilespmem:$0x17700] =	vst v62  }
0x226: {  	[hbm4b:s11+s3] =	stream.linear.scatter [tilespmem:s12], [sflag:$0x6], $0x400, $0x38;
	[tilespmem:$0x1F980] =	vst v63  }
0x227: {  	_ =	swait.ge [sflag:s9], $0x400  }
0x228: {  	[sflag:s9] =	ssyncset.done $0x0  }
0x229: {  	s12 =	simm.s32 $0x17400;
	s11 =	rddreg [dreg:$0x12];
	[sflag:s9] =	ssyncadd.s32 $0xFFFFFC00  }
0x22a: {  	[hbm4b:s11+s3] =	stream.linear.scatter [tilespmem:s12], [sflag:$0x6], $0x400, $0x38;
	[tilespmem:$0x1F980] =	vst v63  }
.Ltmp19:
0x22b: {  	_ =	swait.ge [sflag:s9], $0x400;
	(pc) =	sbr.rel @p0 .LBB2_37-.Ltmp19, $3  }
0x22c: {  	[sflag:s9] =	ssyncset.done $0x0  }
0x22d: {  	[sflag:s9] =	ssyncadd.s32 $0xFFFFFC00  }
0x22e: {  	[bflag:$0x0] =	sbarrier.arrive $0xFFFF;
	_ =	sdelay $0x1  }
0x22f: {  	s4 =	rddreg [dreg:$0x13];
	s5 =	simm.s32 $0x17800  }
0x230: {  	[tilespmem:s5], [sflag:$0x6] =	stream.linear.gather [hbm4b:s4+s3], $0x4000, $0x38;
	[tilespmem:$0x1F980] =	vst v63  }
0x231: {  	_ =	swait.ge [sflag:s9], $0x4000  }
0x232: {  	[sflag:s9] =	ssyncset.done $0x0  }
0x233: {  	s12 =	simm.s32 $0x1B800;
	s11 =	rddreg [dreg:$0x14];
	[sflag:s9] =	ssyncadd.s32 $0xFFFFC000  }
0x234: {  	[tilespmem:s12], [sflag:$0x6] =	stream.linear.gather [hbm4b:s11+s3], $0x4000, $0x38;
	[tilespmem:$0x1F980] =	vst v63  }
0x235: {  	_ =	swait.ge [sflag:s9], $0x4000  }
0x236: {  	[sflag:s9] =	ssyncset.done $0x0  }
0x237: {  	s5 =	rddreg [dreg:$0x4];
	[sflag:s9] =	ssyncadd.s32 $0xFFFFC000  }
0x238: {  	v0 =	vld [tilespmem:s5+$0x17800]  }
0x239: {  	s11 =	rddreg [dreg:$0x1d];
	v1 =	vld [tilespmem:s5+$0x1B800]  }
0x23a: {  	v2 =	vld [tilespmem:s11+$0x17800]  }
0x23b: {  	v3 =	vld [tilespmem:s11+$0x1B800];
	_ =	sdelay $0x1  }
0x23c: {  	s12 =	rddreg [dreg:$0x1e]  }
0x23d: {  	v4 =	vld [tilespmem:s12+$0x17800]  }
0x23e: {  	v5 =	vld [tilespmem:s12+$0x1B800]  }
0x23f: {  	vm0 =	veq.f32 v2, v0;
	vm1 =	vlt.s32 v3, v1  }
0x240: {  	s5 =	rddreg [dreg:$0x1f];
	vm10 =	vgt.f32 v2, v0;
	vm0 =	vmand vm0, vm1  }
0x241: {  	v6 =	vld [tilespmem:s5+$0x17800];
	vm0 =	vmor vm10, vm0  }
0x242: {  	s11 =	sld [smem:$0x7F2];
	v39 =	vld [tilespmem:s5+$0x1B800];
	v0 =	vsel vm0, v2, v0;
	v1 =	vsel vm0, v3, v1  }
0x243: {  	vm11 =	veq.f32 v4, v0;
	vm12 =	vlt.s32 v5, v1  }
0x244: {  	vm13 =	vgt.f32 v4, v0;
	vm0 =	vmand vm11, vm12  }
0x245: {  	v40 =	vld [tilespmem:s11+$0x17800];
	vm0 =	vmor vm13, vm0  }
0x246: {  	s12 =	sld [smem:$0x7F3];
	v41 =	vld [tilespmem:s11+$0x1B800];
	v0 =	vsel vm0, v4, v0;
	v1 =	vsel vm0, v5, v1  }
0x247: {  	vm14 =	veq.f32 v6, v0;
	vm15 =	vlt.s32 v39, v1  }
0x248: {  	vm4 =	vgt.f32 v6, v0;
	vm0 =	vmand vm14, vm15  }
0x249: {  	v42 =	vld [tilespmem:s12+$0x17800];
	vm0 =	vmor vm4, vm0  }
0x24a: {  	s5 =	sld [smem:$0x7F4];
	v43 =	vld [tilespmem:s12+$0x1B800];
	v0 =	vsel vm0, v6, v0;
	v1 =	vsel vm0, v39, v1  }
0x24b: {  	vm5 =	veq.f32 v40, v0;
	vm6 =	vlt.s32 v41, v1  }
0x24c: {  	vm7 =	vgt.f32 v40, v0;
	vm0 =	vmand vm5, vm6  }
0x24d: {  	v44 =	vld [tilespmem:s5+$0x17800];
	vm0 =	vmor vm7, vm0  }
0x24e: {  	s11 =	sld [smem:$0x7F5];
	v45 =	vld [tilespmem:s5+$0x1B800];
	v0 =	vsel vm0, v40, v0;
	v1 =	vsel vm0, v41, v1  }
0x24f: {  	vm8 =	veq.f32 v42, v0;
	vm9 =	vlt.s32 v43, v1  }
0x250: {  	vm10 =	vgt.f32 v42, v0;
	vm0 =	vmand vm8, vm9  }
0x251: {  	v46 =	vld [tilespmem:s11+$0x17800];
	vm0 =	vmor vm10, vm0  }
0x252: {  	s12 =	sld [smem:$0x7F6];
	v47 =	vld [tilespmem:s11+$0x1B800];
	v0 =	vsel vm0, v42, v0;
	v1 =	vsel vm0, v43, v1  }
0x253: {  	vm11 =	veq.f32 v44, v0;
	vm12 =	vlt.s32 v45, v1  }
0x254: {  	vm13 =	vgt.f32 v44, v0;
	vm0 =	vmand vm11, vm12  }
0x255: {  	v48 =	vld [tilespmem:s12+$0x17800];
	vm0 =	vmor vm13, vm0  }
0x256: {  	s5 =	sld [smem:$0x7F7];
	v49 =	vld [tilespmem:s12+$0x1B800];
	v0 =	vsel vm0, v44, v0;
	v1 =	vsel vm0, v45, v1  }
0x257: {  	vm14 =	veq.f32 v46, v0;
	vm15 =	vlt.s32 v47, v1  }
0x258: {  	vm4 =	vgt.f32 v46, v0;
	vm0 =	vmand vm14, vm15  }
0x259: {  	v50 =	vld [tilespmem:s5+$0x17800];
	vm0 =	vmor vm4, vm0  }
0x25a: {  	s11 =	sld [smem:$0x7F8];
	v51 =	vld [tilespmem:s5+$0x1B800];
	v0 =	vsel vm0, v46, v0;
	v1 =	vsel vm0, v47, v1  }
0x25b: {  	vm5 =	veq.f32 v48, v0;
	vm6 =	vlt.s32 v49, v1  }
0x25c: {  	vm7 =	vgt.f32 v48, v0;
	vm0 =	vmand vm5, vm6  }
0x25d: {  	v52 =	vld [tilespmem:s11+$0x17800];
	vm0 =	vmor vm7, vm0  }
0x25e: {  	s12 =	sld [smem:$0x7F9];
	v53 =	vld [tilespmem:s11+$0x1B800];
	v0 =	vsel vm0, v48, v0;
	v1 =	vsel vm0, v49, v1  }
0x25f: {  	vm8 =	veq.f32 v50, v0;
	vm9 =	vlt.s32 v51, v1  }
0x260: {  	vm10 =	vgt.f32 v50, v0;
	vm0 =	vmand vm8, vm9  }
0x261: {  	v54 =	vld [tilespmem:s12+$0x17800];
	vm0 =	vmor vm10, vm0  }
0x262: {  	s5 =	sld [smem:$0x7FA];
	v55 =	vld [tilespmem:s12+$0x1B800];
	v0 =	vsel vm0, v50, v0;
	v1 =	vsel vm0, v51, v1  }
0x263: {  	vm11 =	veq.f32 v52, v0;
	vm12 =	vlt.s32 v53, v1  }
0x264: {  	vm13 =	vgt.f32 v52, v0;
	vm0 =	vmand vm11, vm12  }
0x265: {  	v56 =	vld [tilespmem:s5+$0x17800];
	vm0 =	vmor vm13, vm0  }
0x266: {  	s11 =	sld [smem:$0x7FB];
	v57 =	vld [tilespmem:s5+$0x1B800];
	v0 =	vsel vm0, v52, v0;
	v1 =	vsel vm0, v53, v1  }
0x267: {  	vm14 =	veq.f32 v54, v0;
	vm15 =	vlt.s32 v55, v1  }
0x268: {  	vm4 =	vgt.f32 v54, v0;
	vm0 =	vmand vm14, vm15  }
0x269: {  	v58 =	vld [tilespmem:s11+$0x17800];
	vm0 =	vmor vm4, vm0  }
0x26a: {  	s12 =	sld [smem:$0x7FC];
	v59 =	vld [tilespmem:s11+$0x1B800];
	v0 =	vsel vm0, v54, v0;
	v1 =	vsel vm0, v55, v1  }
0x26b: {  	vm5 =	veq.f32 v56, v0;
	vm6 =	vlt.s32 v57, v1  }
0x26c: {  	vm7 =	vgt.f32 v56, v0;
	vm0 =	vmand vm5, vm6  }
0x26d: {  	v60 =	vld [tilespmem:s12+$0x17800];
	vm0 =	vmor vm7, vm0  }
0x26e: {  	s5 =	sld [smem:$0x7FD];
	v61 =	vld [tilespmem:s12+$0x1B800];
	v0 =	vsel vm0, v56, v0;
	v1 =	vsel vm0, v57, v1  }
0x26f: {  	vm8 =	veq.f32 v58, v0;
	vm9 =	vlt.s32 v59, v1  }
0x270: {  	vm10 =	vgt.f32 v58, v0;
	vm0 =	vmand vm8, vm9  }
0x271: {  	v62 =	vld [tilespmem:s5+$0x17800];
	vm0 =	vmor vm10, vm0  }
0x272: {  	v63 =	vld [tilespmem:s5+$0x1B800];
	v0 =	vsel vm0, v58, v0;
	v1 =	vsel vm0, v59, v1  }
0x273: {  	vm11 =	veq.f32 v60, v0;
	vm12 =	vlt.s32 v61, v1  }
0x274: {  	vm13 =	vgt.f32 v60, v0;
	vm0 =	vmand vm11, vm12  }
0x275: {  	vm0 =	vmor vm13, vm0  }
0x276: {  	v0 =	vsel vm0, v60, v0;
	v1 =	vsel vm0, v61, v1  }
0x277: {  	vm14 =	veq.f32 v62, v0;
	vm15 =	vlt.s32 v63, v1  }
0x278: {  	vm2 =	vgt.f32 v62, v0;
	vm0 =	vmand vm14, vm15  }
0x279: {  	vm0 =	vmor vm2, vm0  }
0x27a: {  	v1 =	vsel vm0, v63, v1  }
0x27b: {  	s4 =	rddreg [dreg:$0x1];
	v0 =	vsel vm0, v62, v0;
	[tilespmem:$0x1F800] =	vst v1  }
0x27c: {  	s11 =	simm.s32 $0x1F800;
	s12 =	simm.s32 $0x1F880;
	s5 =	simm.s32 $0x10;
	[tilespmem:$0x1F900] =	vst v0  }
0x27d: {  	[tilespmem:s12], [sflag:$0x5] =	stream.indirect.gather [hbm4b:s4+s5], $0x1, s11, s5, $0xb8;
	[tilespmem:$0x1F980] =	vst v63  }
0x27e: {  	s11 =	simm.s32 $0x5  }
0x27f: {  	_ =	swait.ge [sflag:s11], $0x10  }
0x280: {  	[sflag:s11] =	ssyncset.done $0x0  }
0x281: {  	s5 =	rddreg [dreg:$0x16];
	[sflag:s11] =	ssyncadd.s32 $0xFFFFFFF0;
	s11 =	simm.s32 $0x1F900  }
0x282: {  	[hbm4b:s5+s3] =	stream.linear.scatter [tilespmem:s11], [sflag:$0x6], $0x80, $0x38;
	[tilespmem:$0x1F980] =	vst v63  }
0x283: {  	_ =	swait.ge [sflag:s9], $0x80  }
0x284: {  	[sflag:s9] =	ssyncset.done $0x0  }
.Ltmp20:
0x285: {  	s11 =	rddreg [dreg:$0x17];
	[sflag:s9] =	ssyncadd.s32 $0xFFFFFF80;
	(pc) =	sbr.rel .LBB2_37-.Ltmp20, $4  }
0x286: {  	[hbm4b:s11+s3] =	stream.linear.scatter [tilespmem:s12], [sflag:$0x6], $0x80, $0x38;
	[tilespmem:$0x1F980] =	vst v63  }
0x287: {  	_ =	swait.ge [sflag:s9], $0x80  }
0x288: {  	[sflag:s9] =	ssyncset.done $0x0  }
0x289: {  	[sflag:s9] =	ssyncadd.s32 $0xFFFFFF80  }
.LBB2_38:
0x28a: {  	_ =	sfence.sel $0x180000  }
0x28b: {  	[bflag:$0x0] =	sbarrier.arrive $0xFFFF  }
0x28c: {  	_ =	strace $0x90000047  }
0x28d: {  	s0 =	stileid.u32;
	[bflag:$0x2] =	sbarrier.arrive $0xFFFF  }
0x28e: {  	p0 =	sne.s32 s0, $0x0;
	s0 =	rddreg [dreg:$0x3]  }
0x28f: {  	s0 =	sadd.s32 @!p0 $0x100000, s0  }
0x290: {  	[sflag:s0] =	ssyncadd.tile.s32 @!p0 $0x1;
	_ =	shalt  }
.Lfunc_end2:
_tile_overlayer_lowered:
.L_overlay_start_2:
0x291: {  	(tag) =	ssettag $0x2  }
0x292: {  	s0 =	rddreg [dreg:$0x0];
	s2 =	stileid.u32  }
0x293: {  	s1 =	rddreg [dreg:$0x1];
	p0 =	sne.s32 s2, $0x0  }
0x294: {  	s3 =	rddreg [dreg:$0x2];
	[bflag:$0x3] =	sbarrier.arrive $0xFFFF;
	s2 =	simm.s32 @!p0 $0x1C06  }
0x295: {  	[timem:s3], [sflag:s2] =	dma.local @!p0 [hbm:s0], s1  }
0x296: {  	s0 =	simm.s32 @!p0 $0x6  }
0x297: {  	_ =	swait.ge @!p0 [sflag:s0], s1  }
0x298: {  	s1 =	ssub.s32 @!p0 $0x0, s1;
	[sflag:s0] =	ssyncset.done @!p0 $0x0  }
0x299: {  	[sflag:s0] =	ssyncadd.s32 @!p0 s1  }
0x29a: {  	[bflag:$0x3] =	sbarrier.arrive $0xFFFF  }
0x29b: {  	_ =	shalt  }

</sc_bundles>
